<compile_context>
chip_gen: v7x
topology: tpu7x:2x2x1
jax: 0.10.2.dev20260603
libtpu: 0.0.44.dev20260713+nightly
codegen_flags: <defaults>
</compile_context>

<pallas_src>
import functools

import jax
import jax.numpy as jnp
from jax import lax
from jax.experimental import pallas as pl
from jax.experimental.pallas import tpu as pltpu
import jax.experimental.pallas.tpu_sc as plsc

DIM = 768
HEADS = 8
K = 8192
DHEAD = 96
DMEM = 96
B = 8
N = 576

HPAD = 128
KBLK = 4096
KSTEPS = K // KBLK
LANES = 128
SUBTILES = KBLK // LANES

NWORKERS = 32
ROWS_TOTAL = B * N * HEADS
ROWS_PER_W = ROWS_TOTAL // NWORKERS
IDX_CHUNK = 128
NCHUNKS = ROWS_PER_W // IDX_CHUNK


def _prep_body(cb_ref, x_ref, cbaug_ref, xaug_ref):
    cb = cb_ref[0]
    e2 = jnp.sum(cb * cb, axis=1, keepdims=True)
    hi = e2.astype(jnp.bfloat16)
    r1 = e2 - hi.astype(jnp.float32)
    mid = r1.astype(jnp.bfloat16)
    lo = (r1 - mid.astype(jnp.float32)).astype(jnp.bfloat16)
    zpad = jnp.zeros((K, HPAD - DHEAD - 3), jnp.bfloat16)
    cbaug_ref[0] = jnp.concatenate(
        [cb.astype(jnp.bfloat16), hi, mid, lo, zpad], axis=1)

    xb = (-2.0 * x_ref[0]).astype(jnp.bfloat16)
    ones3 = jnp.ones((N, 3), jnp.bfloat16)
    zx = jnp.zeros((N, HPAD - DHEAD - 3), jnp.bfloat16)
    parts = []
    for h in range(HEADS):
        parts += [xb[:, h * DHEAD:(h + 1) * DHEAD], ones3, zx]
    xaug_ref[0] = jnp.concatenate(parts, axis=1)


def _prep(codebook, x):
    return pl.pallas_call(
        _prep_body,
        grid=(HEADS,),
        in_specs=[
            pl.BlockSpec((1, K, DHEAD), lambda g: (g, 0, 0)),
            pl.BlockSpec((1, N, DIM), lambda g: (g, 0, 0)),
        ],
        out_specs=[
            pl.BlockSpec((1, K, HPAD), lambda g: (g, 0, 0)),
            pl.BlockSpec((1, N, HEADS * HPAD), lambda g: (g, 0, 0)),
        ],
        out_shape=[
            jax.ShapeDtypeStruct((HEADS, K, HPAD), jnp.bfloat16),
            jax.ShapeDtypeStruct((B, N, HEADS * HPAD), jnp.bfloat16),
        ],
    )(codebook, x)


def _argmin_body(x_ref, cb_ref, idx_ref, val_scr, idx_scr):
    k = pl.program_id(1)

    @pl.when(k == 0)
    def _init():
        val_scr[...] = jnp.full((HEADS, N, LANES), jnp.inf, jnp.float32)
        idx_scr[...] = jnp.zeros((HEADS, N, LANES), jnp.int32)

    lane_iota = lax.broadcasted_iota(jnp.int32, (N, LANES), 1)
    for h in range(HEADS):
        xh = x_ref[0, :, h * HPAD:(h + 1) * HPAD]
        cbh = cb_ref[h]
        scores = lax.dot_general(xh, cbh, (((1,), (1,)), ((), ())),
                                 preferred_element_type=jnp.float32)
        run_val = val_scr[h]
        run_idx = idx_scr[h]
        for j in range(SUBTILES):
            sj = scores[:, j * LANES:(j + 1) * LANES]
            cand = lane_iota + (k * KBLK + j * LANES)
            better = sj < run_val
            run_val = jnp.minimum(sj, run_val)
            run_idx = jnp.where(better, cand, run_idx)
        val_scr[h] = run_val
        idx_scr[h] = run_idx

    @pl.when(k == KSTEPS - 1)
    def _final():
        big = jnp.int32(1 << 30)
        cols = []
        for h in range(HEADS):
            run_val = val_scr[h]
            run_idx = idx_scr[h]
            rowmin = jnp.min(run_val, axis=1, keepdims=True)
            best = jnp.min(jnp.where(run_val == rowmin, run_idx, big),
                           axis=1, keepdims=True)
            cols.append(best + h * K)
        idx_ref[0] = jnp.concatenate(cols, axis=1)


def _compute_indices(xaug, cbaug):
    return pl.pallas_call(
        _argmin_body,
        grid=(B, KSTEPS),
        in_specs=[
            pl.BlockSpec((1, N, HEADS * HPAD), lambda b, k: (b, 0, 0)),
            pl.BlockSpec((HEADS, KBLK, HPAD), lambda b, k: (0, k, 0)),
        ],
        out_specs=pl.BlockSpec((1, N, HEADS), lambda b, k: (b, 0, 0)),
        out_shape=jax.ShapeDtypeStruct((B, N, HEADS), jnp.int32),
        scratch_shapes=[
            pltpu.VMEM((HEADS, N, LANES), jnp.float32),
            pltpu.VMEM((HEADS, N, LANES), jnp.int32),
        ],
        compiler_params=pltpu.CompilerParams(vmem_limit_bytes=100 * 1024 * 1024),
    )(xaug, cbaug)


def _gather_body(table_hbm, idx_hbm, out_hbm, idx_v, rows_v, sem):
    wid = lax.axis_index("s") * 2 + lax.axis_index("c")
    pltpu.sync_copy(idx_hbm.at[wid], idx_v)
    copies = []
    for j in range(NCHUNKS):
        copies.append(pltpu.async_copy(
            table_hbm.at[idx_v.at[j]],
            rows_v.at[pl.ds(j * IDX_CHUNK, IDX_CHUNK)],
            sem))
    for c in copies:
        c.wait()
    pltpu.sync_copy(rows_v, out_hbm.at[pl.ds(wid * ROWS_PER_W, ROWS_PER_W)])


@functools.cache
def _gather_rows_kernel():
    return pl.kernel(
        _gather_body,
        out_type=jax.ShapeDtypeStruct((ROWS_TOTAL, DMEM), jnp.float32),
        mesh=plsc.VectorSubcoreMesh(core_axis_name="c", subcore_axis_name="s",
                                    num_cores=2, num_subcores=16),
        scratch_types=[
            pltpu.VMEM((NCHUNKS, IDX_CHUNK), jnp.int32),
            pltpu.VMEM((ROWS_PER_W, DMEM), jnp.float32),
            pltpu.SemaphoreType.DMA,
        ],
        compiler_params=pltpu.CompilerParams(use_tc_tiling_on_sc=False),
    )


def kernel(x, codebook, values):
    cbaug, xaug = _prep(codebook, x)
    idx = _compute_indices(xaug, cbaug)
    idx3 = idx.reshape(NWORKERS, NCHUNKS, IDX_CHUNK)
    table = values.reshape(HEADS * K, DMEM)
    rows = _gather_rows_kernel()(table, idx3)
    return rows.reshape(B, N, HEADS * DMEM)

# --- scband reference (transcript-rebuilt; emitter-appended) ---
"""Pipeline reference for scband-discrete-key-value-bottleneck-23880018165995 (READ-ONLY COPY).

The authoritative reference and input builder live on the scoring server;
editing this copy changes nothing except your own understanding.
"""

import jax, jax.numpy as jnp
import numpy as np

DIM = 768
HEADS = 8
NUM_MEMORIES = 8192
DHEAD = DIM // HEADS  # 96, per-head codebook dim
DMEM = 96             # dim_memory
B = 8
N = 576


def setup_inputs(seed: int = 0) -> dict:
    key = jax.random.key(seed)
    k1, k2, k3 = jax.random.split(key, 3)
    x = jax.random.normal(k1, (B, N, DIM), dtype=jnp.float32)
    # VectorQuantize codebook: separate codebook per head -> [heads, K, dhead]
    codebook = jax.random.normal(k2, (HEADS, NUM_MEMORIES, DHEAD), dtype=jnp.float32)
    # self.values parameter: [num_memory_codebooks, num_memories, dim_memory]
    values = jax.random.normal(k3, (HEADS, NUM_MEMORIES, DMEM), dtype=jnp.float32)
    return {"x": x, "codebook": codebook, "values": values}


def reference(x, codebook, values):
    b, n, dim = x.shape
    h, K, dhead = codebook.shape
    # --- VectorQuantize forward (euclidean codebook, heads>1, separate codebook per head) ---
    # split heads: 'b n (h d) -> b h n d'
    xh = x.reshape(b, n, h, dhead).transpose(0, 2, 1, 3)
    # squared euclidean distance to each code: ||x||^2 - 2 x.e + ||e||^2
    x2 = jnp.sum(xh * xh, axis=-1, keepdims=True)            # [b, h, n, 1]
    e2 = jnp.sum(codebook * codebook, axis=-1)               # [h, K]
    xe = jnp.einsum('bhnd,hkd->bhnk', xh, codebook)          # [b, h, n, K]
    dist = x2 - 2.0 * xe + e2[None, :, None, :]              # [b, h, n, K]
    memory_indices = jnp.argmin(dist, axis=-1)               # [b, h, n]  (vq returns 'b n h'; module rearranges to 'b h n')
    # --- gather value memories: values[h, idx] ---
    head_ids = jnp.arange(h)[None, :, None]                  # [1, h, 1]
    memories = values[head_ids, memory_indices]              # [b, h, n, dmem]
    # rearrange 'b h n d -> b n (h d)'
    out = memories.transpose(0, 2, 1, 3).reshape(b, n, h * values.shape[-1])
    return out


if False:  # reference __main__ guard neutralized (emitter)
    inp = setup_inputs()
    out = reference(**inp)
    print(out.shape)

if __name__ == "__main__":
    import jax
    _d = setup_inputs()
    print(jax.jit(kernel)(*tuple(_d.values())))

</pallas_src>

<mosaic_0001>
#map = affine_map<(d0, d1) -> (0, 0)>
#map1 = affine_map<(d0, d1) -> (0, 0, 0)>
module attributes {stable_mosaic.version = 14 : i64} {
  func.func @_gather_body(%arg0: i32, %arg1: i32, %arg2: memref<65536x96xf32, #tpu.memory_space<hbm>>, %arg3: memref<32x9x128xi32, #tpu.memory_space<hbm>>, %arg4: memref<36864x96xf32, #tpu.memory_space<hbm>>, %arg5: memref<9x128xi32, #tpu.memory_space<vmem>>, %arg6: memref<1152x96xf32, #tpu.memory_space<vmem>>, %arg7: memref<!tpu.dma_semaphore, #tpu.memory_space<semaphore_mem>>) attributes {dimension_semantics = [#tpu.dimension_semantics<core_parallel>, #tpu.dimension_semantics<subcore_parallel>], iteration_bounds = array<i64: 2, 16>, scalar_prefetch = 0 : i64, scratch_operands = 3 : i64, tpu.core_type = #tpu.core_type<sc_vector_subcore>, window_params = [{transform_indices = #map}, {transform_indices = #map1}, {transform_indices = #map}]} {
    %mul3A = arith.constant 2 : i32
    %mul3A_0 = arith.muli %arg1, %mul3A : i32
    %add3A = arith.addi %mul3A_0, %arg0 : i32
    "tpu.region"() ({
      %run_scoped3A = tpu.sem_alloc : memref<!tpu.dma_semaphore, #tpu.memory_space<semaphore_mem>>
      %dma_start3A_181 = arith.constant 0 : i32
      %dma_start3A_182 = arith.constant 0 : i32
      %dma_start3A_183 = tpu.memref_slice %arg3[%add3A, %dma_start3A_181, %dma_start3A_182] : memref<32x9x128xi32, #tpu.memory_space<hbm>> -> memref<1x9x128xi32, #tpu.memory_space<hbm>>
      %dma_start3A_184 = tpu.memref_squeeze %dma_start3A_183 : memref<1x9x128xi32, #tpu.memory_space<hbm>> -> memref<9x128xi32, #tpu.memory_space<hbm>>
      %dma_start3A_185 = arith.constant 0 : i32
      %dma_start3A_186 = arith.constant 0 : i32
      %dma_start3A_187 = tpu.memref_slice %arg3[%add3A, %dma_start3A_185, %dma_start3A_186] : memref<32x9x128xi32, #tpu.memory_space<hbm>> -> memref<1x9x128xi32, #tpu.memory_space<hbm>>
      %dma_start3A_188 = tpu.memref_squeeze %dma_start3A_187 : memref<1x9x128xi32, #tpu.memory_space<hbm>> -> memref<9x128xi32, #tpu.memory_space<hbm>>
      tpu.enqueue_dma source(%dma_start3A_188 : memref<9x128xi32, #tpu.memory_space<hbm>>) target(%arg5 : memref<9x128xi32, #tpu.memory_space<vmem>>) target_semaphore(%run_scoped3A : memref<!tpu.dma_semaphore, #tpu.memory_space<semaphore_mem>>)
      %dma_wait3A_189 = arith.constant 0 : i32
      %dma_wait3A_190 = arith.constant 0 : i32
      %dma_wait3A_191 = tpu.memref_slice %arg3[%add3A, %dma_wait3A_189, %dma_wait3A_190] : memref<32x9x128xi32, #tpu.memory_space<hbm>> -> memref<1x9x128xi32, #tpu.memory_space<hbm>>
      %dma_wait3A_192 = tpu.memref_squeeze %dma_wait3A_191 : memref<1x9x128xi32, #tpu.memory_space<hbm>> -> memref<9x128xi32, #tpu.memory_space<hbm>>
      %dma_wait3A_193 = arith.constant 0 : i32
      %dma_wait3A_194 = arith.constant 0 : i32
      %dma_wait3A_195 = tpu.memref_slice %arg3[%add3A, %dma_wait3A_193, %dma_wait3A_194] : memref<32x9x128xi32, #tpu.memory_space<hbm>> -> memref<1x9x128xi32, #tpu.memory_space<hbm>>
      %dma_wait3A_196 = tpu.memref_squeeze %dma_wait3A_195 : memref<1x9x128xi32, #tpu.memory_space<hbm>> -> memref<9x128xi32, #tpu.memory_space<hbm>>
      tpu.wait_dma2 semaphore(%run_scoped3A : memref<!tpu.dma_semaphore, #tpu.memory_space<semaphore_mem>>) src(%dma_wait3A_196 : memref<9x128xi32, #tpu.memory_space<hbm>>) dst(%arg5 : memref<9x128xi32, #tpu.memory_space<vmem>>)
      tpu.yield
    }) : () -> ()
    %dma_start3A = arith.constant 0 : i32
    %dma_start3A_1 = arith.constant 0 : i32
    %dma_start3A_2 = arith.constant 0 : i32
    %dma_start3A_3 = tpu.memref_slice %arg6[%dma_start3A_1, %dma_start3A_2] : memref<1152x96xf32, #tpu.memory_space<vmem>> -> memref<128x96xf32, #tpu.memory_space<vmem>>
    %dma_start3A_4 = arith.constant 0 : i32
    %dma_start3A_5 = tpu.memref_slice %arg5[%dma_start3A, %dma_start3A_4] : memref<9x128xi32, #tpu.memory_space<vmem>> -> memref<1x128xi32, #tpu.memory_space<vmem>>
    %dma_start3A_6 = tpu.memref_squeeze %dma_start3A_5 : memref<1x128xi32, #tpu.memory_space<vmem>> -> memref<128xi32, #tpu.memory_space<vmem>>
    %dma_start3A_7 = arith.constant 0 : i32
    %dma_start3A_8 = arith.constant 0 : i32
    %dma_start3A_9 = tpu.memref_slice %arg2[%dma_start3A_7, %dma_start3A_8] : memref<65536x96xf32, #tpu.memory_space<hbm>> -> memref<65536x96xf32, #tpu.memory_space<hbm>>
    tpu.enqueue_indirect_dma source(%dma_start3A_9 : memref<65536x96xf32, #tpu.memory_space<hbm>>) target(%dma_start3A_3 : memref<128x96xf32, #tpu.memory_space<vmem>>) offsets(%dma_start3A_6 : memref<128xi32, #tpu.memory_space<vmem>>) semaphore(%arg7 : memref<!tpu.dma_semaphore, #tpu.memory_space<semaphore_mem>>)
    %dma_start3A_10 = arith.constant 1 : i32
    %dma_start3A_11 = arith.constant 128 : i32
    %dma_start3A_12 = arith.constant 0 : i32
    %dma_start3A_13 = tpu.memref_slice %arg6[%dma_start3A_11, %dma_start3A_12] : memref<1152x96xf32, #tpu.memory_space<vmem>> -> memref<128x96xf32, #tpu.memory_space<vmem>>
    %dma_start3A_14 = arith.constant 0 : i32
    %dma_start3A_15 = tpu.memref_slice %arg5[%dma_start3A_10, %dma_start3A_14] : memref<9x128xi32, #tpu.memory_space<vmem>> -> memref<1x128xi32, #tpu.memory_space<vmem>>
    %dma_start3A_16 = tpu.memref_squeeze %dma_start3A_15 : memref<1x128xi32, #tpu.memory_space<vmem>> -> memref<128xi32, #tpu.memory_space<vmem>>
    %dma_start3A_17 = arith.constant 0 : i32
    %dma_start3A_18 = arith.constant 0 : i32
    %dma_start3A_19 = tpu.memref_slice %arg2[%dma_start3A_17, %dma_start3A_18] : memref<65536x96xf32, #tpu.memory_space<hbm>> -> memref<65536x96xf32, #tpu.memory_space<hbm>>
    tpu.enqueue_indirect_dma source(%dma_start3A_19 : memref<65536x96xf32, #tpu.memory_space<hbm>>) target(%dma_start3A_13 : memref<128x96xf32, #tpu.memory_space<vmem>>) offsets(%dma_start3A_16 : memref<128xi32, #tpu.memory_space<vmem>>) semaphore(%arg7 : memref<!tpu.dma_semaphore, #tpu.memory_space<semaphore_mem>>)
    %dma_start3A_20 = arith.constant 2 : i32
    %dma_start3A_21 = arith.constant 256 : i32
    %dma_start3A_22 = arith.constant 0 : i32
    %dma_start3A_23 = tpu.memref_slice %arg6[%dma_start3A_21, %dma_start3A_22] : memref<1152x96xf32, #tpu.memory_space<vmem>> -> memref<128x96xf32, #tpu.memory_space<vmem>>
    %dma_start3A_24 = arith.constant 0 : i32
    %dma_start3A_25 = tpu.memref_slice %arg5[%dma_start3A_20, %dma_start3A_24] : memref<9x128xi32, #tpu.memory_space<vmem>> -> memref<1x128xi32, #tpu.memory_space<vmem>>
    %dma_start3A_26 = tpu.memref_squeeze %dma_start3A_25 : memref<1x128xi32, #tpu.memory_space<vmem>> -> memref<128xi32, #tpu.memory_space<vmem>>
    %dma_start3A_27 = arith.constant 0 : i32
    %dma_start3A_28 = arith.constant 0 : i32
    %dma_start3A_29 = tpu.memref_slice %arg2[%dma_start3A_27, %dma_start3A_28] : memref<65536x96xf32, #tpu.memory_space<hbm>> -> memref<65536x96xf32, #tpu.memory_space<hbm>>
    tpu.enqueue_indirect_dma source(%dma_start3A_29 : memref<65536x96xf32, #tpu.memory_space<hbm>>) target(%dma_start3A_23 : memref<128x96xf32, #tpu.memory_space<vmem>>) offsets(%dma_start3A_26 : memref<128xi32, #tpu.memory_space<vmem>>) semaphore(%arg7 : memref<!tpu.dma_semaphore, #tpu.memory_space<semaphore_mem>>)
    %dma_start3A_30 = arith.constant 3 : i32
    %dma_start3A_31 = arith.constant 384 : i32
    %dma_start3A_32 = arith.constant 0 : i32
    %dma_start3A_33 = tpu.memref_slice %arg6[%dma_start3A_31, %dma_start3A_32] : memref<1152x96xf32, #tpu.memory_space<vmem>> -> memref<128x96xf32, #tpu.memory_space<vmem>>
    %dma_start3A_34 = arith.constant 0 : i32
    %dma_start3A_35 = tpu.memref_slice %arg5[%dma_start3A_30, %dma_start3A_34] : memref<9x128xi32, #tpu.memory_space<vmem>> -> memref<1x128xi32, #tpu.memory_space<vmem>>
    %dma_start3A_36 = tpu.memref_squeeze %dma_start3A_35 : memref<1x128xi32, #tpu.memory_space<vmem>> -> memref<128xi32, #tpu.memory_space<vmem>>
    %dma_start3A_37 = arith.constant 0 : i32
    %dma_start3A_38 = arith.constant 0 : i32
    %dma_start3A_39 = tpu.memref_slice %arg2[%dma_start3A_37, %dma_start3A_38] : memref<65536x96xf32, #tpu.memory_space<hbm>> -> memref<65536x96xf32, #tpu.memory_space<hbm>>
    tpu.enqueue_indirect_dma source(%dma_start3A_39 : memref<65536x96xf32, #tpu.memory_space<hbm>>) target(%dma_start3A_33 : memref<128x96xf32, #tpu.memory_space<vmem>>) offsets(%dma_start3A_36 : memref<128xi32, #tpu.memory_space<vmem>>) semaphore(%arg7 : memref<!tpu.dma_semaphore, #tpu.memory_space<semaphore_mem>>)
    %dma_start3A_40 = arith.constant 4 : i32
    %dma_start3A_41 = arith.constant 512 : i32
    %dma_start3A_42 = arith.constant 0 : i32
    %dma_start3A_43 = tpu.memref_slice %arg6[%dma_start3A_41, %dma_start3A_42] : memref<1152x96xf32, #tpu.memory_space<vmem>> -> memref<128x96xf32, #tpu.memory_space<vmem>>
    %dma_start3A_44 = arith.constant 0 : i32
    %dma_start3A_45 = tpu.memref_slice %arg5[%dma_start3A_40, %dma_start3A_44] : memref<9x128xi32, #tpu.memory_space<vmem>> -> memref<1x128xi32, #tpu.memory_space<vmem>>
    %dma_start3A_46 = tpu.memref_squeeze %dma_start3A_45 : memref<1x128xi32, #tpu.memory_space<vmem>> -> memref<128xi32, #tpu.memory_space<vmem>>
    %dma_start3A_47 = arith.constant 0 : i32
    %dma_start3A_48 = arith.constant 0 : i32
    %dma_start3A_49 = tpu.memref_slice %arg2[%dma_start3A_47, %dma_start3A_48] : memref<65536x96xf32, #tpu.memory_space<hbm>> -> memref<65536x96xf32, #tpu.memory_space<hbm>>
    tpu.enqueue_indirect_dma source(%dma_start3A_49 : memref<65536x96xf32, #tpu.memory_space<hbm>>) target(%dma_start3A_43 : memref<128x96xf32, #tpu.memory_space<vmem>>) offsets(%dma_start3A_46 : memref<128xi32, #tpu.memory_space<vmem>>) semaphore(%arg7 : memref<!tpu.dma_semaphore, #tpu.memory_space<semaphore_mem>>)
    %dma_start3A_50 = arith.constant 5 : i32
    %dma_start3A_51 = arith.constant 640 : i32
    %dma_start3A_52 = arith.constant 0 : i32
    %dma_start3A_53 = tpu.memref_slice %arg6[%dma_start3A_51, %dma_start3A_52] : memref<1152x96xf32, #tpu.memory_space<vmem>> -> memref<128x96xf32, #tpu.memory_space<vmem>>
    %dma_start3A_54 = arith.constant 0 : i32
    %dma_start3A_55 = tpu.memref_slice %arg5[%dma_start3A_50, %dma_start3A_54] : memref<9x128xi32, #tpu.memory_space<vmem>> -> memref<1x128xi32, #tpu.memory_space<vmem>>
    %dma_start3A_56 = tpu.memref_squeeze %dma_start3A_55 : memref<1x128xi32, #tpu.memory_space<vmem>> -> memref<128xi32, #tpu.memory_space<vmem>>
    %dma_start3A_57 = arith.constant 0 : i32
    %dma_start3A_58 = arith.constant 0 : i32
    %dma_start3A_59 = tpu.memref_slice %arg2[%dma_start3A_57, %dma_start3A_58] : memref<65536x96xf32, #tpu.memory_space<hbm>> -> memref<65536x96xf32, #tpu.memory_space<hbm>>
    tpu.enqueue_indirect_dma source(%dma_start3A_59 : memref<65536x96xf32, #tpu.memory_space<hbm>>) target(%dma_start3A_53 : memref<128x96xf32, #tpu.memory_space<vmem>>) offsets(%dma_start3A_56 : memref<128xi32, #tpu.memory_space<vmem>>) semaphore(%arg7 : memref<!tpu.dma_semaphore, #tpu.memory_space<semaphore_mem>>)
    %dma_start3A_60 = arith.constant 6 : i32
    %dma_start3A_61 = arith.constant 768 : i32
    %dma_start3A_62 = arith.constant 0 : i32
    %dma_start3A_63 = tpu.memref_slice %arg6[%dma_start3A_61, %dma_start3A_62] : memref<1152x96xf32, #tpu.memory_space<vmem>> -> memref<128x96xf32, #tpu.memory_space<vmem>>
    %dma_start3A_64 = arith.constant 0 : i32
    %dma_start3A_65 = tpu.memref_slice %arg5[%dma_start3A_60, %dma_start3A_64] : memref<9x128xi32, #tpu.memory_space<vmem>> -> memref<1x128xi32, #tpu.memory_space<vmem>>
    %dma_start3A_66 = tpu.memref_squeeze %dma_start3A_65 : memref<1x128xi32, #tpu.memory_space<vmem>> -> memref<128xi32, #tpu.memory_space<vmem>>
    %dma_start3A_67 = arith.constant 0 : i32
    %dma_start3A_68 = arith.constant 0 : i32
    %dma_start3A_69 = tpu.memref_slice %arg2[%dma_start3A_67, %dma_start3A_68] : memref<65536x96xf32, #tpu.memory_space<hbm>> -> memref<65536x96xf32, #tpu.memory_space<hbm>>
    tpu.enqueue_indirect_dma source(%dma_start3A_69 : memref<65536x96xf32, #tpu.memory_space<hbm>>) target(%dma_start3A_63 : memref<128x96xf32, #tpu.memory_space<vmem>>) offsets(%dma_start3A_66 : memref<128xi32, #tpu.memory_space<vmem>>) semaphore(%arg7 : memref<!tpu.dma_semaphore, #tpu.memory_space<semaphore_mem>>)
    %dma_start3A_70 = arith.constant 7 : i32
    %dma_start3A_71 = arith.constant 896 : i32
    %dma_start3A_72 = arith.constant 0 : i32
    %dma_start3A_73 = tpu.memref_slice %arg6[%dma_start3A_71, %dma_start3A_72] : memref<1152x96xf32, #tpu.memory_space<vmem>> -> memref<128x96xf32, #tpu.memory_space<vmem>>
    %dma_start3A_74 = arith.constant 0 : i32
    %dma_start3A_75 = tpu.memref_slice %arg5[%dma_start3A_70, %dma_start3A_74] : memref<9x128xi32, #tpu.memory_space<vmem>> -> memref<1x128xi32, #tpu.memory_space<vmem>>
    %dma_start3A_76 = tpu.memref_squeeze %dma_start3A_75 : memref<1x128xi32, #tpu.memory_space<vmem>> -> memref<128xi32, #tpu.memory_space<vmem>>
    %dma_start3A_77 = arith.constant 0 : i32
    %dma_start3A_78 = arith.constant 0 : i32
    %dma_start3A_79 = tpu.memref_slice %arg2[%dma_start3A_77, %dma_start3A_78] : memref<65536x96xf32, #tpu.memory_space<hbm>> -> memref<65536x96xf32, #tpu.memory_space<hbm>>
    tpu.enqueue_indirect_dma source(%dma_start3A_79 : memref<65536x96xf32, #tpu.memory_space<hbm>>) target(%dma_start3A_73 : memref<128x96xf32, #tpu.memory_space<vmem>>) offsets(%dma_start3A_76 : memref<128xi32, #tpu.memory_space<vmem>>) semaphore(%arg7 : memref<!tpu.dma_semaphore, #tpu.memory_space<semaphore_mem>>)
    %dma_start3A_80 = arith.constant 8 : i32
    %dma_start3A_81 = arith.constant 1024 : i32
    %dma_start3A_82 = arith.constant 0 : i32
    %dma_start3A_83 = tpu.memref_slice %arg6[%dma_start3A_81, %dma_start3A_82] : memref<1152x96xf32, #tpu.memory_space<vmem>> -> memref<128x96xf32, #tpu.memory_space<vmem>>
    %dma_start3A_84 = arith.constant 0 : i32
    %dma_start3A_85 = tpu.memref_slice %arg5[%dma_start3A_80, %dma_start3A_84] : memref<9x128xi32, #tpu.memory_space<vmem>> -> memref<1x128xi32, #tpu.memory_space<vmem>>
    %dma_start3A_86 = tpu.memref_squeeze %dma_start3A_85 : memref<1x128xi32, #tpu.memory_space<vmem>> -> memref<128xi32, #tpu.memory_space<vmem>>
    %dma_start3A_87 = arith.constant 0 : i32
    %dma_start3A_88 = arith.constant 0 : i32
    %dma_start3A_89 = tpu.memref_slice %arg2[%dma_start3A_87, %dma_start3A_88] : memref<65536x96xf32, #tpu.memory_space<hbm>> -> memref<65536x96xf32, #tpu.memory_space<hbm>>
    tpu.enqueue_indirect_dma source(%dma_start3A_89 : memref<65536x96xf32, #tpu.memory_space<hbm>>) target(%dma_start3A_83 : memref<128x96xf32, #tpu.memory_space<vmem>>) offsets(%dma_start3A_86 : memref<128xi32, #tpu.memory_space<vmem>>) semaphore(%arg7 : memref<!tpu.dma_semaphore, #tpu.memory_space<semaphore_mem>>)
    %dma_wait3A = arith.constant 0 : i32
    %dma_wait3A_90 = arith.constant 0 : i32
    %dma_wait3A_91 = arith.constant 0 : i32
    %dma_wait3A_92 = tpu.memref_slice %arg6[%dma_wait3A_90, %dma_wait3A_91] : memref<1152x96xf32, #tpu.memory_space<vmem>> -> memref<128x96xf32, #tpu.memory_space<vmem>>
    %dma_wait3A_93 = arith.constant 0 : i32
    %dma_wait3A_94 = tpu.memref_slice %arg5[%dma_wait3A, %dma_wait3A_93] : memref<9x128xi32, #tpu.memory_space<vmem>> -> memref<1x128xi32, #tpu.memory_space<vmem>>
    %dma_wait3A_95 = tpu.memref_squeeze %dma_wait3A_94 : memref<1x128xi32, #tpu.memory_space<vmem>> -> memref<128xi32, #tpu.memory_space<vmem>>
    %dma_wait3A_96 = arith.constant 0 : i32
    %dma_wait3A_97 = arith.constant 0 : i32
    %dma_wait3A_98 = tpu.memref_slice %arg2[%dma_wait3A_96, %dma_wait3A_97] : memref<65536x96xf32, #tpu.memory_space<hbm>> -> memref<65536x96xf32, #tpu.memory_space<hbm>>
    tpu.wait_indirect_dma semaphore(%arg7 : memref<!tpu.dma_semaphore, #tpu.memory_space<semaphore_mem>>) src(%dma_wait3A_98 : memref<65536x96xf32, #tpu.memory_space<hbm>>) dst(%dma_wait3A_92 : memref<128x96xf32, #tpu.memory_space<vmem>>)
    %dma_wait3A_99 = arith.constant 1 : i32
    %dma_wait3A_100 = arith.constant 128 : i32
    %dma_wait3A_101 = arith.constant 0 : i32
    %dma_wait3A_102 = tpu.memref_slice %arg6[%dma_wait3A_100, %dma_wait3A_101] : memref<1152x96xf32, #tpu.memory_space<vmem>> -> memref<128x96xf32, #tpu.memory_space<vmem>>
    %dma_wait3A_103 = arith.constant 0 : i32
    %dma_wait3A_104 = tpu.memref_slice %arg5[%dma_wait3A_99, %dma_wait3A_103] : memref<9x128xi32, #tpu.memory_space<vmem>> -> memref<1x128xi32, #tpu.memory_space<vmem>>
    %dma_wait3A_105 = tpu.memref_squeeze %dma_wait3A_104 : memref<1x128xi32, #tpu.memory_space<vmem>> -> memref<128xi32, #tpu.memory_space<vmem>>
    %dma_wait3A_106 = arith.constant 0 : i32
    %dma_wait3A_107 = arith.constant 0 : i32
    %dma_wait3A_108 = tpu.memref_slice %arg2[%dma_wait3A_106, %dma_wait3A_107] : memref<65536x96xf32, #tpu.memory_space<hbm>> -> memref<65536x96xf32, #tpu.memory_space<hbm>>
    tpu.wait_indirect_dma semaphore(%arg7 : memref<!tpu.dma_semaphore, #tpu.memory_space<semaphore_mem>>) src(%dma_wait3A_108 : memref<65536x96xf32, #tpu.memory_space<hbm>>) dst(%dma_wait3A_102 : memref<128x96xf32, #tpu.memory_space<vmem>>)
    %dma_wait3A_109 = arith.constant 2 : i32
    %dma_wait3A_110 = arith.constant 256 : i32
    %dma_wait3A_111 = arith.constant 0 : i32
    %dma_wait3A_112 = tpu.memref_slice %arg6[%dma_wait3A_110, %dma_wait3A_111] : memref<1152x96xf32, #tpu.memory_space<vmem>> -> memref<128x96xf32, #tpu.memory_space<vmem>>
    %dma_wait3A_113 = arith.constant 0 : i32
    %dma_wait3A_114 = tpu.memref_slice %arg5[%dma_wait3A_109, %dma_wait3A_113] : memref<9x128xi32, #tpu.memory_space<vmem>> -> memref<1x128xi32, #tpu.memory_space<vmem>>
    %dma_wait3A_115 = tpu.memref_squeeze %dma_wait3A_114 : memref<1x128xi32, #tpu.memory_space<vmem>> -> memref<128xi32, #tpu.memory_space<vmem>>
    %dma_wait3A_116 = arith.constant 0 : i32
    %dma_wait3A_117 = arith.constant 0 : i32
    %dma_wait3A_118 = tpu.memref_slice %arg2[%dma_wait3A_116, %dma_wait3A_117] : memref<65536x96xf32, #tpu.memory_space<hbm>> -> memref<65536x96xf32, #tpu.memory_space<hbm>>
    tpu.wait_indirect_dma semaphore(%arg7 : memref<!tpu.dma_semaphore, #tpu.memory_space<semaphore_mem>>) src(%dma_wait3A_118 : memref<65536x96xf32, #tpu.memory_space<hbm>>) dst(%dma_wait3A_112 : memref<128x96xf32, #tpu.memory_space<vmem>>)
    %dma_wait3A_119 = arith.constant 3 : i32
    %dma_wait3A_120 = arith.constant 384 : i32
    %dma_wait3A_121 = arith.constant 0 : i32
    %dma_wait3A_122 = tpu.memref_slice %arg6[%dma_wait3A_120, %dma_wait3A_121] : memref<1152x96xf32, #tpu.memory_space<vmem>> -> memref<128x96xf32, #tpu.memory_space<vmem>>
    %dma_wait3A_123 = arith.constant 0 : i32
    %dma_wait3A_124 = tpu.memref_slice %arg5[%dma_wait3A_119, %dma_wait3A_123] : memref<9x128xi32, #tpu.memory_space<vmem>> -> memref<1x128xi32, #tpu.memory_space<vmem>>
    %dma_wait3A_125 = tpu.memref_squeeze %dma_wait3A_124 : memref<1x128xi32, #tpu.memory_space<vmem>> -> memref<128xi32, #tpu.memory_space<vmem>>
    %dma_wait3A_126 = arith.constant 0 : i32
    %dma_wait3A_127 = arith.constant 0 : i32
    %dma_wait3A_128 = tpu.memref_slice %arg2[%dma_wait3A_126, %dma_wait3A_127] : memref<65536x96xf32, #tpu.memory_space<hbm>> -> memref<65536x96xf32, #tpu.memory_space<hbm>>
    tpu.wait_indirect_dma semaphore(%arg7 : memref<!tpu.dma_semaphore, #tpu.memory_space<semaphore_mem>>) src(%dma_wait3A_128 : memref<65536x96xf32, #tpu.memory_space<hbm>>) dst(%dma_wait3A_122 : memref<128x96xf32, #tpu.memory_space<vmem>>)
    %dma_wait3A_129 = arith.constant 4 : i32
    %dma_wait3A_130 = arith.constant 512 : i32
    %dma_wait3A_131 = arith.constant 0 : i32
    %dma_wait3A_132 = tpu.memref_slice %arg6[%dma_wait3A_130, %dma_wait3A_131] : memref<1152x96xf32, #tpu.memory_space<vmem>> -> memref<128x96xf32, #tpu.memory_space<vmem>>
    %dma_wait3A_133 = arith.constant 0 : i32
    %dma_wait3A_134 = tpu.memref_slice %arg5[%dma_wait3A_129, %dma_wait3A_133] : memref<9x128xi32, #tpu.memory_space<vmem>> -> memref<1x128xi32, #tpu.memory_space<vmem>>
    %dma_wait3A_135 = tpu.memref_squeeze %dma_wait3A_134 : memref<1x128xi32, #tpu.memory_space<vmem>> -> memref<128xi32, #tpu.memory_space<vmem>>
    %dma_wait3A_136 = arith.constant 0 : i32
    %dma_wait3A_137 = arith.constant 0 : i32
    %dma_wait3A_138 = tpu.memref_slice %arg2[%dma_wait3A_136, %dma_wait3A_137] : memref<65536x96xf32, #tpu.memory_space<hbm>> -> memref<65536x96xf32, #tpu.memory_space<hbm>>
    tpu.wait_indirect_dma semaphore(%arg7 : memref<!tpu.dma_semaphore, #tpu.memory_space<semaphore_mem>>) src(%dma_wait3A_138 : memref<65536x96xf32, #tpu.memory_space<hbm>>) dst(%dma_wait3A_132 : memref<128x96xf32, #tpu.memory_space<vmem>>)
    %dma_wait3A_139 = arith.constant 5 : i32
    %dma_wait3A_140 = arith.constant 640 : i32
    %dma_wait3A_141 = arith.constant 0 : i32
    %dma_wait3A_142 = tpu.memref_slice %arg6[%dma_wait3A_140, %dma_wait3A_141] : memref<1152x96xf32, #tpu.memory_space<vmem>> -> memref<128x96xf32, #tpu.memory_space<vmem>>
    %dma_wait3A_143 = arith.constant 0 : i32
    %dma_wait3A_144 = tpu.memref_slice %arg5[%dma_wait3A_139, %dma_wait3A_143] : memref<9x128xi32, #tpu.memory_space<vmem>> -> memref<1x128xi32, #tpu.memory_space<vmem>>
    %dma_wait3A_145 = tpu.memref_squeeze %dma_wait3A_144 : memref<1x128xi32, #tpu.memory_space<vmem>> -> memref<128xi32, #tpu.memory_space<vmem>>
    %dma_wait3A_146 = arith.constant 0 : i32
    %dma_wait3A_147 = arith.constant 0 : i32
    %dma_wait3A_148 = tpu.memref_slice %arg2[%dma_wait3A_146, %dma_wait3A_147] : memref<65536x96xf32, #tpu.memory_space<hbm>> -> memref<65536x96xf32, #tpu.memory_space<hbm>>
    tpu.wait_indirect_dma semaphore(%arg7 : memref<!tpu.dma_semaphore, #tpu.memory_space<semaphore_mem>>) src(%dma_wait3A_148 : memref<65536x96xf32, #tpu.memory_space<hbm>>) dst(%dma_wait3A_142 : memref<128x96xf32, #tpu.memory_space<vmem>>)
    %dma_wait3A_149 = arith.constant 6 : i32
    %dma_wait3A_150 = arith.constant 768 : i32
    %dma_wait3A_151 = arith.constant 0 : i32
    %dma_wait3A_152 = tpu.memref_slice %arg6[%dma_wait3A_150, %dma_wait3A_151] : memref<1152x96xf32, #tpu.memory_space<vmem>> -> memref<128x96xf32, #tpu.memory_space<vmem>>
    %dma_wait3A_153 = arith.constant 0 : i32
    %dma_wait3A_154 = tpu.memref_slice %arg5[%dma_wait3A_149, %dma_wait3A_153] : memref<9x128xi32, #tpu.memory_space<vmem>> -> memref<1x128xi32, #tpu.memory_space<vmem>>
    %dma_wait3A_155 = tpu.memref_squeeze %dma_wait3A_154 : memref<1x128xi32, #tpu.memory_space<vmem>> -> memref<128xi32, #tpu.memory_space<vmem>>
    %dma_wait3A_156 = arith.constant 0 : i32
    %dma_wait3A_157 = arith.constant 0 : i32
    %dma_wait3A_158 = tpu.memref_slice %arg2[%dma_wait3A_156, %dma_wait3A_157] : memref<65536x96xf32, #tpu.memory_space<hbm>> -> memref<65536x96xf32, #tpu.memory_space<hbm>>
    tpu.wait_indirect_dma semaphore(%arg7 : memref<!tpu.dma_semaphore, #tpu.memory_space<semaphore_mem>>) src(%dma_wait3A_158 : memref<65536x96xf32, #tpu.memory_space<hbm>>) dst(%dma_wait3A_152 : memref<128x96xf32, #tpu.memory_space<vmem>>)
    %dma_wait3A_159 = arith.constant 7 : i32
    %dma_wait3A_160 = arith.constant 896 : i32
    %dma_wait3A_161 = arith.constant 0 : i32
    %dma_wait3A_162 = tpu.memref_slice %arg6[%dma_wait3A_160, %dma_wait3A_161] : memref<1152x96xf32, #tpu.memory_space<vmem>> -> memref<128x96xf32, #tpu.memory_space<vmem>>
    %dma_wait3A_163 = arith.constant 0 : i32
    %dma_wait3A_164 = tpu.memref_slice %arg5[%dma_wait3A_159, %dma_wait3A_163] : memref<9x128xi32, #tpu.memory_space<vmem>> -> memref<1x128xi32, #tpu.memory_space<vmem>>
    %dma_wait3A_165 = tpu.memref_squeeze %dma_wait3A_164 : memref<1x128xi32, #tpu.memory_space<vmem>> -> memref<128xi32, #tpu.memory_space<vmem>>
    %dma_wait3A_166 = arith.constant 0 : i32
    %dma_wait3A_167 = arith.constant 0 : i32
    %dma_wait3A_168 = tpu.memref_slice %arg2[%dma_wait3A_166, %dma_wait3A_167] : memref<65536x96xf32, #tpu.memory_space<hbm>> -> memref<65536x96xf32, #tpu.memory_space<hbm>>
    tpu.wait_indirect_dma semaphore(%arg7 : memref<!tpu.dma_semaphore, #tpu.memory_space<semaphore_mem>>) src(%dma_wait3A_168 : memref<65536x96xf32, #tpu.memory_space<hbm>>) dst(%dma_wait3A_162 : memref<128x96xf32, #tpu.memory_space<vmem>>)
    %dma_wait3A_169 = arith.constant 8 : i32
    %dma_wait3A_170 = arith.constant 1024 : i32
    %dma_wait3A_171 = arith.constant 0 : i32
    %dma_wait3A_172 = tpu.memref_slice %arg6[%dma_wait3A_170, %dma_wait3A_171] : memref<1152x96xf32, #tpu.memory_space<vmem>> -> memref<128x96xf32, #tpu.memory_space<vmem>>
    %dma_wait3A_173 = arith.constant 0 : i32
    %dma_wait3A_174 = tpu.memref_slice %arg5[%dma_wait3A_169, %dma_wait3A_173] : memref<9x128xi32, #tpu.memory_space<vmem>> -> memref<1x128xi32, #tpu.memory_space<vmem>>
    %dma_wait3A_175 = tpu.memref_squeeze %dma_wait3A_174 : memref<1x128xi32, #tpu.memory_space<vmem>> -> memref<128xi32, #tpu.memory_space<vmem>>
    %dma_wait3A_176 = arith.constant 0 : i32
    %dma_wait3A_177 = arith.constant 0 : i32
    %dma_wait3A_178 = tpu.memref_slice %arg2[%dma_wait3A_176, %dma_wait3A_177] : memref<65536x96xf32, #tpu.memory_space<hbm>> -> memref<65536x96xf32, #tpu.memory_space<hbm>>
    tpu.wait_indirect_dma semaphore(%arg7 : memref<!tpu.dma_semaphore, #tpu.memory_space<semaphore_mem>>) src(%dma_wait3A_178 : memref<65536x96xf32, #tpu.memory_space<hbm>>) dst(%dma_wait3A_172 : memref<128x96xf32, #tpu.memory_space<vmem>>)
    %mul3A_179 = arith.constant 1152 : i32
    %mul3A_180 = arith.muli %add3A, %mul3A_179 : i32
    "tpu.region"() ({
      %run_scoped3A = tpu.sem_alloc : memref<!tpu.dma_semaphore, #tpu.memory_space<semaphore_mem>>
      %dma_start3A_181 = arith.constant 0 : i32
      %dma_start3A_182 = tpu.memref_slice %arg4[%mul3A_180, %dma_start3A_181] : memref<36864x96xf32, #tpu.memory_space<hbm>> -> memref<1152x96xf32, #tpu.memory_space<hbm>>
      %dma_start3A_183 = arith.constant 0 : i32
      %dma_start3A_184 = tpu.memref_slice %arg4[%mul3A_180, %dma_start3A_183] : memref<36864x96xf32, #tpu.memory_space<hbm>> -> memref<1152x96xf32, #tpu.memory_space<hbm>>
      tpu.enqueue_dma source(%arg6 : memref<1152x96xf32, #tpu.memory_space<vmem>>) target(%dma_start3A_184 : memref<1152x96xf32, #tpu.memory_space<hbm>>) target_semaphore(%run_scoped3A : memref<!tpu.dma_semaphore, #tpu.memory_space<semaphore_mem>>)
      %dma_wait3A_185 = arith.constant 0 : i32
      %dma_wait3A_186 = tpu.memref_slice %arg4[%mul3A_180, %dma_wait3A_185] : memref<36864x96xf32, #tpu.memory_space<hbm>> -> memref<1152x96xf32, #tpu.memory_space<hbm>>
      %dma_wait3A_187 = arith.constant 0 : i32
      %dma_wait3A_188 = tpu.memref_slice %arg4[%mul3A_180, %dma_wait3A_187] : memref<36864x96xf32, #tpu.memory_space<hbm>> -> memref<1152x96xf32, #tpu.memory_space<hbm>>
      tpu.wait_dma2 semaphore(%run_scoped3A : memref<!tpu.dma_semaphore, #tpu.memory_space<semaphore_mem>>) src(%arg6 : memref<1152x96xf32, #tpu.memory_space<vmem>>) dst(%dma_wait3A_188 : memref<1152x96xf32, #tpu.memory_space<hbm>>)
      tpu.yield
    }) : () -> ()
    return
  }
}

module attributes {stable_mosaic.version = 14 : i64} {
  func.func @_prep_body(%arg0: i32, %arg1: memref<1x8192x96xf32, #tpu.memory_space<vmem>>, %arg2: memref<1x576x768xf32, #tpu.memory_space<vmem>>, %arg3: memref<1x8192x128xbf16, #tpu.memory_space<vmem>>, %arg4: memref<1x576x1024xbf16, #tpu.memory_space<vmem>>) attributes {dimension_semantics = [#tpu.dimension_semantics<arbitrary>], iteration_bounds = array<i64: 8>, scalar_prefetch = 0 : i64, scratch_operands = 0 : i64, tpu.core_type = #tpu.core_type<tc>, window_params = [{transform_indices = @transform_0, window_bounds = array<i64: 1, 8192, 96>}, {transform_indices = @transform_1, window_bounds = array<i64: 1, 576, 768>}, {transform_indices = @transform_2, window_bounds = array<i64: 1, 8192, 128>}, {transform_indices = @transform_3, window_bounds = array<i64: 1, 576, 1024>}]} {
    %get3A = arith.constant 0 : index
    %get3A_0 = arith.constant 0 : index
    %get3A_1 = arith.constant 0 : index
    %get3A_2 = vector.load %arg1[%get3A, %get3A_0, %get3A_1] : memref<1x8192x96xf32, #tpu.memory_space<vmem>>, vector<1x8192x96xf32>
    %get3A_3 = vector.shape_cast %get3A_2 : vector<1x8192x96xf32> to vector<8192x96xf32>
    %mul3A = arith.mulf %get3A_3, %get3A_3 : vector<8192x96xf32>
    %reduce_sum3A = arith.constant dense<0.000000e+00> : vector<8192xf32>
    %reduce_sum3A_4 = vector.multi_reduction <add>, %mul3A, %reduce_sum3A [1] : vector<8192x96xf32> to vector<8192xf32>
    %broadcast_in_dim3A = vector.shape_cast %reduce_sum3A_4 : vector<8192xf32> to vector<8192x1xf32>
    %convert_element_type3A = arith.truncf %broadcast_in_dim3A : vector<8192x1xf32> to vector<8192x1xbf16>
    %convert_element_type3A_5 = arith.extf %convert_element_type3A : vector<8192x1xbf16> to vector<8192x1xf32>
    %sub3A = arith.subf %broadcast_in_dim3A, %convert_element_type3A_5 : vector<8192x1xf32>
    %convert_element_type3A_6 = arith.truncf %sub3A : vector<8192x1xf32> to vector<8192x1xbf16>
    %convert_element_type3A_7 = arith.extf %convert_element_type3A_6 : vector<8192x1xbf16> to vector<8192x1xf32>
    %sub3A_8 = arith.subf %sub3A, %convert_element_type3A_7 : vector<8192x1xf32>
    %convert_element_type3A_9 = arith.truncf %sub3A_8 : vector<8192x1xf32> to vector<8192x1xbf16>
    %broadcast_in_dim3A_10 = arith.constant 0.000000e+00 : bf16
    %broadcast_in_dim3A_11 = vector.broadcast %broadcast_in_dim3A_10 : bf16 to vector<8192x29xbf16>
    %convert_element_type3A_12 = arith.truncf %get3A_3 : vector<8192x96xf32> to vector<8192x96xbf16>
    %concatenate3A = tpu.concatenate %convert_element_type3A_12, %convert_element_type3A, %convert_element_type3A_6, %convert_element_type3A_9, %broadcast_in_dim3A_11 in 1 : vector<8192x96xbf16>, vector<8192x1xbf16>, vector<8192x1xbf16>, vector<8192x1xbf16>, vector<8192x29xbf16> -> vector<8192x128xbf16>
    %swap3A = arith.constant 0 : index
    %swap3A_13 = arith.constant 0 : index
    %swap3A_14 = arith.constant 0 : index
    %swap3A_15 = vector.load %arg3[%swap3A, %swap3A_13, %swap3A_14] : memref<1x8192x128xbf16, #tpu.memory_space<vmem>>, vector<1x8192x128xbf16>
    %swap3A_16 = vector.shape_cast %swap3A_15 : vector<1x8192x128xbf16> to vector<8192x128xbf16>
    %swap3A_17 = vector.shape_cast %concatenate3A : vector<8192x128xbf16> to vector<1x8192x128xbf16>
    tpu.vector_store %arg3[%swap3A, %swap3A_13, %swap3A_14], %swap3A_17 {strides = array<i32>} : memref<1x8192x128xbf16, #tpu.memory_space<vmem>>, vector<1x8192x128xbf16>,
    %get3A_18 = arith.constant 0 : index
    %get3A_19 = arith.constant 0 : index
    %get3A_20 = arith.constant 0 : index
    %get3A_21 = vector.load %arg2[%get3A_18, %get3A_19, %get3A_20] : memref<1x576x768xf32, #tpu.memory_space<vmem>>, vector<1x576x768xf32>
    %get3A_22 = vector.shape_cast %get3A_21 : vector<1x576x768xf32> to vector<576x768xf32>
    %mul3A_23 = arith.constant -2.000000e+00 : f32
    %mul3A_24 = vector.broadcast %mul3A_23 : f32 to vector<576x768xf32>
    %mul3A_25 = arith.mulf %mul3A_24, %get3A_22 : vector<576x768xf32>
    %convert_element_type3A_26 = arith.truncf %mul3A_25 : vector<576x768xf32> to vector<576x768xbf16>
    %broadcast_in_dim3A_27 = arith.constant 1.000000e+00 : bf16
    %broadcast_in_dim3A_28 = vector.broadcast %broadcast_in_dim3A_27 : bf16 to vector<576x3xbf16>
    %broadcast_in_dim3A_29 = arith.constant 0.000000e+00 : bf16
    %broadcast_in_dim3A_30 = vector.broadcast %broadcast_in_dim3A_29 : bf16 to vector<576x29xbf16>
    %slice3A = vector.extract_strided_slice %convert_element_type3A_26 {offsets = [0, 0], sizes = [576, 96], strides = [1, 1]} : vector<576x768xbf16> to vector<576x96xbf16>
    %slice3A_31 = vector.extract_strided_slice %convert_element_type3A_26 {offsets = [0, 96], sizes = [576, 96], strides = [1, 1]} : vector<576x768xbf16> to vector<576x96xbf16>
    %slice3A_32 = vector.extract_strided_slice %convert_element_type3A_26 {offsets = [0, 192], sizes = [576, 96], strides = [1, 1]} : vector<576x768xbf16> to vector<576x96xbf16>
    %slice3A_33 = vector.extract_strided_slice %convert_element_type3A_26 {offsets = [0, 288], sizes = [576, 96], strides = [1, 1]} : vector<576x768xbf16> to vector<576x96xbf16>
    %slice3A_34 = vector.extract_strided_slice %convert_element_type3A_26 {offsets = [0, 384], sizes = [576, 96], strides = [1, 1]} : vector<576x768xbf16> to vector<576x96xbf16>
    %slice3A_35 = vector.extract_strided_slice %convert_element_type3A_26 {offsets = [0, 480], sizes = [576, 96], strides = [1, 1]} : vector<576x768xbf16> to vector<576x96xbf16>
    %slice3A_36 = vector.extract_strided_slice %convert_element_type3A_26 {offsets = [0, 576], sizes = [576, 96], strides = [1, 1]} : vector<576x768xbf16> to vector<576x96xbf16>
    %slice3A_37 = vector.extract_strided_slice %convert_element_type3A_26 {offsets = [0, 672], sizes = [576, 96], strides = [1, 1]} : vector<576x768xbf16> to vector<576x96xbf16>
    %concatenate3A_38 = tpu.concatenate %slice3A, %broadcast_in_dim3A_28, %broadcast_in_dim3A_30, %slice3A_31, %broadcast_in_dim3A_28, %broadcast_in_dim3A_30, %slice3A_32, %broadcast_in_dim3A_28, %broadcast_in_dim3A_30, %slice3A_33, %broadcast_in_dim3A_28, %broadcast_in_dim3A_30, %slice3A_34, %broadcast_in_dim3A_28, %broadcast_in_dim3A_30, %slice3A_35, %broadcast_in_dim3A_28, %broadcast_in_dim3A_30, %slice3A_36, %broadcast_in_dim3A_28, %broadcast_in_dim3A_30, %slice3A_37, %broadcast_in_dim3A_28, %broadcast_in_dim3A_30 in 1 : vector<576x96xbf16>, vector<576x3xbf16>, vector<576x29xbf16>, vector<576x96xbf16>, vector<576x3xbf16>, vector<576x29xbf16>, vector<576x96xbf16>, vector<576x3xbf16>, vector<576x29xbf16>, vector<576x96xbf16>, vector<576x3xbf16>, vector<576x29xbf16>, vector<576x96xbf16>, vector<576x3xbf16>, vector<576x29xbf16>, vector<576x96xbf16>, vector<576x3xbf16>, vector<576x29xbf16>, vector<576x96xbf16>, vector<576x3xbf16>, vector<576x29xbf16>, vector<576x96xbf16>, vector<576x3xbf16>, vector<576x29xbf16> -> vector<576x1024xbf16>
    %swap3A_39 = arith.constant 0 : index
    %swap3A_40 = arith.constant 0 : index
    %swap3A_41 = arith.constant 0 : index
    %swap3A_42 = vector.load %arg4[%swap3A_39, %swap3A_40, %swap3A_41] : memref<1x576x1024xbf16, #tpu.memory_space<vmem>>, vector<1x576x1024xbf16>
    %swap3A_43 = vector.shape_cast %swap3A_42 : vector<1x576x1024xbf16> to vector<576x1024xbf16>
    %swap3A_44 = vector.shape_cast %concatenate3A_38 : vector<576x1024xbf16> to vector<1x576x1024xbf16>
    tpu.vector_store %arg4[%swap3A_39, %swap3A_40, %swap3A_41], %swap3A_44 {strides = array<i32>} : memref<1x576x1024xbf16, #tpu.memory_space<vmem>>, vector<1x576x1024xbf16>,
    return
  }
  func.func @transform_0(%arg0: i32) -> (i32, i32, i32) {
    %c0_i32 = arith.constant 0 : i32
    %c0_i32_0 = arith.constant 0 : i32
    %c0_i32_1 = arith.constant 0 : i32
    return %arg0, %c0_i32, %c0_i32_0 : i32, i32, i32
  }
  func.func @transform_1(%arg0: i32) -> (i32, i32, i32) {
    %c0_i32 = arith.constant 0 : i32
    %c0_i32_0 = arith.constant 0 : i32
    %c0_i32_1 = arith.constant 0 : i32
    return %arg0, %c0_i32, %c0_i32_0 : i32, i32, i32
  }
  func.func @transform_2(%arg0: i32) -> (i32, i32, i32) {
    %c0_i32 = arith.constant 0 : i32
    %c0_i32_0 = arith.constant 0 : i32
    %c0_i32_1 = arith.constant 0 : i32
    return %arg0, %c0_i32, %c0_i32_0 : i32, i32, i32
  }
  func.func @transform_3(%arg0: i32) -> (i32, i32, i32) {
    %c0_i32 = arith.constant 0 : i32
    %c0_i32_0 = arith.constant 0 : i32
    %c0_i32_1 = arith.constant 0 : i32
    return %arg0, %c0_i32, %c0_i32_0 : i32, i32, i32
  }
}

module attributes {stable_mosaic.version = 14 : i64} {
  func.func @_argmin_body(%arg0: i32, %arg1: i32, %arg2: memref<1x576x1024xbf16, #tpu.memory_space<vmem>>, %arg3: memref<8x4096x128xbf16, #tpu.memory_space<vmem>>, %arg4: memref<1x576x8xi32, #tpu.memory_space<vmem>>, %arg5: memref<8x576x128xf32, #tpu.memory_space<vmem>>, %arg6: memref<8x576x128xi32, #tpu.memory_space<vmem>>) attributes {dimension_semantics = [#tpu.dimension_semantics<arbitrary>, #tpu.dimension_semantics<arbitrary>], iteration_bounds = array<i64: 8, 2>, scalar_prefetch = 0 : i64, scratch_operands = 2 : i64, tpu.core_type = #tpu.core_type<tc>, window_params = [{transform_indices = @transform_0, window_bounds = array<i64: 1, 576, 1024>}, {transform_indices = @transform_1, window_bounds = array<i64: 8, 4096, 128>}, {transform_indices = @transform_2, window_bounds = array<i64: 1, 576, 8>}]} {
    %eq3A = arith.constant 0 : i32
    %eq3A_0 = arith.cmpi eq, %arg1, %eq3A : i32
    %convert_element_type3A = arith.extui %eq3A_0 : i1 to i32
    %cond3A = arith.constant 0 : i32
    %cond3A_1 = arith.cmpi ne, %convert_element_type3A, %cond3A : i32
    scf.if %cond3A_1 {
      %broadcast_in_dim3A = arith.constant 0x7F800000 : f32
      %broadcast_in_dim3A_2830 = vector.broadcast %broadcast_in_dim3A : f32 to vector<8x576x128xf32>
      %swap3A_2831 = arith.constant 0 : index
      %swap3A_2832 = arith.constant 0 : index
      %swap3A_2833 = arith.constant 0 : index
      %swap3A_2834 = vector.load %arg5[%swap3A_2831, %swap3A_2832, %swap3A_2833] : memref<8x576x128xf32, #tpu.memory_space<vmem>>, vector<8x576x128xf32>
      tpu.vector_store %arg5[%swap3A_2831, %swap3A_2832, %swap3A_2833], %broadcast_in_dim3A_2830 {strides = array<i32>} : memref<8x576x128xf32, #tpu.memory_space<vmem>>, vector<8x576x128xf32>,
      %broadcast_in_dim3A_2835 = arith.constant 0 : i32
      %broadcast_in_dim3A_2836 = vector.broadcast %broadcast_in_dim3A_2835 : i32 to vector<8x576x128xi32>
      %swap3A_2837 = arith.constant 0 : index
      %swap3A_2838 = arith.constant 0 : index
      %swap3A_2839 = arith.constant 0 : index
      %swap3A_2840 = vector.load %arg6[%swap3A_2837, %swap3A_2838, %swap3A_2839] : memref<8x576x128xi32, #tpu.memory_space<vmem>>, vector<8x576x128xi32>
      tpu.vector_store %arg6[%swap3A_2837, %swap3A_2838, %swap3A_2839], %broadcast_in_dim3A_2836 {strides = array<i32>} : memref<8x576x128xi32, #tpu.memory_space<vmem>>, vector<8x576x128xi32>,
    } else {
    }
    %iota3A = tpu.iota {dimensions = array<i32: 1>} : vector<576x128xi32>
    %get3A = arith.constant 0 : index
    %get3A_2 = arith.constant 0 : index
    %get3A_3 = arith.constant 0 : index
    %get3A_4 = vector.load %arg2[%get3A, %get3A_2, %get3A_3] : memref<1x576x1024xbf16, #tpu.memory_space<vmem>>, vector<1x576x128xbf16>
    %get3A_5 = vector.shape_cast %get3A_4 : vector<1x576x128xbf16> to vector<576x128xbf16>
    %get3A_6 = arith.constant 0 : index
    %get3A_7 = arith.constant 0 : index
    %get3A_8 = arith.constant 0 : index
    %get3A_9 = vector.load %arg3[%get3A_6, %get3A_7, %get3A_8] : memref<8x4096x128xbf16, #tpu.memory_space<vmem>>, vector<1x4096x128xbf16>
    %get3A_10 = vector.shape_cast %get3A_9 : vector<1x4096x128xbf16> to vector<4096x128xbf16>
    %dot_general3A = arith.constant dense<0.000000e+00> : vector<576x4096xf32>
    %dot_general3A_11 = tpu.matmul %get3A_5, %get3A_10, %dot_general3A {dimension_numbers = #tpu.dot_dimension_numbers<[1], [1], [0], [0], [0, 0, 1, 0], [], []>, transpose_lhs_hint = false} : vector<576x128xbf16>, vector<4096x128xbf16>, vector<576x4096xf32> -> vector<576x4096xf32>
    %get3A_12 = arith.constant 0 : index
    %get3A_13 = arith.constant 0 : index
    %get3A_14 = arith.constant 0 : index
    %get3A_15 = vector.load %arg5[%get3A_12, %get3A_13, %get3A_14] : memref<8x576x128xf32, #tpu.memory_space<vmem>>, vector<1x576x128xf32>
    %get3A_16 = vector.shape_cast %get3A_15 : vector<1x576x128xf32> to vector<576x128xf32>
    %get3A_17 = arith.constant 0 : index
    %get3A_18 = arith.constant 0 : index
    %get3A_19 = arith.constant 0 : index
    %get3A_20 = vector.load %arg6[%get3A_17, %get3A_18, %get3A_19] : memref<8x576x128xi32, #tpu.memory_space<vmem>>, vector<1x576x128xi32>
    %get3A_21 = vector.shape_cast %get3A_20 : vector<1x576x128xi32> to vector<576x128xi32>
    %slice3A = vector.extract_strided_slice %dot_general3A_11 {offsets = [0, 0], sizes = [576, 128], strides = [1, 1]} : vector<576x4096xf32> to vector<576x128xf32>
    %mul3A = arith.constant 4096 : i32
    %mul3A_22 = arith.muli %arg1, %mul3A : i32
    %add3A = arith.constant 0 : i32
    %add3A_23 = arith.addi %mul3A_22, %add3A : i32
    %add3A_24 = vector.broadcast %add3A_23 : i32 to vector<576x128xi32>
    %add3A_25 = arith.addi %iota3A, %add3A_24 : vector<576x128xi32>
    %lt3A = arith.cmpf olt, %slice3A, %get3A_16 : vector<576x128xf32>
    %min3A = arith.minimumf %slice3A, %get3A_16 : vector<576x128xf32>
    %select_n3A = arith.select %lt3A, %add3A_25, %get3A_21 : vector<576x128xi1>, vector<576x128xi32>
    %slice3A_26 = vector.extract_strided_slice %dot_general3A_11 {offsets = [0, 128], sizes = [576, 128], strides = [1, 1]} : vector<576x4096xf32> to vector<576x128xf32>
    %mul3A_27 = arith.constant 4096 : i32
    %mul3A_28 = arith.muli %arg1, %mul3A_27 : i32
    %add3A_29 = arith.constant 128 : i32
    %add3A_30 = arith.addi %mul3A_28, %add3A_29 : i32
    %add3A_31 = vector.broadcast %add3A_30 : i32 to vector<576x128xi32>
    %add3A_32 = arith.addi %iota3A, %add3A_31 : vector<576x128xi32>
    %lt3A_33 = arith.cmpf olt, %slice3A_26, %min3A : vector<576x128xf32>
    %min3A_34 = arith.minimumf %slice3A_26, %min3A : vector<576x128xf32>
    %select_n3A_35 = arith.select %lt3A_33, %add3A_32, %select_n3A : vector<576x128xi1>, vector<576x128xi32>
    %slice3A_36 = vector.extract_strided_slice %dot_general3A_11 {offsets = [0, 256], sizes = [576, 128], strides = [1, 1]} : vector<576x4096xf32> to vector<576x128xf32>
    %mul3A_37 = arith.constant 4096 : i32
    %mul3A_38 = arith.muli %arg1, %mul3A_37 : i32
    %add3A_39 = arith.constant 256 : i32
    %add3A_40 = arith.addi %mul3A_38, %add3A_39 : i32
    %add3A_41 = vector.broadcast %add3A_40 : i32 to vector<576x128xi32>
    %add3A_42 = arith.addi %iota3A, %add3A_41 : vector<576x128xi32>
    %lt3A_43 = arith.cmpf olt, %slice3A_36, %min3A_34 : vector<576x128xf32>
    %min3A_44 = arith.minimumf %slice3A_36, %min3A_34 : vector<576x128xf32>
    %select_n3A_45 = arith.select %lt3A_43, %add3A_42, %select_n3A_35 : vector<576x128xi1>, vector<576x128xi32>
    %slice3A_46 = vector.extract_strided_slice %dot_general3A_11 {offsets = [0, 384], sizes = [576, 128], strides = [1, 1]} : vector<576x4096xf32> to vector<576x128xf32>
    %mul3A_47 = arith.constant 4096 : i32
    %mul3A_48 = arith.muli %arg1, %mul3A_47 : i32
    %add3A_49 = arith.constant 384 : i32
    %add3A_50 = arith.addi %mul3A_48, %add3A_49 : i32
    %add3A_51 = vector.broadcast %add3A_50 : i32 to vector<576x128xi32>
    %add3A_52 = arith.addi %iota3A, %add3A_51 : vector<576x128xi32>
    %lt3A_53 = arith.cmpf olt, %slice3A_46, %min3A_44 : vector<576x128xf32>
    %min3A_54 = arith.minimumf %slice3A_46, %min3A_44 : vector<576x128xf32>
    %select_n3A_55 = arith.select %lt3A_53, %add3A_52, %select_n3A_45 : vector<576x128xi1>, vector<576x128xi32>
    %slice3A_56 = vector.extract_strided_slice %dot_general3A_11 {offsets = [0, 512], sizes = [576, 128], strides = [1, 1]} : vector<576x4096xf32> to vector<576x128xf32>
    %mul3A_57 = arith.constant 4096 : i32
    %mul3A_58 = arith.muli %arg1, %mul3A_57 : i32
    %add3A_59 = arith.constant 512 : i32
    %add3A_60 = arith.addi %mul3A_58, %add3A_59 : i32
    %add3A_61 = vector.broadcast %add3A_60 : i32 to vector<576x128xi32>
    %add3A_62 = arith.addi %iota3A, %add3A_61 : vector<576x128xi32>
    %lt3A_63 = arith.cmpf olt, %slice3A_56, %min3A_54 : vector<576x128xf32>
    %min3A_64 = arith.minimumf %slice3A_56, %min3A_54 : vector<576x128xf32>
    %select_n3A_65 = arith.select %lt3A_63, %add3A_62, %select_n3A_55 : vector<576x128xi1>, vector<576x128xi32>
    %slice3A_66 = vector.extract_strided_slice %dot_general3A_11 {offsets = [0, 640], sizes = [576, 128], strides = [1, 1]} : vector<576x4096xf32> to vector<576x128xf32>
    %mul3A_67 = arith.constant 4096 : i32
    %mul3A_68 = arith.muli %arg1, %mul3A_67 : i32
    %add3A_69 = arith.constant 640 : i32
    %add3A_70 = arith.addi %mul3A_68, %add3A_69 : i32
    %add3A_71 = vector.broadcast %add3A_70 : i32 to vector<576x128xi32>
    %add3A_72 = arith.addi %iota3A, %add3A_71 : vector<576x128xi32>
    %lt3A_73 = arith.cmpf olt, %slice3A_66, %min3A_64 : vector<576x128xf32>
    %min3A_74 = arith.minimumf %slice3A_66, %min3A_64 : vector<576x128xf32>
    %select_n3A_75 = arith.select %lt3A_73, %add3A_72, %select_n3A_65 : vector<576x128xi1>, vector<576x128xi32>
    %slice3A_76 = vector.extract_strided_slice %dot_general3A_11 {offsets = [0, 768], sizes = [576, 128], strides = [1, 1]} : vector<576x4096xf32> to vector<576x128xf32>
    %mul3A_77 = arith.constant 4096 : i32
    %mul3A_78 = arith.muli %arg1, %mul3A_77 : i32
    %add3A_79 = arith.constant 768 : i32
    %add3A_80 = arith.addi %mul3A_78, %add3A_79 : i32
    %add3A_81 = vector.broadcast %add3A_80 : i32 to vector<576x128xi32>
    %add3A_82 = arith.addi %iota3A, %add3A_81 : vector<576x128xi32>
    %lt3A_83 = arith.cmpf olt, %slice3A_76, %min3A_74 : vector<576x128xf32>
    %min3A_84 = arith.minimumf %slice3A_76, %min3A_74 : vector<576x128xf32>
    %select_n3A_85 = arith.select %lt3A_83, %add3A_82, %select_n3A_75 : vector<576x128xi1>, vector<576x128xi32>
    %slice3A_86 = vector.extract_strided_slice %dot_general3A_11 {offsets = [0, 896], sizes = [576, 128], strides = [1, 1]} : vector<576x4096xf32> to vector<576x128xf32>
    %mul3A_87 = arith.constant 4096 : i32
    %mul3A_88 = arith.muli %arg1, %mul3A_87 : i32
    %add3A_89 = arith.constant 896 : i32
    %add3A_90 = arith.addi %mul3A_88, %add3A_89 : i32
    %add3A_91 = vector.broadcast %add3A_90 : i32 to vector<576x128xi32>
    %add3A_92 = arith.addi %iota3A, %add3A_91 : vector<576x128xi32>
    %lt3A_93 = arith.cmpf olt, %slice3A_86, %min3A_84 : vector<576x128xf32>
    %min3A_94 = arith.minimumf %slice3A_86, %min3A_84 : vector<576x128xf32>
    %select_n3A_95 = arith.select %lt3A_93, %add3A_92, %select_n3A_85 : vector<576x128xi1>, vector<576x128xi32>
    %slice3A_96 = vector.extract_strided_slice %dot_general3A_11 {offsets = [0, 1024], sizes = [576, 128], strides = [1, 1]} : vector<576x4096xf32> to vector<576x128xf32>
    %mul3A_97 = arith.constant 4096 : i32
    %mul3A_98 = arith.muli %arg1, %mul3A_97 : i32
    %add3A_99 = arith.constant 1024 : i32
    %add3A_100 = arith.addi %mul3A_98, %add3A_99 : i32
    %add3A_101 = vector.broadcast %add3A_100 : i32 to vector<576x128xi32>
    %add3A_102 = arith.addi %iota3A, %add3A_101 : vector<576x128xi32>
    %lt3A_103 = arith.cmpf olt, %slice3A_96, %min3A_94 : vector<576x128xf32>
    %min3A_104 = arith.minimumf %slice3A_96, %min3A_94 : vector<576x128xf32>
    %select_n3A_105 = arith.select %lt3A_103, %add3A_102, %select_n3A_95 : vector<576x128xi1>, vector<576x128xi32>
    %slice3A_106 = vector.extract_strided_slice %dot_general3A_11 {offsets = [0, 1152], sizes = [576, 128], strides = [1, 1]} : vector<576x4096xf32> to vector<576x128xf32>
    %mul3A_107 = arith.constant 4096 : i32
    %mul3A_108 = arith.muli %arg1, %mul3A_107 : i32
    %add3A_109 = arith.constant 1152 : i32
    %add3A_110 = arith.addi %mul3A_108, %add3A_109 : i32
    %add3A_111 = vector.broadcast %add3A_110 : i32 to vector<576x128xi32>
    %add3A_112 = arith.addi %iota3A, %add3A_111 : vector<576x128xi32>
    %lt3A_113 = arith.cmpf olt, %slice3A_106, %min3A_104 : vector<576x128xf32>
    %min3A_114 = arith.minimumf %slice3A_106, %min3A_104 : vector<576x128xf32>
    %select_n3A_115 = arith.select %lt3A_113, %add3A_112, %select_n3A_105 : vector<576x128xi1>, vector<576x128xi32>
    %slice3A_116 = vector.extract_strided_slice %dot_general3A_11 {offsets = [0, 1280], sizes = [576, 128], strides = [1, 1]} : vector<576x4096xf32> to vector<576x128xf32>
    %mul3A_117 = arith.constant 4096 : i32
    %mul3A_118 = arith.muli %arg1, %mul3A_117 : i32
    %add3A_119 = arith.constant 1280 : i32
    %add3A_120 = arith.addi %mul3A_118, %add3A_119 : i32
    %add3A_121 = vector.broadcast %add3A_120 : i32 to vector<576x128xi32>
    %add3A_122 = arith.addi %iota3A, %add3A_121 : vector<576x128xi32>
    %lt3A_123 = arith.cmpf olt, %slice3A_116, %min3A_114 : vector<576x128xf32>
    %min3A_124 = arith.minimumf %slice3A_116, %min3A_114 : vector<576x128xf32>
    %select_n3A_125 = arith.select %lt3A_123, %add3A_122, %select_n3A_115 : vector<576x128xi1>, vector<576x128xi32>
    %slice3A_126 = vector.extract_strided_slice %dot_general3A_11 {offsets = [0, 1408], sizes = [576, 128], strides = [1, 1]} : vector<576x4096xf32> to vector<576x128xf32>
    %mul3A_127 = arith.constant 4096 : i32
    %mul3A_128 = arith.muli %arg1, %mul3A_127 : i32
    %add3A_129 = arith.constant 1408 : i32
    %add3A_130 = arith.addi %mul3A_128, %add3A_129 : i32
    %add3A_131 = vector.broadcast %add3A_130 : i32 to vector<576x128xi32>
    %add3A_132 = arith.addi %iota3A, %add3A_131 : vector<576x128xi32>
    %lt3A_133 = arith.cmpf olt, %slice3A_126, %min3A_124 : vector<576x128xf32>
    %min3A_134 = arith.minimumf %slice3A_126, %min3A_124 : vector<576x128xf32>
    %select_n3A_135 = arith.select %lt3A_133, %add3A_132, %select_n3A_125 : vector<576x128xi1>, vector<576x128xi32>
    %slice3A_136 = vector.extract_strided_slice %dot_general3A_11 {offsets = [0, 1536], sizes = [576, 128], strides = [1, 1]} : vector<576x4096xf32> to vector<576x128xf32>
    %mul3A_137 = arith.constant 4096 : i32
    %mul3A_138 = arith.muli %arg1, %mul3A_137 : i32
    %add3A_139 = arith.constant 1536 : i32
    %add3A_140 = arith.addi %mul3A_138, %add3A_139 : i32
    %add3A_141 = vector.broadcast %add3A_140 : i32 to vector<576x128xi32>
    %add3A_142 = arith.addi %iota3A, %add3A_141 : vector<576x128xi32>
    %lt3A_143 = arith.cmpf olt, %slice3A_136, %min3A_134 : vector<576x128xf32>
    %min3A_144 = arith.minimumf %slice3A_136, %min3A_134 : vector<576x128xf32>
    %select_n3A_145 = arith.select %lt3A_143, %add3A_142, %select_n3A_135 : vector<576x128xi1>, vector<576x128xi32>
    %slice3A_146 = vector.extract_strided_slice %dot_general3A_11 {offsets = [0, 1664], sizes = [576, 128], strides = [1, 1]} : vector<576x4096xf32> to vector<576x128xf32>
    %mul3A_147 = arith.constant 4096 : i32
    %mul3A_148 = arith.muli %arg1, %mul3A_147 : i32
    %add3A_149 = arith.constant 1664 : i32
    %add3A_150 = arith.addi %mul3A_148, %add3A_149 : i32
    %add3A_151 = vector.broadcast %add3A_150 : i32 to vector<576x128xi32>
    %add3A_152 = arith.addi %iota3A, %add3A_151 : vector<576x128xi32>
    %lt3A_153 = arith.cmpf olt, %slice3A_146, %min3A_144 : vector<576x128xf32>
    %min3A_154 = arith.minimumf %slice3A_146, %min3A_144 : vector<576x128xf32>
    %select_n3A_155 = arith.select %lt3A_153, %add3A_152, %select_n3A_145 : vector<576x128xi1>, vector<576x128xi32>
    %slice3A_156 = vector.extract_strided_slice %dot_general3A_11 {offsets = [0, 1792], sizes = [576, 128], strides = [1, 1]} : vector<576x4096xf32> to vector<576x128xf32>
    %mul3A_157 = arith.constant 4096 : i32
    %mul3A_158 = arith.muli %arg1, %mul3A_157 : i32
    %add3A_159 = arith.constant 1792 : i32
    %add3A_160 = arith.addi %mul3A_158, %add3A_159 : i32
    %add3A_161 = vector.broadcast %add3A_160 : i32 to vector<576x128xi32>
    %add3A_162 = arith.addi %iota3A, %add3A_161 : vector<576x128xi32>
    %lt3A_163 = arith.cmpf olt, %slice3A_156, %min3A_154 : vector<576x128xf32>
    %min3A_164 = arith.minimumf %slice3A_156, %min3A_154 : vector<576x128xf32>
    %select_n3A_165 = arith.select %lt3A_163, %add3A_162, %select_n3A_155 : vector<576x128xi1>, vector<576x128xi32>
    %slice3A_166 = vector.extract_strided_slice %dot_general3A_11 {offsets = [0, 1920], sizes = [576, 128], strides = [1, 1]} : vector<576x4096xf32> to vector<576x128xf32>
    %mul3A_167 = arith.constant 4096 : i32
    %mul3A_168 = arith.muli %arg1, %mul3A_167 : i32
    %add3A_169 = arith.constant 1920 : i32
    %add3A_170 = arith.addi %mul3A_168, %add3A_169 : i32
    %add3A_171 = vector.broadcast %add3A_170 : i32 to vector<576x128xi32>
    %add3A_172 = arith.addi %iota3A, %add3A_171 : vector<576x128xi32>
    %lt3A_173 = arith.cmpf olt, %slice3A_166, %min3A_164 : vector<576x128xf32>
    %min3A_174 = arith.minimumf %slice3A_166, %min3A_164 : vector<576x128xf32>
    %select_n3A_175 = arith.select %lt3A_173, %add3A_172, %select_n3A_165 : vector<576x128xi1>, vector<576x128xi32>
    %slice3A_176 = vector.extract_strided_slice %dot_general3A_11 {offsets = [0, 2048], sizes = [576, 128], strides = [1, 1]} : vector<576x4096xf32> to vector<576x128xf32>
    %mul3A_177 = arith.constant 4096 : i32
    %mul3A_178 = arith.muli %arg1, %mul3A_177 : i32
    %add3A_179 = arith.constant 2048 : i32
    %add3A_180 = arith.addi %mul3A_178, %add3A_179 : i32
    %add3A_181 = vector.broadcast %add3A_180 : i32 to vector<576x128xi32>
    %add3A_182 = arith.addi %iota3A, %add3A_181 : vector<576x128xi32>
    %lt3A_183 = arith.cmpf olt, %slice3A_176, %min3A_174 : vector<576x128xf32>
    %min3A_184 = arith.minimumf %slice3A_176, %min3A_174 : vector<576x128xf32>
    %select_n3A_185 = arith.select %lt3A_183, %add3A_182, %select_n3A_175 : vector<576x128xi1>, vector<576x128xi32>
    %slice3A_186 = vector.extract_strided_slice %dot_general3A_11 {offsets = [0, 2176], sizes = [576, 128], strides = [1, 1]} : vector<576x4096xf32> to vector<576x128xf32>
    %mul3A_187 = arith.constant 4096 : i32
    %mul3A_188 = arith.muli %arg1, %mul3A_187 : i32
    %add3A_189 = arith.constant 2176 : i32
    %add3A_190 = arith.addi %mul3A_188, %add3A_189 : i32
    %add3A_191 = vector.broadcast %add3A_190 : i32 to vector<576x128xi32>
    %add3A_192 = arith.addi %iota3A, %add3A_191 : vector<576x128xi32>
    %lt3A_193 = arith.cmpf olt, %slice3A_186, %min3A_184 : vector<576x128xf32>
    %min3A_194 = arith.minimumf %slice3A_186, %min3A_184 : vector<576x128xf32>
    %select_n3A_195 = arith.select %lt3A_193, %add3A_192, %select_n3A_185 : vector<576x128xi1>, vector<576x128xi32>
    %slice3A_196 = vector.extract_strided_slice %dot_general3A_11 {offsets = [0, 2304], sizes = [576, 128], strides = [1, 1]} : vector<576x4096xf32> to vector<576x128xf32>
    %mul3A_197 = arith.constant 4096 : i32
    %mul3A_198 = arith.muli %arg1, %mul3A_197 : i32
    %add3A_199 = arith.constant 2304 : i32
    %add3A_200 = arith.addi %mul3A_198, %add3A_199 : i32
    %add3A_201 = vector.broadcast %add3A_200 : i32 to vector<576x128xi32>
    %add3A_202 = arith.addi %iota3A, %add3A_201 : vector<576x128xi32>
    %lt3A_203 = arith.cmpf olt, %slice3A_196, %min3A_194 : vector<576x128xf32>
    %min3A_204 = arith.minimumf %slice3A_196, %min3A_194 : vector<576x128xf32>
    %select_n3A_205 = arith.select %lt3A_203, %add3A_202, %select_n3A_195 : vector<576x128xi1>, vector<576x128xi32>
    %slice3A_206 = vector.extract_strided_slice %dot_general3A_11 {offsets = [0, 2432], sizes = [576, 128], strides = [1, 1]} : vector<576x4096xf32> to vector<576x128xf32>
    %mul3A_207 = arith.constant 4096 : i32
    %mul3A_208 = arith.muli %arg1, %mul3A_207 : i32
    %add3A_209 = arith.constant 2432 : i32
    %add3A_210 = arith.addi %mul3A_208, %add3A_209 : i32
    %add3A_211 = vector.broadcast %add3A_210 : i32 to vector<576x128xi32>
    %add3A_212 = arith.addi %iota3A, %add3A_211 : vector<576x128xi32>
    %lt3A_213 = arith.cmpf olt, %slice3A_206, %min3A_204 : vector<576x128xf32>
    %min3A_214 = arith.minimumf %slice3A_206, %min3A_204 : vector<576x128xf32>
    %select_n3A_215 = arith.select %lt3A_213, %add3A_212, %select_n3A_205 : vector<576x128xi1>, vector<576x128xi32>
    %slice3A_216 = vector.extract_strided_slice %dot_general3A_11 {offsets = [0, 2560], sizes = [576, 128], strides = [1, 1]} : vector<576x4096xf32> to vector<576x128xf32>
    %mul3A_217 = arith.constant 4096 : i32
    %mul3A_218 = arith.muli %arg1, %mul3A_217 : i32
    %add3A_219 = arith.constant 2560 : i32
    %add3A_220 = arith.addi %mul3A_218, %add3A_219 : i32
    %add3A_221 = vector.broadcast %add3A_220 : i32 to vector<576x128xi32>
    %add3A_222 = arith.addi %iota3A, %add3A_221 : vector<576x128xi32>
    %lt3A_223 = arith.cmpf olt, %slice3A_216, %min3A_214 : vector<576x128xf32>
    %min3A_224 = arith.minimumf %slice3A_216, %min3A_214 : vector<576x128xf32>
    %select_n3A_225 = arith.select %lt3A_223, %add3A_222, %select_n3A_215 : vector<576x128xi1>, vector<576x128xi32>
    %slice3A_226 = vector.extract_strided_slice %dot_general3A_11 {offsets = [0, 2688], sizes = [576, 128], strides = [1, 1]} : vector<576x4096xf32> to vector<576x128xf32>
    %mul3A_227 = arith.constant 4096 : i32
    %mul3A_228 = arith.muli %arg1, %mul3A_227 : i32
    %add3A_229 = arith.constant 2688 : i32
    %add3A_230 = arith.addi %mul3A_228, %add3A_229 : i32
    %add3A_231 = vector.broadcast %add3A_230 : i32 to vector<576x128xi32>
    %add3A_232 = arith.addi %iota3A, %add3A_231 : vector<576x128xi32>
    %lt3A_233 = arith.cmpf olt, %slice3A_226, %min3A_224 : vector<576x128xf32>
    %min3A_234 = arith.minimumf %slice3A_226, %min3A_224 : vector<576x128xf32>
    %select_n3A_235 = arith.select %lt3A_233, %add3A_232, %select_n3A_225 : vector<576x128xi1>, vector<576x128xi32>
    %slice3A_236 = vector.extract_strided_slice %dot_general3A_11 {offsets = [0, 2816], sizes = [576, 128], strides = [1, 1]} : vector<576x4096xf32> to vector<576x128xf32>
    %mul3A_237 = arith.constant 4096 : i32
    %mul3A_238 = arith.muli %arg1, %mul3A_237 : i32
    %add3A_239 = arith.constant 2816 : i32
    %add3A_240 = arith.addi %mul3A_238, %add3A_239 : i32
    %add3A_241 = vector.broadcast %add3A_240 : i32 to vector<576x128xi32>
    %add3A_242 = arith.addi %iota3A, %add3A_241 : vector<576x128xi32>
    %lt3A_243 = arith.cmpf olt, %slice3A_236, %min3A_234 : vector<576x128xf32>
    %min3A_244 = arith.minimumf %slice3A_236, %min3A_234 : vector<576x128xf32>
    %select_n3A_245 = arith.select %lt3A_243, %add3A_242, %select_n3A_235 : vector<576x128xi1>, vector<576x128xi32>
    %slice3A_246 = vector.extract_strided_slice %dot_general3A_11 {offsets = [0, 2944], sizes = [576, 128], strides = [1, 1]} : vector<576x4096xf32> to vector<576x128xf32>
    %mul3A_247 = arith.constant 4096 : i32
    %mul3A_248 = arith.muli %arg1, %mul3A_247 : i32
    %add3A_249 = arith.constant 2944 : i32
    %add3A_250 = arith.addi %mul3A_248, %add3A_249 : i32
    %add3A_251 = vector.broadcast %add3A_250 : i32 to vector<576x128xi32>
    %add3A_252 = arith.addi %iota3A, %add3A_251 : vector<576x128xi32>
    %lt3A_253 = arith.cmpf olt, %slice3A_246, %min3A_244 : vector<576x128xf32>
    %min3A_254 = arith.minimumf %slice3A_246, %min3A_244 : vector<576x128xf32>
    %select_n3A_255 = arith.select %lt3A_253, %add3A_252, %select_n3A_245 : vector<576x128xi1>, vector<576x128xi32>
    %slice3A_256 = vector.extract_strided_slice %dot_general3A_11 {offsets = [0, 3072], sizes = [576, 128], strides = [1, 1]} : vector<576x4096xf32> to vector<576x128xf32>
    %mul3A_257 = arith.constant 4096 : i32
    %mul3A_258 = arith.muli %arg1, %mul3A_257 : i32
    %add3A_259 = arith.constant 3072 : i32
    %add3A_260 = arith.addi %mul3A_258, %add3A_259 : i32
    %add3A_261 = vector.broadcast %add3A_260 : i32 to vector<576x128xi32>
    %add3A_262 = arith.addi %iota3A, %add3A_261 : vector<576x128xi32>
    %lt3A_263 = arith.cmpf olt, %slice3A_256, %min3A_254 : vector<576x128xf32>
    %min3A_264 = arith.minimumf %slice3A_256, %min3A_254 : vector<576x128xf32>
    %select_n3A_265 = arith.select %lt3A_263, %add3A_262, %select_n3A_255 : vector<576x128xi1>, vector<576x128xi32>
    %slice3A_266 = vector.extract_strided_slice %dot_general3A_11 {offsets = [0, 3200], sizes = [576, 128], strides = [1, 1]} : vector<576x4096xf32> to vector<576x128xf32>
    %mul3A_267 = arith.constant 4096 : i32
    %mul3A_268 = arith.muli %arg1, %mul3A_267 : i32
    %add3A_269 = arith.constant 3200 : i32
    %add3A_270 = arith.addi %mul3A_268, %add3A_269 : i32
    %add3A_271 = vector.broadcast %add3A_270 : i32 to vector<576x128xi32>
    %add3A_272 = arith.addi %iota3A, %add3A_271 : vector<576x128xi32>
    %lt3A_273 = arith.cmpf olt, %slice3A_266, %min3A_264 : vector<576x128xf32>
    %min3A_274 = arith.minimumf %slice3A_266, %min3A_264 : vector<576x128xf32>
    %select_n3A_275 = arith.select %lt3A_273, %add3A_272, %select_n3A_265 : vector<576x128xi1>, vector<576x128xi32>
    %slice3A_276 = vector.extract_strided_slice %dot_general3A_11 {offsets = [0, 3328], sizes = [576, 128], strides = [1, 1]} : vector<576x4096xf32> to vector<576x128xf32>
    %mul3A_277 = arith.constant 4096 : i32
    %mul3A_278 = arith.muli %arg1, %mul3A_277 : i32
    %add3A_279 = arith.constant 3328 : i32
    %add3A_280 = arith.addi %mul3A_278, %add3A_279 : i32
    %add3A_281 = vector.broadcast %add3A_280 : i32 to vector<576x128xi32>
    %add3A_282 = arith.addi %iota3A, %add3A_281 : vector<576x128xi32>
    %lt3A_283 = arith.cmpf olt, %slice3A_276, %min3A_274 : vector<576x128xf32>
    %min3A_284 = arith.minimumf %slice3A_276, %min3A_274 : vector<576x128xf32>
    %select_n3A_285 = arith.select %lt3A_283, %add3A_282, %select_n3A_275 : vector<576x128xi1>, vector<576x128xi32>
    %slice3A_286 = vector.extract_strided_slice %dot_general3A_11 {offsets = [0, 3456], sizes = [576, 128], strides = [1, 1]} : vector<576x4096xf32> to vector<576x128xf32>
    %mul3A_287 = arith.constant 4096 : i32
    %mul3A_288 = arith.muli %arg1, %mul3A_287 : i32
    %add3A_289 = arith.constant 3456 : i32
    %add3A_290 = arith.addi %mul3A_288, %add3A_289 : i32
    %add3A_291 = vector.broadcast %add3A_290 : i32 to vector<576x128xi32>
    %add3A_292 = arith.addi %iota3A, %add3A_291 : vector<576x128xi32>
    %lt3A_293 = arith.cmpf olt, %slice3A_286, %min3A_284 : vector<576x128xf32>
    %min3A_294 = arith.minimumf %slice3A_286, %min3A_284 : vector<576x128xf32>
    %select_n3A_295 = arith.select %lt3A_293, %add3A_292, %select_n3A_285 : vector<576x128xi1>, vector<576x128xi32>
    %slice3A_296 = vector.extract_strided_slice %dot_general3A_11 {offsets = [0, 3584], sizes = [576, 128], strides = [1, 1]} : vector<576x4096xf32> to vector<576x128xf32>
    %mul3A_297 = arith.constant 4096 : i32
    %mul3A_298 = arith.muli %arg1, %mul3A_297 : i32
    %add3A_299 = arith.constant 3584 : i32
    %add3A_300 = arith.addi %mul3A_298, %add3A_299 : i32
    %add3A_301 = vector.broadcast %add3A_300 : i32 to vector<576x128xi32>
    %add3A_302 = arith.addi %iota3A, %add3A_301 : vector<576x128xi32>
    %lt3A_303 = arith.cmpf olt, %slice3A_296, %min3A_294 : vector<576x128xf32>
    %min3A_304 = arith.minimumf %slice3A_296, %min3A_294 : vector<576x128xf32>
    %select_n3A_305 = arith.select %lt3A_303, %add3A_302, %select_n3A_295 : vector<576x128xi1>, vector<576x128xi32>
    %slice3A_306 = vector.extract_strided_slice %dot_general3A_11 {offsets = [0, 3712], sizes = [576, 128], strides = [1, 1]} : vector<576x4096xf32> to vector<576x128xf32>
    %mul3A_307 = arith.constant 4096 : i32
    %mul3A_308 = arith.muli %arg1, %mul3A_307 : i32
    %add3A_309 = arith.constant 3712 : i32
    %add3A_310 = arith.addi %mul3A_308, %add3A_309 : i32
    %add3A_311 = vector.broadcast %add3A_310 : i32 to vector<576x128xi32>
    %add3A_312 = arith.addi %iota3A, %add3A_311 : vector<576x128xi32>
    %lt3A_313 = arith.cmpf olt, %slice3A_306, %min3A_304 : vector<576x128xf32>
    %min3A_314 = arith.minimumf %slice3A_306, %min3A_304 : vector<576x128xf32>
    %select_n3A_315 = arith.select %lt3A_313, %add3A_312, %select_n3A_305 : vector<576x128xi1>, vector<576x128xi32>
    %slice3A_316 = vector.extract_strided_slice %dot_general3A_11 {offsets = [0, 3840], sizes = [576, 128], strides = [1, 1]} : vector<576x4096xf32> to vector<576x128xf32>
    %mul3A_317 = arith.constant 4096 : i32
    %mul3A_318 = arith.muli %arg1, %mul3A_317 : i32
    %add3A_319 = arith.constant 3840 : i32
    %add3A_320 = arith.addi %mul3A_318, %add3A_319 : i32
    %add3A_321 = vector.broadcast %add3A_320 : i32 to vector<576x128xi32>
    %add3A_322 = arith.addi %iota3A, %add3A_321 : vector<576x128xi32>
    %lt3A_323 = arith.cmpf olt, %slice3A_316, %min3A_314 : vector<576x128xf32>
    %min3A_324 = arith.minimumf %slice3A_316, %min3A_314 : vector<576x128xf32>
    %select_n3A_325 = arith.select %lt3A_323, %add3A_322, %select_n3A_315 : vector<576x128xi1>, vector<576x128xi32>
    %slice3A_326 = vector.extract_strided_slice %dot_general3A_11 {offsets = [0, 3968], sizes = [576, 128], strides = [1, 1]} : vector<576x4096xf32> to vector<576x128xf32>
    %mul3A_327 = arith.constant 4096 : i32
    %mul3A_328 = arith.muli %arg1, %mul3A_327 : i32
    %add3A_329 = arith.constant 3968 : i32
    %add3A_330 = arith.addi %mul3A_328, %add3A_329 : i32
    %add3A_331 = vector.broadcast %add3A_330 : i32 to vector<576x128xi32>
    %add3A_332 = arith.addi %iota3A, %add3A_331 : vector<576x128xi32>
    %lt3A_333 = arith.cmpf olt, %slice3A_326, %min3A_324 : vector<576x128xf32>
    %min3A_334 = arith.minimumf %slice3A_326, %min3A_324 : vector<576x128xf32>
    %select_n3A_335 = arith.select %lt3A_333, %add3A_332, %select_n3A_325 : vector<576x128xi1>, vector<576x128xi32>
    %swap3A = arith.constant 0 : index
    %swap3A_336 = arith.constant 0 : index
    %swap3A_337 = arith.constant 0 : index
    %swap3A_338 = vector.load %arg5[%swap3A, %swap3A_336, %swap3A_337] : memref<8x576x128xf32, #tpu.memory_space<vmem>>, vector<1x576x128xf32>
    %swap3A_339 = vector.shape_cast %swap3A_338 : vector<1x576x128xf32> to vector<576x128xf32>
    %swap3A_340 = vector.shape_cast %min3A_334 : vector<576x128xf32> to vector<1x576x128xf32>
    tpu.vector_store %arg5[%swap3A, %swap3A_336, %swap3A_337], %swap3A_340 {strides = array<i32>} : memref<8x576x128xf32, #tpu.memory_space<vmem>>, vector<1x576x128xf32>,
    %swap3A_341 = arith.constant 0 : index
    %swap3A_342 = arith.constant 0 : index
    %swap3A_343 = arith.constant 0 : index
    %swap3A_344 = vector.load %arg6[%swap3A_341, %swap3A_342, %swap3A_343] : memref<8x576x128xi32, #tpu.memory_space<vmem>>, vector<1x576x128xi32>
    %swap3A_345 = vector.shape_cast %swap3A_344 : vector<1x576x128xi32> to vector<576x128xi32>
    %swap3A_346 = vector.shape_cast %select_n3A_335 : vector<576x128xi32> to vector<1x576x128xi32>
    tpu.vector_store %arg6[%swap3A_341, %swap3A_342, %swap3A_343], %swap3A_346 {strides = array<i32>} : memref<8x576x128xi32, #tpu.memory_space<vmem>>, vector<1x576x128xi32>,
    %get3A_347 = arith.constant 0 : index
    %get3A_348 = arith.constant 0 : index
    %get3A_349 = arith.constant 128 : index
    %get3A_350 = vector.load %arg2[%get3A_347, %get3A_348, %get3A_349] : memref<1x576x1024xbf16, #tpu.memory_space<vmem>>, vector<1x576x128xbf16>
    %get3A_351 = vector.shape_cast %get3A_350 : vector<1x576x128xbf16> to vector<576x128xbf16>
    %get3A_352 = arith.constant 1 : index
    %get3A_353 = arith.constant 0 : index
    %get3A_354 = arith.constant 0 : index
    %get3A_355 = vector.load %arg3[%get3A_352, %get3A_353, %get3A_354] : memref<8x4096x128xbf16, #tpu.memory_space<vmem>>, vector<1x4096x128xbf16>
    %get3A_356 = vector.shape_cast %get3A_355 : vector<1x4096x128xbf16> to vector<4096x128xbf16>
    %dot_general3A_357 = arith.constant dense<0.000000e+00> : vector<576x4096xf32>
    %dot_general3A_358 = tpu.matmul %get3A_351, %get3A_356, %dot_general3A_357 {dimension_numbers = #tpu.dot_dimension_numbers<[1], [1], [0], [0], [0, 0, 1, 0], [], []>, transpose_lhs_hint = false} : vector<576x128xbf16>, vector<4096x128xbf16>, vector<576x4096xf32> -> vector<576x4096xf32>
    %get3A_359 = arith.constant 1 : index
    %get3A_360 = arith.constant 0 : index
    %get3A_361 = arith.constant 0 : index
    %get3A_362 = vector.load %arg5[%get3A_359, %get3A_360, %get3A_361] : memref<8x576x128xf32, #tpu.memory_space<vmem>>, vector<1x576x128xf32>
    %get3A_363 = vector.shape_cast %get3A_362 : vector<1x576x128xf32> to vector<576x128xf32>
    %get3A_364 = arith.constant 1 : index
    %get3A_365 = arith.constant 0 : index
    %get3A_366 = arith.constant 0 : index
    %get3A_367 = vector.load %arg6[%get3A_364, %get3A_365, %get3A_366] : memref<8x576x128xi32, #tpu.memory_space<vmem>>, vector<1x576x128xi32>
    %get3A_368 = vector.shape_cast %get3A_367 : vector<1x576x128xi32> to vector<576x128xi32>
    %slice3A_369 = vector.extract_strided_slice %dot_general3A_358 {offsets = [0, 0], sizes = [576, 128], strides = [1, 1]} : vector<576x4096xf32> to vector<576x128xf32>
    %mul3A_370 = arith.constant 4096 : i32
    %mul3A_371 = arith.muli %arg1, %mul3A_370 : i32
    %add3A_372 = arith.constant 0 : i32
    %add3A_373 = arith.addi %mul3A_371, %add3A_372 : i32
    %add3A_374 = vector.broadcast %add3A_373 : i32 to vector<576x128xi32>
    %add3A_375 = arith.addi %iota3A, %add3A_374 : vector<576x128xi32>
    %lt3A_376 = arith.cmpf olt, %slice3A_369, %get3A_363 : vector<576x128xf32>
    %min3A_377 = arith.minimumf %slice3A_369, %get3A_363 : vector<576x128xf32>
    %select_n3A_378 = arith.select %lt3A_376, %add3A_375, %get3A_368 : vector<576x128xi1>, vector<576x128xi32>
    %slice3A_379 = vector.extract_strided_slice %dot_general3A_358 {offsets = [0, 128], sizes = [576, 128], strides = [1, 1]} : vector<576x4096xf32> to vector<576x128xf32>
    %mul3A_380 = arith.constant 4096 : i32
    %mul3A_381 = arith.muli %arg1, %mul3A_380 : i32
    %add3A_382 = arith.constant 128 : i32
    %add3A_383 = arith.addi %mul3A_381, %add3A_382 : i32
    %add3A_384 = vector.broadcast %add3A_383 : i32 to vector<576x128xi32>
    %add3A_385 = arith.addi %iota3A, %add3A_384 : vector<576x128xi32>
    %lt3A_386 = arith.cmpf olt, %slice3A_379, %min3A_377 : vector<576x128xf32>
    %min3A_387 = arith.minimumf %slice3A_379, %min3A_377 : vector<576x128xf32>
    %select_n3A_388 = arith.select %lt3A_386, %add3A_385, %select_n3A_378 : vector<576x128xi1>, vector<576x128xi32>
    %slice3A_389 = vector.extract_strided_slice %dot_general3A_358 {offsets = [0, 256], sizes = [576, 128], strides = [1, 1]} : vector<576x4096xf32> to vector<576x128xf32>
    %mul3A_390 = arith.constant 4096 : i32
    %mul3A_391 = arith.muli %arg1, %mul3A_390 : i32
    %add3A_392 = arith.constant 256 : i32
    %add3A_393 = arith.addi %mul3A_391, %add3A_392 : i32
    %add3A_394 = vector.broadcast %add3A_393 : i32 to vector<576x128xi32>
    %add3A_395 = arith.addi %iota3A, %add3A_394 : vector<576x128xi32>
    %lt3A_396 = arith.cmpf olt, %slice3A_389, %min3A_387 : vector<576x128xf32>
    %min3A_397 = arith.minimumf %slice3A_389, %min3A_387 : vector<576x128xf32>
    %select_n3A_398 = arith.select %lt3A_396, %add3A_395, %select_n3A_388 : vector<576x128xi1>, vector<576x128xi32>
    %slice3A_399 = vector.extract_strided_slice %dot_general3A_358 {offsets = [0, 384], sizes = [576, 128], strides = [1, 1]} : vector<576x4096xf32> to vector<576x128xf32>
    %mul3A_400 = arith.constant 4096 : i32
    %mul3A_401 = arith.muli %arg1, %mul3A_400 : i32
    %add3A_402 = arith.constant 384 : i32
    %add3A_403 = arith.addi %mul3A_401, %add3A_402 : i32
    %add3A_404 = vector.broadcast %add3A_403 : i32 to vector<576x128xi32>
    %add3A_405 = arith.addi %iota3A, %add3A_404 : vector<576x128xi32>
    %lt3A_406 = arith.cmpf olt, %slice3A_399, %min3A_397 : vector<576x128xf32>
    %min3A_407 = arith.minimumf %slice3A_399, %min3A_397 : vector<576x128xf32>
    %select_n3A_408 = arith.select %lt3A_406, %add3A_405, %select_n3A_398 : vector<576x128xi1>, vector<576x128xi32>
    %slice3A_409 = vector.extract_strided_slice %dot_general3A_358 {offsets = [0, 512], sizes = [576, 128], strides = [1, 1]} : vector<576x4096xf32> to vector<576x128xf32>
    %mul3A_410 = arith.constant 4096 : i32
    %mul3A_411 = arith.muli %arg1, %mul3A_410 : i32
    %add3A_412 = arith.constant 512 : i32
    %add3A_413 = arith.addi %mul3A_411, %add3A_412 : i32
    %add3A_414 = vector.broadcast %add3A_413 : i32 to vector<576x128xi32>
    %add3A_415 = arith.addi %iota3A, %add3A_414 : vector<576x128xi32>
    %lt3A_416 = arith.cmpf olt, %slice3A_409, %min3A_407 : vector<576x128xf32>
    %min3A_417 = arith.minimumf %slice3A_409, %min3A_407 : vector<576x128xf32>
    %select_n3A_418 = arith.select %lt3A_416, %add3A_415, %select_n3A_408 : vector<576x128xi1>, vector<576x128xi32>
    %slice3A_419 = vector.extract_strided_slice %dot_general3A_358 {offsets = [0, 640], sizes = [576, 128], strides = [1, 1]} : vector<576x4096xf32> to vector<576x128xf32>
    %mul3A_420 = arith.constant 4096 : i32
    %mul3A_421 = arith.muli %arg1, %mul3A_420 : i32
    %add3A_422 = arith.constant 640 : i32
    %add3A_423 = arith.addi %mul3A_421, %add3A_422 : i32
    %add3A_424 = vector.broadcast %add3A_423 : i32 to vector<576x128xi32>
    %add3A_425 = arith.addi %iota3A, %add3A_424 : vector<576x128xi32>
    %lt3A_426 = arith.cmpf olt, %slice3A_419, %min3A_417 : vector<576x128xf32>
    %min3A_427 = arith.minimumf %slice3A_419, %min3A_417 : vector<576x128xf32>
    %select_n3A_428 = arith.select %lt3A_426, %add3A_425, %select_n3A_418 : vector<576x128xi1>, vector<576x128xi32>
    %slice3A_429 = vector.extract_strided_slice %dot_general3A_358 {offsets = [0, 768], sizes = [576, 128], strides = [1, 1]} : vector<576x4096xf32> to vector<576x128xf32>
    %mul3A_430 = arith.constant 4096 : i32
    %mul3A_431 = arith.muli %arg1, %mul3A_430 : i32
    %add3A_432 = arith.constant 768 : i32
    %add3A_433 = arith.addi %mul3A_431, %add3A_432 : i32
    %add3A_434 = vector.broadcast %add3A_433 : i32 to vector<576x128xi32>
    %add3A_435 = arith.addi %iota3A, %add3A_434 : vector<576x128xi32>
    %lt3A_436 = arith.cmpf olt, %slice3A_429, %min3A_427 : vector<576x128xf32>
    %min3A_437 = arith.minimumf %slice3A_429, %min3A_427 : vector<576x128xf32>
    %select_n3A_438 = arith.select %lt3A_436, %add3A_435, %select_n3A_428 : vector<576x128xi1>, vector<576x128xi32>
    %slice3A_439 = vector.extract_strided_slice %dot_general3A_358 {offsets = [0, 896], sizes = [576, 128], strides = [1, 1]} : vector<576x4096xf32> to vector<576x128xf32>
    %mul3A_440 = arith.constant 4096 : i32
    %mul3A_441 = arith.muli %arg1, %mul3A_440 : i32
    %add3A_442 = arith.constant 896 : i32
    %add3A_443 = arith.addi %mul3A_441, %add3A_442 : i32
    %add3A_444 = vector.broadcast %add3A_443 : i32 to vector<576x128xi32>
    %add3A_445 = arith.addi %iota3A, %add3A_444 : vector<576x128xi32>
    %lt3A_446 = arith.cmpf olt, %slice3A_439, %min3A_437 : vector<576x128xf32>
    %min3A_447 = arith.minimumf %slice3A_439, %min3A_437 : vector<576x128xf32>
    %select_n3A_448 = arith.select %lt3A_446, %add3A_445, %select_n3A_438 : vector<576x128xi1>, vector<576x128xi32>
    %slice3A_449 = vector.extract_strided_slice %dot_general3A_358 {offsets = [0, 1024], sizes = [576, 128], strides = [1, 1]} : vector<576x4096xf32> to vector<576x128xf32>
    %mul3A_450 = arith.constant 4096 : i32
    %mul3A_451 = arith.muli %arg1, %mul3A_450 : i32
    %add3A_452 = arith.constant 1024 : i32
    %add3A_453 = arith.addi %mul3A_451, %add3A_452 : i32
    %add3A_454 = vector.broadcast %add3A_453 : i32 to vector<576x128xi32>
    %add3A_455 = arith.addi %iota3A, %add3A_454 : vector<576x128xi32>
    %lt3A_456 = arith.cmpf olt, %slice3A_449, %min3A_447 : vector<576x128xf32>
    %min3A_457 = arith.minimumf %slice3A_449, %min3A_447 : vector<576x128xf32>
    %select_n3A_458 = arith.select %lt3A_456, %add3A_455, %select_n3A_448 : vector<576x128xi1>, vector<576x128xi32>
    %slice3A_459 = vector.extract_strided_slice %dot_general3A_358 {offsets = [0, 1152], sizes = [576, 128], strides = [1, 1]} : vector<576x4096xf32> to vector<576x128xf32>
    %mul3A_460 = arith.constant 4096 : i32
    %mul3A_461 = arith.muli %arg1, %mul3A_460 : i32
    %add3A_462 = arith.constant 1152 : i32
    %add3A_463 = arith.addi %mul3A_461, %add3A_462 : i32
    %add3A_464 = vector.broadcast %add3A_463 : i32 to vector<576x128xi32>
    %add3A_465 = arith.addi %iota3A, %add3A_464 : vector<576x128xi32>
    %lt3A_466 = arith.cmpf olt, %slice3A_459, %min3A_457 : vector<576x128xf32>
    %min3A_467 = arith.minimumf %slice3A_459, %min3A_457 : vector<576x128xf32>
    %select_n3A_468 = arith.select %lt3A_466, %add3A_465, %select_n3A_458 : vector<576x128xi1>, vector<576x128xi32>
    %slice3A_469 = vector.extract_strided_slice %dot_general3A_358 {offsets = [0, 1280], sizes = [576, 128], strides = [1, 1]} : vector<576x4096xf32> to vector<576x128xf32>
    %mul3A_470 = arith.constant 4096 : i32
    %mul3A_471 = arith.muli %arg1, %mul3A_470 : i32
    %add3A_472 = arith.constant 1280 : i32
    %add3A_473 = arith.addi %mul3A_471, %add3A_472 : i32
    %add3A_474 = vector.broadcast %add3A_473 : i32 to vector<576x128xi32>
    %add3A_475 = arith.addi %iota3A, %add3A_474 : vector<576x128xi32>
    %lt3A_476 = arith.cmpf olt, %slice3A_469, %min3A_467 : vector<576x128xf32>
    %min3A_477 = arith.minimumf %slice3A_469, %min3A_467 : vector<576x128xf32>
    %select_n3A_478 = arith.select %lt3A_476, %add3A_475, %select_n3A_468 : vector<576x128xi1>, vector<576x128xi32>
    %slice3A_479 = vector.extract_strided_slice %dot_general3A_358 {offsets = [0, 1408], sizes = [576, 128], strides = [1, 1]} : vector<576x4096xf32> to vector<576x128xf32>
    %mul3A_480 = arith.constant 4096 : i32
    %mul3A_481 = arith.muli %arg1, %mul3A_480 : i32
    %add3A_482 = arith.constant 1408 : i32
    %add3A_483 = arith.addi %mul3A_481, %add3A_482 : i32
    %add3A_484 = vector.broadcast %add3A_483 : i32 to vector<576x128xi32>
    %add3A_485 = arith.addi %iota3A, %add3A_484 : vector<576x128xi32>
    %lt3A_486 = arith.cmpf olt, %slice3A_479, %min3A_477 : vector<576x128xf32>
    %min3A_487 = arith.minimumf %slice3A_479, %min3A_477 : vector<576x128xf32>
    %select_n3A_488 = arith.select %lt3A_486, %add3A_485, %select_n3A_478 : vector<576x128xi1>, vector<576x128xi32>
    %slice3A_489 = vector.extract_strided_slice %dot_general3A_358 {offsets = [0, 1536], sizes = [576, 128], strides = [1, 1]} : vector<576x4096xf32> to vector<576x128xf32>
    %mul3A_490 = arith.constant 4096 : i32
    %mul3A_491 = arith.muli %arg1, %mul3A_490 : i32
    %add3A_492 = arith.constant 1536 : i32
    %add3A_493 = arith.addi %mul3A_491, %add3A_492 : i32
    %add3A_494 = vector.broadcast %add3A_493 : i32 to vector<576x128xi32>
    %add3A_495 = arith.addi %iota3A, %add3A_494 : vector<576x128xi32>
    %lt3A_496 = arith.cmpf olt, %slice3A_489, %min3A_487 : vector<576x128xf32>
    %min3A_497 = arith.minimumf %slice3A_489, %min3A_487 : vector<576x128xf32>
    %select_n3A_498 = arith.select %lt3A_496, %add3A_495, %select_n3A_488 : vector<576x128xi1>, vector<576x128xi32>
    %slice3A_499 = vector.extract_strided_slice %dot_general3A_358 {offsets = [0, 1664], sizes = [576, 128], strides = [1, 1]} : vector<576x4096xf32> to vector<576x128xf32>
    %mul3A_500 = arith.constant 4096 : i32
    %mul3A_501 = arith.muli %arg1, %mul3A_500 : i32
    %add3A_502 = arith.constant 1664 : i32
    %add3A_503 = arith.addi %mul3A_501, %add3A_502 : i32
    %add3A_504 = vector.broadcast %add3A_503 : i32 to vector<576x128xi32>
    %add3A_505 = arith.addi %iota3A, %add3A_504 : vector<576x128xi32>
    %lt3A_506 = arith.cmpf olt, %slice3A_499, %min3A_497 : vector<576x128xf32>
    %min3A_507 = arith.minimumf %slice3A_499, %min3A_497 : vector<576x128xf32>
    %select_n3A_508 = arith.select %lt3A_506, %add3A_505, %select_n3A_498 : vector<576x128xi1>, vector<576x128xi32>
    %slice3A_509 = vector.extract_strided_slice %dot_general3A_358 {offsets = [0, 1792], sizes = [576, 128], strides = [1, 1]} : vector<576x4096xf32> to vector<576x128xf32>
    %mul3A_510 = arith.constant 4096 : i32
    %mul3A_511 = arith.muli %arg1, %mul3A_510 : i32
    %add3A_512 = arith.constant 1792 : i32
    %add3A_513 = arith.addi %mul3A_511, %add3A_512 : i32
    %add3A_514 = vector.broadcast %add3A_513 : i32 to vector<576x128xi32>
    %add3A_515 = arith.addi %iota3A, %add3A_514 : vector<576x128xi32>
    %lt3A_516 = arith.cmpf olt, %slice3A_509, %min3A_507 : vector<576x128xf32>
    %min3A_517 = arith.minimumf %slice3A_509, %min3A_507 : vector<576x128xf32>
    %select_n3A_518 = arith.select %lt3A_516, %add3A_515, %select_n3A_508 : vector<576x128xi1>, vector<576x128xi32>
    %slice3A_519 = vector.extract_strided_slice %dot_general3A_358 {offsets = [0, 1920], sizes = [576, 128], strides = [1, 1]} : vector<576x4096xf32> to vector<576x128xf32>
    %mul3A_520 = arith.constant 4096 : i32
    %mul3A_521 = arith.muli %arg1, %mul3A_520 : i32
    %add3A_522 = arith.constant 1920 : i32
    %add3A_523 = arith.addi %mul3A_521, %add3A_522 : i32
    %add3A_524 = vector.broadcast %add3A_523 : i32 to vector<576x128xi32>
    %add3A_525 = arith.addi %iota3A, %add3A_524 : vector<576x128xi32>
    %lt3A_526 = arith.cmpf olt, %slice3A_519, %min3A_517 : vector<576x128xf32>
    %min3A_527 = arith.minimumf %slice3A_519, %min3A_517 : vector<576x128xf32>
    %select_n3A_528 = arith.select %lt3A_526, %add3A_525, %select_n3A_518 : vector<576x128xi1>, vector<576x128xi32>
    %slice3A_529 = vector.extract_strided_slice %dot_general3A_358 {offsets = [0, 2048], sizes = [576, 128], strides = [1, 1]} : vector<576x4096xf32> to vector<576x128xf32>
    %mul3A_530 = arith.constant 4096 : i32
    %mul3A_531 = arith.muli %arg1, %mul3A_530 : i32
    %add3A_532 = arith.constant 2048 : i32
    %add3A_533 = arith.addi %mul3A_531, %add3A_532 : i32
    %add3A_534 = vector.broadcast %add3A_533 : i32 to vector<576x128xi32>
    %add3A_535 = arith.addi %iota3A, %add3A_534 : vector<576x128xi32>
    %lt3A_536 = arith.cmpf olt, %slice3A_529, %min3A_527 : vector<576x128xf32>
    %min3A_537 = arith.minimumf %slice3A_529, %min3A_527 : vector<576x128xf32>
    %select_n3A_538 = arith.select %lt3A_536, %add3A_535, %select_n3A_528 : vector<576x128xi1>, vector<576x128xi32>
    %slice3A_539 = vector.extract_strided_slice %dot_general3A_358 {offsets = [0, 2176], sizes = [576, 128], strides = [1, 1]} : vector<576x4096xf32> to vector<576x128xf32>
    %mul3A_540 = arith.constant 4096 : i32
    %mul3A_541 = arith.muli %arg1, %mul3A_540 : i32
    %add3A_542 = arith.constant 2176 : i32
    %add3A_543 = arith.addi %mul3A_541, %add3A_542 : i32
    %add3A_544 = vector.broadcast %add3A_543 : i32 to vector<576x128xi32>
    %add3A_545 = arith.addi %iota3A, %add3A_544 : vector<576x128xi32>
    %lt3A_546 = arith.cmpf olt, %slice3A_539, %min3A_537 : vector<576x128xf32>
    %min3A_547 = arith.minimumf %slice3A_539, %min3A_537 : vector<576x128xf32>
    %select_n3A_548 = arith.select %lt3A_546, %add3A_545, %select_n3A_538 : vector<576x128xi1>, vector<576x128xi32>
    %slice3A_549 = vector.extract_strided_slice %dot_general3A_358 {offsets = [0, 2304], sizes = [576, 128], strides = [1, 1]} : vector<576x4096xf32> to vector<576x128xf32>
    %mul3A_550 = arith.constant 4096 : i32
    %mul3A_551 = arith.muli %arg1, %mul3A_550 : i32
    %add3A_552 = arith.constant 2304 : i32
    %add3A_553 = arith.addi %mul3A_551, %add3A_552 : i32
    %add3A_554 = vector.broadcast %add3A_553 : i32 to vector<576x128xi32>
    %add3A_555 = arith.addi %iota3A, %add3A_554 : vector<576x128xi32>
    %lt3A_556 = arith.cmpf olt, %slice3A_549, %min3A_547 : vector<576x128xf32>
    %min3A_557 = arith.minimumf %slice3A_549, %min3A_547 : vector<576x128xf32>
    %select_n3A_558 = arith.select %lt3A_556, %add3A_555, %select_n3A_548 : vector<576x128xi1>, vector<576x128xi32>
    %slice3A_559 = vector.extract_strided_slice %dot_general3A_358 {offsets = [0, 2432], sizes = [576, 128], strides = [1, 1]} : vector<576x4096xf32> to vector<576x128xf32>
    %mul3A_560 = arith.constant 4096 : i32
    %mul3A_561 = arith.muli %arg1, %mul3A_560 : i32
    %add3A_562 = arith.constant 2432 : i32
    %add3A_563 = arith.addi %mul3A_561, %add3A_562 : i32
    %add3A_564 = vector.broadcast %add3A_563 : i32 to vector<576x128xi32>
    %add3A_565 = arith.addi %iota3A, %add3A_564 : vector<576x128xi32>
    %lt3A_566 = arith.cmpf olt, %slice3A_559, %min3A_557 : vector<576x128xf32>
    %min3A_567 = arith.minimumf %slice3A_559, %min3A_557 : vector<576x128xf32>
    %select_n3A_568 = arith.select %lt3A_566, %add3A_565, %select_n3A_558 : vector<576x128xi1>, vector<576x128xi32>
    %slice3A_569 = vector.extract_strided_slice %dot_general3A_358 {offsets = [0, 2560], sizes = [576, 128], strides = [1, 1]} : vector<576x4096xf32> to vector<576x128xf32>
    %mul3A_570 = arith.constant 4096 : i32
    %mul3A_571 = arith.muli %arg1, %mul3A_570 : i32
    %add3A_572 = arith.constant 2560 : i32
    %add3A_573 = arith.addi %mul3A_571, %add3A_572 : i32
    %add3A_574 = vector.broadcast %add3A_573 : i32 to vector<576x128xi32>
    %add3A_575 = arith.addi %iota3A, %add3A_574 : vector<576x128xi32>
    %lt3A_576 = arith.cmpf olt, %slice3A_569, %min3A_567 : vector<576x128xf32>
    %min3A_577 = arith.minimumf %slice3A_569, %min3A_567 : vector<576x128xf32>
    %select_n3A_578 = arith.select %lt3A_576, %add3A_575, %select_n3A_568 : vector<576x128xi1>, vector<576x128xi32>
    %slice3A_579 = vector.extract_strided_slice %dot_general3A_358 {offsets = [0, 2688], sizes = [576, 128], strides = [1, 1]} : vector<576x4096xf32> to vector<576x128xf32>
    %mul3A_580 = arith.constant 4096 : i32
    %mul3A_581 = arith.muli %arg1, %mul3A_580 : i32
    %add3A_582 = arith.constant 2688 : i32
    %add3A_583 = arith.addi %mul3A_581, %add3A_582 : i32
    %add3A_584 = vector.broadcast %add3A_583 : i32 to vector<576x128xi32>
    %add3A_585 = arith.addi %iota3A, %add3A_584 : vector<576x128xi32>
    %lt3A_586 = arith.cmpf olt, %slice3A_579, %min3A_577 : vector<576x128xf32>
    %min3A_587 = arith.minimumf %slice3A_579, %min3A_577 : vector<576x128xf32>
    %select_n3A_588 = arith.select %lt3A_586, %add3A_585, %select_n3A_578 : vector<576x128xi1>, vector<576x128xi32>
    %slice3A_589 = vector.extract_strided_slice %dot_general3A_358 {offsets = [0, 2816], sizes = [576, 128], strides = [1, 1]} : vector<576x4096xf32> to vector<576x128xf32>
    %mul3A_590 = arith.constant 4096 : i32
    %mul3A_591 = arith.muli %arg1, %mul3A_590 : i32
    %add3A_592 = arith.constant 2816 : i32
    %add3A_593 = arith.addi %mul3A_591, %add3A_592 : i32
    %add3A_594 = vector.broadcast %add3A_593 : i32 to vector<576x128xi32>
    %add3A_595 = arith.addi %iota3A, %add3A_594 : vector<576x128xi32>
    %lt3A_596 = arith.cmpf olt, %slice3A_589, %min3A_587 : vector<576x128xf32>
    %min3A_597 = arith.minimumf %slice3A_589, %min3A_587 : vector<576x128xf32>
    %select_n3A_598 = arith.select %lt3A_596, %add3A_595, %select_n3A_588 : vector<576x128xi1>, vector<576x128xi32>
    %slice3A_599 = vector.extract_strided_slice %dot_general3A_358 {offsets = [0, 2944], sizes = [576, 128], strides = [1, 1]} : vector<576x4096xf32> to vector<576x128xf32>
    %mul3A_600 = arith.constant 4096 : i32
    %mul3A_601 = arith.muli %arg1, %mul3A_600 : i32
    %add3A_602 = arith.constant 2944 : i32
    %add3A_603 = arith.addi %mul3A_601, %add3A_602 : i32
    %add3A_604 = vector.broadcast %add3A_603 : i32 to vector<576x128xi32>
    %add3A_605 = arith.addi %iota3A, %add3A_604 : vector<576x128xi32>
    %lt3A_606 = arith.cmpf olt, %slice3A_599, %min3A_597 : vector<576x128xf32>
    %min3A_607 = arith.minimumf %slice3A_599, %min3A_597 : vector<576x128xf32>
    %select_n3A_608 = arith.select %lt3A_606, %add3A_605, %select_n3A_598 : vector<576x128xi1>, vector<576x128xi32>
    %slice3A_609 = vector.extract_strided_slice %dot_general3A_358 {offsets = [0, 3072], sizes = [576, 128], strides = [1, 1]} : vector<576x4096xf32> to vector<576x128xf32>
    %mul3A_610 = arith.constant 4096 : i32
    %mul3A_611 = arith.muli %arg1, %mul3A_610 : i32
    %add3A_612 = arith.constant 3072 : i32
    %add3A_613 = arith.addi %mul3A_611, %add3A_612 : i32
    %add3A_614 = vector.broadcast %add3A_613 : i32 to vector<576x128xi32>
    %add3A_615 = arith.addi %iota3A, %add3A_614 : vector<576x128xi32>
    %lt3A_616 = arith.cmpf olt, %slice3A_609, %min3A_607 : vector<576x128xf32>
    %min3A_617 = arith.minimumf %slice3A_609, %min3A_607 : vector<576x128xf32>
    %select_n3A_618 = arith.select %lt3A_616, %add3A_615, %select_n3A_608 : vector<576x128xi1>, vector<576x128xi32>
    %slice3A_619 = vector.extract_strided_slice %dot_general3A_358 {offsets = [0, 3200], sizes = [576, 128], strides = [1, 1]} : vector<576x4096xf32> to vector<576x128xf32>
    %mul3A_620 = arith.constant 4096 : i32
    %mul3A_621 = arith.muli %arg1, %mul3A_620 : i32
    %add3A_622 = arith.constant 3200 : i32
    %add3A_623 = arith.addi %mul3A_621, %add3A_622 : i32
    %add3A_624 = vector.broadcast %add3A_623 : i32 to vector<576x128xi32>
    %add3A_625 = arith.addi %iota3A, %add3A_624 : vector<576x128xi32>
    %lt3A_626 = arith.cmpf olt, %slice3A_619, %min3A_617 : vector<576x128xf32>
    %min3A_627 = arith.minimumf %slice3A_619, %min3A_617 : vector<576x128xf32>
    %select_n3A_628 = arith.select %lt3A_626, %add3A_625, %select_n3A_618 : vector<576x128xi1>, vector<576x128xi32>
    %slice3A_629 = vector.extract_strided_slice %dot_general3A_358 {offsets = [0, 3328], sizes = [576, 128], strides = [1, 1]} : vector<576x4096xf32> to vector<576x128xf32>
    %mul3A_630 = arith.constant 4096 : i32
    %mul3A_631 = arith.muli %arg1, %mul3A_630 : i32
    %add3A_632 = arith.constant 3328 : i32
    %add3A_633 = arith.addi %mul3A_631, %add3A_632 : i32
    %add3A_634 = vector.broadcast %add3A_633 : i32 to vector<576x128xi32>
    %add3A_635 = arith.addi %iota3A, %add3A_634 : vector<576x128xi32>
    %lt3A_636 = arith.cmpf olt, %slice3A_629, %min3A_627 : vector<576x128xf32>
    %min3A_637 = arith.minimumf %slice3A_629, %min3A_627 : vector<576x128xf32>
    %select_n3A_638 = arith.select %lt3A_636, %add3A_635, %select_n3A_628 : vector<576x128xi1>, vector<576x128xi32>
    %slice3A_639 = vector.extract_strided_slice %dot_general3A_358 {offsets = [0, 3456], sizes = [576, 128], strides = [1, 1]} : vector<576x4096xf32> to vector<576x128xf32>
    %mul3A_640 = arith.constant 4096 : i32
    %mul3A_641 = arith.muli %arg1, %mul3A_640 : i32
    %add3A_642 = arith.constant 3456 : i32
    %add3A_643 = arith.addi %mul3A_641, %add3A_642 : i32
    %add3A_644 = vector.broadcast %add3A_643 : i32 to vector<576x128xi32>
    %add3A_645 = arith.addi %iota3A, %add3A_644 : vector<576x128xi32>
    %lt3A_646 = arith.cmpf olt, %slice3A_639, %min3A_637 : vector<576x128xf32>
    %min3A_647 = arith.minimumf %slice3A_639, %min3A_637 : vector<576x128xf32>
    %select_n3A_648 = arith.select %lt3A_646, %add3A_645, %select_n3A_638 : vector<576x128xi1>, vector<576x128xi32>
    %slice3A_649 = vector.extract_strided_slice %dot_general3A_358 {offsets = [0, 3584], sizes = [576, 128], strides = [1, 1]} : vector<576x4096xf32> to vector<576x128xf32>
    %mul3A_650 = arith.constant 4096 : i32
    %mul3A_651 = arith.muli %arg1, %mul3A_650 : i32
    %add3A_652 = arith.constant 3584 : i32
    %add3A_653 = arith.addi %mul3A_651, %add3A_652 : i32
    %add3A_654 = vector.broadcast %add3A_653 : i32 to vector<576x128xi32>
    %add3A_655 = arith.addi %iota3A, %add3A_654 : vector<576x128xi32>
    %lt3A_656 = arith.cmpf olt, %slice3A_649, %min3A_647 : vector<576x128xf32>
    %min3A_657 = arith.minimumf %slice3A_649, %min3A_647 : vector<576x128xf32>
    %select_n3A_658 = arith.select %lt3A_656, %add3A_655, %select_n3A_648 : vector<576x128xi1>, vector<576x128xi32>
    %slice3A_659 = vector.extract_strided_slice %dot_general3A_358 {offsets = [0, 3712], sizes = [576, 128], strides = [1, 1]} : vector<576x4096xf32> to vector<576x128xf32>
    %mul3A_660 = arith.constant 4096 : i32
    %mul3A_661 = arith.muli %arg1, %mul3A_660 : i32
    %add3A_662 = arith.constant 3712 : i32
    %add3A_663 = arith.addi %mul3A_661, %add3A_662 : i32
    %add3A_664 = vector.broadcast %add3A_663 : i32 to vector<576x128xi32>
    %add3A_665 = arith.addi %iota3A, %add3A_664 : vector<576x128xi32>
    %lt3A_666 = arith.cmpf olt, %slice3A_659, %min3A_657 : vector<576x128xf32>
    %min3A_667 = arith.minimumf %slice3A_659, %min3A_657 : vector<576x128xf32>
    %select_n3A_668 = arith.select %lt3A_666, %add3A_665, %select_n3A_658 : vector<576x128xi1>, vector<576x128xi32>
    %slice3A_669 = vector.extract_strided_slice %dot_general3A_358 {offsets = [0, 3840], sizes = [576, 128], strides = [1, 1]} : vector<576x4096xf32> to vector<576x128xf32>
    %mul3A_670 = arith.constant 4096 : i32
    %mul3A_671 = arith.muli %arg1, %mul3A_670 : i32
    %add3A_672 = arith.constant 3840 : i32
    %add3A_673 = arith.addi %mul3A_671, %add3A_672 : i32
    %add3A_674 = vector.broadcast %add3A_673 : i32 to vector<576x128xi32>
    %add3A_675 = arith.addi %iota3A, %add3A_674 : vector<576x128xi32>
    %lt3A_676 = arith.cmpf olt, %slice3A_669, %min3A_667 : vector<576x128xf32>
    %min3A_677 = arith.minimumf %slice3A_669, %min3A_667 : vector<576x128xf32>
    %select_n3A_678 = arith.select %lt3A_676, %add3A_675, %select_n3A_668 : vector<576x128xi1>, vector<576x128xi32>
    %slice3A_679 = vector.extract_strided_slice %dot_general3A_358 {offsets = [0, 3968], sizes = [576, 128], strides = [1, 1]} : vector<576x4096xf32> to vector<576x128xf32>
    %mul3A_680 = arith.constant 4096 : i32
    %mul3A_681 = arith.muli %arg1, %mul3A_680 : i32
    %add3A_682 = arith.constant 3968 : i32
    %add3A_683 = arith.addi %mul3A_681, %add3A_682 : i32
    %add3A_684 = vector.broadcast %add3A_683 : i32 to vector<576x128xi32>
    %add3A_685 = arith.addi %iota3A, %add3A_684 : vector<576x128xi32>
    %lt3A_686 = arith.cmpf olt, %slice3A_679, %min3A_677 : vector<576x128xf32>
    %min3A_687 = arith.minimumf %slice3A_679, %min3A_677 : vector<576x128xf32>
    %select_n3A_688 = arith.select %lt3A_686, %add3A_685, %select_n3A_678 : vector<576x128xi1>, vector<576x128xi32>
    %swap3A_689 = arith.constant 1 : index
    %swap3A_690 = arith.constant 0 : index
    %swap3A_691 = arith.constant 0 : index
    %swap3A_692 = vector.load %arg5[%swap3A_689, %swap3A_690, %swap3A_691] : memref<8x576x128xf32, #tpu.memory_space<vmem>>, vector<1x576x128xf32>
    %swap3A_693 = vector.shape_cast %swap3A_692 : vector<1x576x128xf32> to vector<576x128xf32>
    %swap3A_694 = vector.shape_cast %min3A_687 : vector<576x128xf32> to vector<1x576x128xf32>
    tpu.vector_store %arg5[%swap3A_689, %swap3A_690, %swap3A_691], %swap3A_694 {strides = array<i32>} : memref<8x576x128xf32, #tpu.memory_space<vmem>>, vector<1x576x128xf32>,
    %swap3A_695 = arith.constant 1 : index
    %swap3A_696 = arith.constant 0 : index
    %swap3A_697 = arith.constant 0 : index
    %swap3A_698 = vector.load %arg6[%swap3A_695, %swap3A_696, %swap3A_697] : memref<8x576x128xi32, #tpu.memory_space<vmem>>, vector<1x576x128xi32>
    %swap3A_699 = vector.shape_cast %swap3A_698 : vector<1x576x128xi32> to vector<576x128xi32>
    %swap3A_700 = vector.shape_cast %select_n3A_688 : vector<576x128xi32> to vector<1x576x128xi32>
    tpu.vector_store %arg6[%swap3A_695, %swap3A_696, %swap3A_697], %swap3A_700 {strides = array<i32>} : memref<8x576x128xi32, #tpu.memory_space<vmem>>, vector<1x576x128xi32>,
    %get3A_701 = arith.constant 0 : index
    %get3A_702 = arith.constant 0 : index
    %get3A_703 = arith.constant 256 : index
    %get3A_704 = vector.load %arg2[%get3A_701, %get3A_702, %get3A_703] : memref<1x576x1024xbf16, #tpu.memory_space<vmem>>, vector<1x576x128xbf16>
    %get3A_705 = vector.shape_cast %get3A_704 : vector<1x576x128xbf16> to vector<576x128xbf16>
    %get3A_706 = arith.constant 2 : index
    %get3A_707 = arith.constant 0 : index
    %get3A_708 = arith.constant 0 : index
    %get3A_709 = vector.load %arg3[%get3A_706, %get3A_707, %get3A_708] : memref<8x4096x128xbf16, #tpu.memory_space<vmem>>, vector<1x4096x128xbf16>
    %get3A_710 = vector.shape_cast %get3A_709 : vector<1x4096x128xbf16> to vector<4096x128xbf16>
    %dot_general3A_711 = arith.constant dense<0.000000e+00> : vector<576x4096xf32>
    %dot_general3A_712 = tpu.matmul %get3A_705, %get3A_710, %dot_general3A_711 {dimension_numbers = #tpu.dot_dimension_numbers<[1], [1], [0], [0], [0, 0, 1, 0], [], []>, transpose_lhs_hint = false} : vector<576x128xbf16>, vector<4096x128xbf16>, vector<576x4096xf32> -> vector<576x4096xf32>
    %get3A_713 = arith.constant 2 : index
    %get3A_714 = arith.constant 0 : index
    %get3A_715 = arith.constant 0 : index
    %get3A_716 = vector.load %arg5[%get3A_713, %get3A_714, %get3A_715] : memref<8x576x128xf32, #tpu.memory_space<vmem>>, vector<1x576x128xf32>
    %get3A_717 = vector.shape_cast %get3A_716 : vector<1x576x128xf32> to vector<576x128xf32>
    %get3A_718 = arith.constant 2 : index
    %get3A_719 = arith.constant 0 : index
    %get3A_720 = arith.constant 0 : index
    %get3A_721 = vector.load %arg6[%get3A_718, %get3A_719, %get3A_720] : memref<8x576x128xi32, #tpu.memory_space<vmem>>, vector<1x576x128xi32>
    %get3A_722 = vector.shape_cast %get3A_721 : vector<1x576x128xi32> to vector<576x128xi32>
    %slice3A_723 = vector.extract_strided_slice %dot_general3A_712 {offsets = [0, 0], sizes = [576, 128], strides = [1, 1]} : vector<576x4096xf32> to vector<576x128xf32>
    %mul3A_724 = arith.constant 4096 : i32
    %mul3A_725 = arith.muli %arg1, %mul3A_724 : i32
    %add3A_726 = arith.constant 0 : i32
    %add3A_727 = arith.addi %mul3A_725, %add3A_726 : i32
    %add3A_728 = vector.broadcast %add3A_727 : i32 to vector<576x128xi32>
    %add3A_729 = arith.addi %iota3A, %add3A_728 : vector<576x128xi32>
    %lt3A_730 = arith.cmpf olt, %slice3A_723, %get3A_717 : vector<576x128xf32>
    %min3A_731 = arith.minimumf %slice3A_723, %get3A_717 : vector<576x128xf32>
    %select_n3A_732 = arith.select %lt3A_730, %add3A_729, %get3A_722 : vector<576x128xi1>, vector<576x128xi32>
    %slice3A_733 = vector.extract_strided_slice %dot_general3A_712 {offsets = [0, 128], sizes = [576, 128], strides = [1, 1]} : vector<576x4096xf32> to vector<576x128xf32>
    %mul3A_734 = arith.constant 4096 : i32
    %mul3A_735 = arith.muli %arg1, %mul3A_734 : i32
    %add3A_736 = arith.constant 128 : i32
    %add3A_737 = arith.addi %mul3A_735, %add3A_736 : i32
    %add3A_738 = vector.broadcast %add3A_737 : i32 to vector<576x128xi32>
    %add3A_739 = arith.addi %iota3A, %add3A_738 : vector<576x128xi32>
    %lt3A_740 = arith.cmpf olt, %slice3A_733, %min3A_731 : vector<576x128xf32>
    %min3A_741 = arith.minimumf %slice3A_733, %min3A_731 : vector<576x128xf32>
    %select_n3A_742 = arith.select %lt3A_740, %add3A_739, %select_n3A_732 : vector<576x128xi1>, vector<576x128xi32>
    %slice3A_743 = vector.extract_strided_slice %dot_general3A_712 {offsets = [0, 256], sizes = [576, 128], strides = [1, 1]} : vector<576x4096xf32> to vector<576x128xf32>
    %mul3A_744 = arith.constant 4096 : i32
    %mul3A_745 = arith.muli %arg1, %mul3A_744 : i32
    %add3A_746 = arith.constant 256 : i32
    %add3A_747 = arith.addi %mul3A_745, %add3A_746 : i32
    %add3A_748 = vector.broadcast %add3A_747 : i32 to vector<576x128xi32>
    %add3A_749 = arith.addi %iota3A, %add3A_748 : vector<576x128xi32>
    %lt3A_750 = arith.cmpf olt, %slice3A_743, %min3A_741 : vector<576x128xf32>
    %min3A_751 = arith.minimumf %slice3A_743, %min3A_741 : vector<576x128xf32>
    %select_n3A_752 = arith.select %lt3A_750, %add3A_749, %select_n3A_742 : vector<576x128xi1>, vector<576x128xi32>
    %slice3A_753 = vector.extract_strided_slice %dot_general3A_712 {offsets = [0, 384], sizes = [576, 128], strides = [1, 1]} : vector<576x4096xf32> to vector<576x128xf32>
    %mul3A_754 = arith.constant 4096 : i32
    %mul3A_755 = arith.muli %arg1, %mul3A_754 : i32
    %add3A_756 = arith.constant 384 : i32
    %add3A_757 = arith.addi %mul3A_755, %add3A_756 : i32
    %add3A_758 = vector.broadcast %add3A_757 : i32 to vector<576x128xi32>
    %add3A_759 = arith.addi %iota3A, %add3A_758 : vector<576x128xi32>
    %lt3A_760 = arith.cmpf olt, %slice3A_753, %min3A_751 : vector<576x128xf32>
    %min3A_761 = arith.minimumf %slice3A_753, %min3A_751 : vector<576x128xf32>
    %select_n3A_762 = arith.select %lt3A_760, %add3A_759, %select_n3A_752 : vector<576x128xi1>, vector<576x128xi32>
    %slice3A_763 = vector.extract_strided_slice %dot_general3A_712 {offsets = [0, 512], sizes = [576, 128], strides = [1, 1]} : vector<576x4096xf32> to vector<576x128xf32>
    %mul3A_764 = arith.constant 4096 : i32
    %mul3A_765 = arith.muli %arg1, %mul3A_764 : i32
    %add3A_766 = arith.constant 512 : i32
    %add3A_767 = arith.addi %mul3A_765, %add3A_766 : i32
    %add3A_768 = vector.broadcast %add3A_767 : i32 to vector<576x128xi32>
    %add3A_769 = arith.addi %iota3A, %add3A_768 : vector<576x128xi32>
    %lt3A_770 = arith.cmpf olt, %slice3A_763, %min3A_761 : vector<576x128xf32>
    %min3A_771 = arith.minimumf %slice3A_763, %min3A_761 : vector<576x128xf32>
    %select_n3A_772 = arith.select %lt3A_770, %add3A_769, %select_n3A_762 : vector<576x128xi1>, vector<576x128xi32>
    %slice3A_773 = vector.extract_strided_slice %dot_general3A_712 {offsets = [0, 640], sizes = [576, 128], strides = [1, 1]} : vector<576x4096xf32> to vector<576x128xf32>
    %mul3A_774 = arith.constant 4096 : i32
    %mul3A_775 = arith.muli %arg1, %mul3A_774 : i32
    %add3A_776 = arith.constant 640 : i32
    %add3A_777 = arith.addi %mul3A_775, %add3A_776 : i32
    %add3A_778 = vector.broadcast %add3A_777 : i32 to vector<576x128xi32>
    %add3A_779 = arith.addi %iota3A, %add3A_778 : vector<576x128xi32>
    %lt3A_780 = arith.cmpf olt, %slice3A_773, %min3A_771 : vector<576x128xf32>
    %min3A_781 = arith.minimumf %slice3A_773, %min3A_771 : vector<576x128xf32>
    %select_n3A_782 = arith.select %lt3A_780, %add3A_779, %select_n3A_772 : vector<576x128xi1>, vector<576x128xi32>
    %slice3A_783 = vector.extract_strided_slice %dot_general3A_712 {offsets = [0, 768], sizes = [576, 128], strides = [1, 1]} : vector<576x4096xf32> to vector<576x128xf32>
    %mul3A_784 = arith.constant 4096 : i32
    %mul3A_785 = arith.muli %arg1, %mul3A_784 : i32
    %add3A_786 = arith.constant 768 : i32
    %add3A_787 = arith.addi %mul3A_785, %add3A_786 : i32
    %add3A_788 = vector.broadcast %add3A_787 : i32 to vector<576x128xi32>
    %add3A_789 = arith.addi %iota3A, %add3A_788 : vector<576x128xi32>
    %lt3A_790 = arith.cmpf olt, %slice3A_783, %min3A_781 : vector<576x128xf32>
    %min3A_791 = arith.minimumf %slice3A_783, %min3A_781 : vector<576x128xf32>
    %select_n3A_792 = arith.select %lt3A_790, %add3A_789, %select_n3A_782 : vector<576x128xi1>, vector<576x128xi32>
    %slice3A_793 = vector.extract_strided_slice %dot_general3A_712 {offsets = [0, 896], sizes = [576, 128], strides = [1, 1]} : vector<576x4096xf32> to vector<576x128xf32>
    %mul3A_794 = arith.constant 4096 : i32
    %mul3A_795 = arith.muli %arg1, %mul3A_794 : i32
    %add3A_796 = arith.constant 896 : i32
    %add3A_797 = arith.addi %mul3A_795, %add3A_796 : i32
    %add3A_798 = vector.broadcast %add3A_797 : i32 to vector<576x128xi32>
    %add3A_799 = arith.addi %iota3A, %add3A_798 : vector<576x128xi32>
    %lt3A_800 = arith.cmpf olt, %slice3A_793, %min3A_791 : vector<576x128xf32>
    %min3A_801 = arith.minimumf %slice3A_793, %min3A_791 : vector<576x128xf32>
    %select_n3A_802 = arith.select %lt3A_800, %add3A_799, %select_n3A_792 : vector<576x128xi1>, vector<576x128xi32>
    %slice3A_803 = vector.extract_strided_slice %dot_general3A_712 {offsets = [0, 1024], sizes = [576, 128], strides = [1, 1]} : vector<576x4096xf32> to vector<576x128xf32>
    %mul3A_804 = arith.constant 4096 : i32
    %mul3A_805 = arith.muli %arg1, %mul3A_804 : i32
    %add3A_806 = arith.constant 1024 : i32
    %add3A_807 = arith.addi %mul3A_805, %add3A_806 : i32
    %add3A_808 = vector.broadcast %add3A_807 : i32 to vector<576x128xi32>
    %add3A_809 = arith.addi %iota3A, %add3A_808 : vector<576x128xi32>
    %lt3A_810 = arith.cmpf olt, %slice3A_803, %min3A_801 : vector<576x128xf32>
    %min3A_811 = arith.minimumf %slice3A_803, %min3A_801 : vector<576x128xf32>
    %select_n3A_812 = arith.select %lt3A_810, %add3A_809, %select_n3A_802 : vector<576x128xi1>, vector<576x128xi32>
    %slice3A_813 = vector.extract_strided_slice %dot_general3A_712 {offsets = [0, 1152], sizes = [576, 128], strides = [1, 1]} : vector<576x4096xf32> to vector<576x128xf32>
    %mul3A_814 = arith.constant 4096 : i32
    %mul3A_815 = arith.muli %arg1, %mul3A_814 : i32
    %add3A_816 = arith.constant 1152 : i32
    %add3A_817 = arith.addi %mul3A_815, %add3A_816 : i32
    %add3A_818 = vector.broadcast %add3A_817 : i32 to vector<576x128xi32>
    %add3A_819 = arith.addi %iota3A, %add3A_818 : vector<576x128xi32>
    %lt3A_820 = arith.cmpf olt, %slice3A_813, %min3A_811 : vector<576x128xf32>
    %min3A_821 = arith.minimumf %slice3A_813, %min3A_811 : vector<576x128xf32>
    %select_n3A_822 = arith.select %lt3A_820, %add3A_819, %select_n3A_812 : vector<576x128xi1>, vector<576x128xi32>
    %slice3A_823 = vector.extract_strided_slice %dot_general3A_712 {offsets = [0, 1280], sizes = [576, 128], strides = [1, 1]} : vector<576x4096xf32> to vector<576x128xf32>
    %mul3A_824 = arith.constant 4096 : i32
    %mul3A_825 = arith.muli %arg1, %mul3A_824 : i32
    %add3A_826 = arith.constant 1280 : i32
    %add3A_827 = arith.addi %mul3A_825, %add3A_826 : i32
    %add3A_828 = vector.broadcast %add3A_827 : i32 to vector<576x128xi32>
    %add3A_829 = arith.addi %iota3A, %add3A_828 : vector<576x128xi32>
    %lt3A_830 = arith.cmpf olt, %slice3A_823, %min3A_821 : vector<576x128xf32>
    %min3A_831 = arith.minimumf %slice3A_823, %min3A_821 : vector<576x128xf32>
    %select_n3A_832 = arith.select %lt3A_830, %add3A_829, %select_n3A_822 : vector<576x128xi1>, vector<576x128xi32>
    %slice3A_833 = vector.extract_strided_slice %dot_general3A_712 {offsets = [0, 1408], sizes = [576, 128], strides = [1, 1]} : vector<576x4096xf32> to vector<576x128xf32>
    %mul3A_834 = arith.constant 4096 : i32
    %mul3A_835 = arith.muli %arg1, %mul3A_834 : i32
    %add3A_836 = arith.constant 1408 : i32
    %add3A_837 = arith.addi %mul3A_835, %add3A_836 : i32
    %add3A_838 = vector.broadcast %add3A_837 : i32 to vector<576x128xi32>
    %add3A_839 = arith.addi %iota3A, %add3A_838 : vector<576x128xi32>
    %lt3A_840 = arith.cmpf olt, %slice3A_833, %min3A_831 : vector<576x128xf32>
    %min3A_841 = arith.minimumf %slice3A_833, %min3A_831 : vector<576x128xf32>
    %select_n3A_842 = arith.select %lt3A_840, %add3A_839, %select_n3A_832 : vector<576x128xi1>, vector<576x128xi32>
    %slice3A_843 = vector.extract_strided_slice %dot_general3A_712 {offsets = [0, 1536], sizes = [576, 128], strides = [1, 1]} : vector<576x4096xf32> to vector<576x128xf32>
    %mul3A_844 = arith.constant 4096 : i32
    %mul3A_845 = arith.muli %arg1, %mul3A_844 : i32
    %add3A_846 = arith.constant 1536 : i32
    %add3A_847 = arith.addi %mul3A_845, %add3A_846 : i32
    %add3A_848 = vector.broadcast %add3A_847 : i32 to vector<576x128xi32>
    %add3A_849 = arith.addi %iota3A, %add3A_848 : vector<576x128xi32>
    %lt3A_850 = arith.cmpf olt, %slice3A_843, %min3A_841 : vector<576x128xf32>
    %min3A_851 = arith.minimumf %slice3A_843, %min3A_841 : vector<576x128xf32>
    %select_n3A_852 = arith.select %lt3A_850, %add3A_849, %select_n3A_842 : vector<576x128xi1>, vector<576x128xi32>
    %slice3A_853 = vector.extract_strided_slice %dot_general3A_712 {offsets = [0, 1664], sizes = [576, 128], strides = [1, 1]} : vector<576x4096xf32> to vector<576x128xf32>
    %mul3A_854 = arith.constant 4096 : i32
    %mul3A_855 = arith.muli %arg1, %mul3A_854 : i32
    %add3A_856 = arith.constant 1664 : i32
    %add3A_857 = arith.addi %mul3A_855, %add3A_856 : i32
    %add3A_858 = vector.broadcast %add3A_857 : i32 to vector<576x128xi32>
    %add3A_859 = arith.addi %iota3A, %add3A_858 : vector<576x128xi32>
    %lt3A_860 = arith.cmpf olt, %slice3A_853, %min3A_851 : vector<576x128xf32>
    %min3A_861 = arith.minimumf %slice3A_853, %min3A_851 : vector<576x128xf32>
    %select_n3A_862 = arith.select %lt3A_860, %add3A_859, %select_n3A_852 : vector<576x128xi1>, vector<576x128xi32>
    %slice3A_863 = vector.extract_strided_slice %dot_general3A_712 {offsets = [0, 1792], sizes = [576, 128], strides = [1, 1]} : vector<576x4096xf32> to vector<576x128xf32>
    %mul3A_864 = arith.constant 4096 : i32
    %mul3A_865 = arith.muli %arg1, %mul3A_864 : i32
    %add3A_866 = arith.constant 1792 : i32
    %add3A_867 = arith.addi %mul3A_865, %add3A_866 : i32
    %add3A_868 = vector.broadcast %add3A_867 : i32 to vector<576x128xi32>
    %add3A_869 = arith.addi %iota3A, %add3A_868 : vector<576x128xi32>
    %lt3A_870 = arith.cmpf olt, %slice3A_863, %min3A_861 : vector<576x128xf32>
    %min3A_871 = arith.minimumf %slice3A_863, %min3A_861 : vector<576x128xf32>
    %select_n3A_872 = arith.select %lt3A_870, %add3A_869, %select_n3A_862 : vector<576x128xi1>, vector<576x128xi32>
    %slice3A_873 = vector.extract_strided_slice %dot_general3A_712 {offsets = [0, 1920], sizes = [576, 128], strides = [1, 1]} : vector<576x4096xf32> to vector<576x128xf32>
    %mul3A_874 = arith.constant 4096 : i32
    %mul3A_875 = arith.muli %arg1, %mul3A_874 : i32
    %add3A_876 = arith.constant 1920 : i32
    %add3A_877 = arith.addi %mul3A_875, %add3A_876 : i32
    %add3A_878 = vector.broadcast %add3A_877 : i32 to vector<576x128xi32>
    %add3A_879 = arith.addi %iota3A, %add3A_878 : vector<576x128xi32>
    %lt3A_880 = arith.cmpf olt, %slice3A_873, %min3A_871 : vector<576x128xf32>
    %min3A_881 = arith.minimumf %slice3A_873, %min3A_871 : vector<576x128xf32>
    %select_n3A_882 = arith.select %lt3A_880, %add3A_879, %select_n3A_872 : vector<576x128xi1>, vector<576x128xi32>
    %slice3A_883 = vector.extract_strided_slice %dot_general3A_712 {offsets = [0, 2048], sizes = [576, 128], strides = [1, 1]} : vector<576x4096xf32> to vector<576x128xf32>
    %mul3A_884 = arith.constant 4096 : i32
    %mul3A_885 = arith.muli %arg1, %mul3A_884 : i32
    %add3A_886 = arith.constant 2048 : i32
    %add3A_887 = arith.addi %mul3A_885, %add3A_886 : i32
    %add3A_888 = vector.broadcast %add3A_887 : i32 to vector<576x128xi32>
    %add3A_889 = arith.addi %iota3A, %add3A_888 : vector<576x128xi32>
    %lt3A_890 = arith.cmpf olt, %slice3A_883, %min3A_881 : vector<576x128xf32>
    %min3A_891 = arith.minimumf %slice3A_883, %min3A_881 : vector<576x128xf32>
    %select_n3A_892 = arith.select %lt3A_890, %add3A_889, %select_n3A_882 : vector<576x128xi1>, vector<576x128xi32>
    %slice3A_893 = vector.extract_strided_slice %dot_general3A_712 {offsets = [0, 2176], sizes = [576, 128], strides = [1, 1]} : vector<576x4096xf32> to vector<576x128xf32>
    %mul3A_894 = arith.constant 4096 : i32
    %mul3A_895 = arith.muli %arg1, %mul3A_894 : i32
    %add3A_896 = arith.constant 2176 : i32
    %add3A_897 = arith.addi %mul3A_895, %add3A_896 : i32
    %add3A_898 = vector.broadcast %add3A_897 : i32 to vector<576x128xi32>
    %add3A_899 = arith.addi %iota3A, %add3A_898 : vector<576x128xi32>
    %lt3A_900 = arith.cmpf olt, %slice3A_893, %min3A_891 : vector<576x128xf32>
    %min3A_901 = arith.minimumf %slice3A_893, %min3A_891 : vector<576x128xf32>
    %select_n3A_902 = arith.select %lt3A_900, %add3A_899, %select_n3A_892 : vector<576x128xi1>, vector<576x128xi32>
    %slice3A_903 = vector.extract_strided_slice %dot_general3A_712 {offsets = [0, 2304], sizes = [576, 128], strides = [1, 1]} : vector<576x4096xf32> to vector<576x128xf32>
    %mul3A_904 = arith.constant 4096 : i32
    %mul3A_905 = arith.muli %arg1, %mul3A_904 : i32
    %add3A_906 = arith.constant 2304 : i32
    %add3A_907 = arith.addi %mul3A_905, %add3A_906 : i32
    %add3A_908 = vector.broadcast %add3A_907 : i32 to vector<576x128xi32>
    %add3A_909 = arith.addi %iota3A, %add3A_908 : vector<576x128xi32>
    %lt3A_910 = arith.cmpf olt, %slice3A_903, %min3A_901 : vector<576x128xf32>
    %min3A_911 = arith.minimumf %slice3A_903, %min3A_901 : vector<576x128xf32>
    %select_n3A_912 = arith.select %lt3A_910, %add3A_909, %select_n3A_902 : vector<576x128xi1>, vector<576x128xi32>
    %slice3A_913 = vector.extract_strided_slice %dot_general3A_712 {offsets = [0, 2432], sizes = [576, 128], strides = [1, 1]} : vector<576x4096xf32> to vector<576x128xf32>
    %mul3A_914 = arith.constant 4096 : i32
    %mul3A_915 = arith.muli %arg1, %mul3A_914 : i32
    %add3A_916 = arith.constant 2432 : i32
    %add3A_917 = arith.addi %mul3A_915, %add3A_916 : i32
    %add3A_918 = vector.broadcast %add3A_917 : i32 to vector<576x128xi32>
    %add3A_919 = arith.addi %iota3A, %add3A_918 : vector<576x128xi32>
    %lt3A_920 = arith.cmpf olt, %slice3A_913, %min3A_911 : vector<576x128xf32>
    %min3A_921 = arith.minimumf %slice3A_913, %min3A_911 : vector<576x128xf32>
    %select_n3A_922 = arith.select %lt3A_920, %add3A_919, %select_n3A_912 : vector<576x128xi1>, vector<576x128xi32>
    %slice3A_923 = vector.extract_strided_slice %dot_general3A_712 {offsets = [0, 2560], sizes = [576, 128], strides = [1, 1]} : vector<576x4096xf32> to vector<576x128xf32>
    %mul3A_924 = arith.constant 4096 : i32
    %mul3A_925 = arith.muli %arg1, %mul3A_924 : i32
    %add3A_926 = arith.constant 2560 : i32
    %add3A_927 = arith.addi %mul3A_925, %add3A_926 : i32
    %add3A_928 = vector.broadcast %add3A_927 : i32 to vector<576x128xi32>
    %add3A_929 = arith.addi %iota3A, %add3A_928 : vector<576x128xi32>
    %lt3A_930 = arith.cmpf olt, %slice3A_923, %min3A_921 : vector<576x128xf32>
    %min3A_931 = arith.minimumf %slice3A_923, %min3A_921 : vector<576x128xf32>
    %select_n3A_932 = arith.select %lt3A_930, %add3A_929, %select_n3A_922 : vector<576x128xi1>, vector<576x128xi32>
    %slice3A_933 = vector.extract_strided_slice %dot_general3A_712 {offsets = [0, 2688], sizes = [576, 128], strides = [1, 1]} : vector<576x4096xf32> to vector<576x128xf32>
    %mul3A_934 = arith.constant 4096 : i32
    %mul3A_935 = arith.muli %arg1, %mul3A_934 : i32
    %add3A_936 = arith.constant 2688 : i32
    %add3A_937 = arith.addi %mul3A_935, %add3A_936 : i32
    %add3A_938 = vector.broadcast %add3A_937 : i32 to vector<576x128xi32>
    %add3A_939 = arith.addi %iota3A, %add3A_938 : vector<576x128xi32>
    %lt3A_940 = arith.cmpf olt, %slice3A_933, %min3A_931 : vector<576x128xf32>
    %min3A_941 = arith.minimumf %slice3A_933, %min3A_931 : vector<576x128xf32>
    %select_n3A_942 = arith.select %lt3A_940, %add3A_939, %select_n3A_932 : vector<576x128xi1>, vector<576x128xi32>
    %slice3A_943 = vector.extract_strided_slice %dot_general3A_712 {offsets = [0, 2816], sizes = [576, 128], strides = [1, 1]} : vector<576x4096xf32> to vector<576x128xf32>
    %mul3A_944 = arith.constant 4096 : i32
    %mul3A_945 = arith.muli %arg1, %mul3A_944 : i32
    %add3A_946 = arith.constant 2816 : i32
    %add3A_947 = arith.addi %mul3A_945, %add3A_946 : i32
    %add3A_948 = vector.broadcast %add3A_947 : i32 to vector<576x128xi32>
    %add3A_949 = arith.addi %iota3A, %add3A_948 : vector<576x128xi32>
    %lt3A_950 = arith.cmpf olt, %slice3A_943, %min3A_941 : vector<576x128xf32>
    %min3A_951 = arith.minimumf %slice3A_943, %min3A_941 : vector<576x128xf32>
    %select_n3A_952 = arith.select %lt3A_950, %add3A_949, %select_n3A_942 : vector<576x128xi1>, vector<576x128xi32>
    %slice3A_953 = vector.extract_strided_slice %dot_general3A_712 {offsets = [0, 2944], sizes = [576, 128], strides = [1, 1]} : vector<576x4096xf32> to vector<576x128xf32>
    %mul3A_954 = arith.constant 4096 : i32
    %mul3A_955 = arith.muli %arg1, %mul3A_954 : i32
    %add3A_956 = arith.constant 2944 : i32
    %add3A_957 = arith.addi %mul3A_955, %add3A_956 : i32
    %add3A_958 = vector.broadcast %add3A_957 : i32 to vector<576x128xi32>
    %add3A_959 = arith.addi %iota3A, %add3A_958 : vector<576x128xi32>
    %lt3A_960 = arith.cmpf olt, %slice3A_953, %min3A_951 : vector<576x128xf32>
    %min3A_961 = arith.minimumf %slice3A_953, %min3A_951 : vector<576x128xf32>
    %select_n3A_962 = arith.select %lt3A_960, %add3A_959, %select_n3A_952 : vector<576x128xi1>, vector<576x128xi32>
    %slice3A_963 = vector.extract_strided_slice %dot_general3A_712 {offsets = [0, 3072], sizes = [576, 128], strides = [1, 1]} : vector<576x4096xf32> to vector<576x128xf32>
    %mul3A_964 = arith.constant 4096 : i32
    %mul3A_965 = arith.muli %arg1, %mul3A_964 : i32
    %add3A_966 = arith.constant 3072 : i32
    %add3A_967 = arith.addi %mul3A_965, %add3A_966 : i32
    %add3A_968 = vector.broadcast %add3A_967 : i32 to vector<576x128xi32>
    %add3A_969 = arith.addi %iota3A, %add3A_968 : vector<576x128xi32>
    %lt3A_970 = arith.cmpf olt, %slice3A_963, %min3A_961 : vector<576x128xf32>
    %min3A_971 = arith.minimumf %slice3A_963, %min3A_961 : vector<576x128xf32>
    %select_n3A_972 = arith.select %lt3A_970, %add3A_969, %select_n3A_962 : vector<576x128xi1>, vector<576x128xi32>
    %slice3A_973 = vector.extract_strided_slice %dot_general3A_712 {offsets = [0, 3200], sizes = [576, 128], strides = [1, 1]} : vector<576x4096xf32> to vector<576x128xf32>
    %mul3A_974 = arith.constant 4096 : i32
    %mul3A_975 = arith.muli %arg1, %mul3A_974 : i32
    %add3A_976 = arith.constant 3200 : i32
    %add3A_977 = arith.addi %mul3A_975, %add3A_976 : i32
    %add3A_978 = vector.broadcast %add3A_977 : i32 to vector<576x128xi32>
    %add3A_979 = arith.addi %iota3A, %add3A_978 : vector<576x128xi32>
    %lt3A_980 = arith.cmpf olt, %slice3A_973, %min3A_971 : vector<576x128xf32>
    %min3A_981 = arith.minimumf %slice3A_973, %min3A_971 : vector<576x128xf32>
    %select_n3A_982 = arith.select %lt3A_980, %add3A_979, %select_n3A_972 : vector<576x128xi1>, vector<576x128xi32>
    %slice3A_983 = vector.extract_strided_slice %dot_general3A_712 {offsets = [0, 3328], sizes = [576, 128], strides = [1, 1]} : vector<576x4096xf32> to vector<576x128xf32>
    %mul3A_984 = arith.constant 4096 : i32
    %mul3A_985 = arith.muli %arg1, %mul3A_984 : i32
    %add3A_986 = arith.constant 3328 : i32
    %add3A_987 = arith.addi %mul3A_985, %add3A_986 : i32
    %add3A_988 = vector.broadcast %add3A_987 : i32 to vector<576x128xi32>
    %add3A_989 = arith.addi %iota3A, %add3A_988 : vector<576x128xi32>
    %lt3A_990 = arith.cmpf olt, %slice3A_983, %min3A_981 : vector<576x128xf32>
    %min3A_991 = arith.minimumf %slice3A_983, %min3A_981 : vector<576x128xf32>
    %select_n3A_992 = arith.select %lt3A_990, %add3A_989, %select_n3A_982 : vector<576x128xi1>, vector<576x128xi32>
    %slice3A_993 = vector.extract_strided_slice %dot_general3A_712 {offsets = [0, 3456], sizes = [576, 128], strides = [1, 1]} : vector<576x4096xf32> to vector<576x128xf32>
    %mul3A_994 = arith.constant 4096 : i32
    %mul3A_995 = arith.muli %arg1, %mul3A_994 : i32
    %add3A_996 = arith.constant 3456 : i32
    %add3A_997 = arith.addi %mul3A_995, %add3A_996 : i32
    %add3A_998 = vector.broadcast %add3A_997 : i32 to vector<576x128xi32>
    %add3A_999 = arith.addi %iota3A, %add3A_998 : vector<576x128xi32>
    %lt3A_1000 = arith.cmpf olt, %slice3A_993, %min3A_991 : vector<576x128xf32>
    %min3A_1001 = arith.minimumf %slice3A_993, %min3A_991 : vector<576x128xf32>
    %select_n3A_1002 = arith.select %lt3A_1000, %add3A_999, %select_n3A_992 : vector<576x128xi1>, vector<576x128xi32>
    %slice3A_1003 = vector.extract_strided_slice %dot_general3A_712 {offsets = [0, 3584], sizes = [576, 128], strides = [1, 1]} : vector<576x4096xf32> to vector<576x128xf32>
    %mul3A_1004 = arith.constant 4096 : i32
    %mul3A_1005 = arith.muli %arg1, %mul3A_1004 : i32
    %add3A_1006 = arith.constant 3584 : i32
    %add3A_1007 = arith.addi %mul3A_1005, %add3A_1006 : i32
    %add3A_1008 = vector.broadcast %add3A_1007 : i32 to vector<576x128xi32>
    %add3A_1009 = arith.addi %iota3A, %add3A_1008 : vector<576x128xi32>
    %lt3A_1010 = arith.cmpf olt, %slice3A_1003, %min3A_1001 : vector<576x128xf32>
    %min3A_1011 = arith.minimumf %slice3A_1003, %min3A_1001 : vector<576x128xf32>
    %select_n3A_1012 = arith.select %lt3A_1010, %add3A_1009, %select_n3A_1002 : vector<576x128xi1>, vector<576x128xi32>
    %slice3A_1013 = vector.extract_strided_slice %dot_general3A_712 {offsets = [0, 3712], sizes = [576, 128], strides = [1, 1]} : vector<576x4096xf32> to vector<576x128xf32>
    %mul3A_1014 = arith.constant 4096 : i32
    %mul3A_1015 = arith.muli %arg1, %mul3A_1014 : i32
    %add3A_1016 = arith.constant 3712 : i32
    %add3A_1017 = arith.addi %mul3A_1015, %add3A_1016 : i32
    %add3A_1018 = vector.broadcast %add3A_1017 : i32 to vector<576x128xi32>
    %add3A_1019 = arith.addi %iota3A, %add3A_1018 : vector<576x128xi32>
    %lt3A_1020 = arith.cmpf olt, %slice3A_1013, %min3A_1011 : vector<576x128xf32>
    %min3A_1021 = arith.minimumf %slice3A_1013, %min3A_1011 : vector<576x128xf32>
    %select_n3A_1022 = arith.select %lt3A_1020, %add3A_1019, %select_n3A_1012 : vector<576x128xi1>, vector<576x128xi32>
    %slice3A_1023 = vector.extract_strided_slice %dot_general3A_712 {offsets = [0, 3840], sizes = [576, 128], strides = [1, 1]} : vector<576x4096xf32> to vector<576x128xf32>
    %mul3A_1024 = arith.constant 4096 : i32
    %mul3A_1025 = arith.muli %arg1, %mul3A_1024 : i32
    %add3A_1026 = arith.constant 3840 : i32
    %add3A_1027 = arith.addi %mul3A_1025, %add3A_1026 : i32
    %add3A_1028 = vector.broadcast %add3A_1027 : i32 to vector<576x128xi32>
    %add3A_1029 = arith.addi %iota3A, %add3A_1028 : vector<576x128xi32>
    %lt3A_1030 = arith.cmpf olt, %slice3A_1023, %min3A_1021 : vector<576x128xf32>
    %min3A_1031 = arith.minimumf %slice3A_1023, %min3A_1021 : vector<576x128xf32>
    %select_n3A_1032 = arith.select %lt3A_1030, %add3A_1029, %select_n3A_1022 : vector<576x128xi1>, vector<576x128xi32>
    %slice3A_1033 = vector.extract_strided_slice %dot_general3A_712 {offsets = [0, 3968], sizes = [576, 128], strides = [1, 1]} : vector<576x4096xf32> to vector<576x128xf32>
    %mul3A_1034 = arith.constant 4096 : i32
    %mul3A_1035 = arith.muli %arg1, %mul3A_1034 : i32
    %add3A_1036 = arith.constant 3968 : i32
    %add3A_1037 = arith.addi %mul3A_1035, %add3A_1036 : i32
    %add3A_1038 = vector.broadcast %add3A_1037 : i32 to vector<576x128xi32>
    %add3A_1039 = arith.addi %iota3A, %add3A_1038 : vector<576x128xi32>
    %lt3A_1040 = arith.cmpf olt, %slice3A_1033, %min3A_1031 : vector<576x128xf32>
    %min3A_1041 = arith.minimumf %slice3A_1033, %min3A_1031 : vector<576x128xf32>
    %select_n3A_1042 = arith.select %lt3A_1040, %add3A_1039, %select_n3A_1032 : vector<576x128xi1>, vector<576x128xi32>
    %swap3A_1043 = arith.constant 2 : index
    %swap3A_1044 = arith.constant 0 : index
    %swap3A_1045 = arith.constant 0 : index
    %swap3A_1046 = vector.load %arg5[%swap3A_1043, %swap3A_1044, %swap3A_1045] : memref<8x576x128xf32, #tpu.memory_space<vmem>>, vector<1x576x128xf32>
    %swap3A_1047 = vector.shape_cast %swap3A_1046 : vector<1x576x128xf32> to vector<576x128xf32>
    %swap3A_1048 = vector.shape_cast %min3A_1041 : vector<576x128xf32> to vector<1x576x128xf32>
    tpu.vector_store %arg5[%swap3A_1043, %swap3A_1044, %swap3A_1045], %swap3A_1048 {strides = array<i32>} : memref<8x576x128xf32, #tpu.memory_space<vmem>>, vector<1x576x128xf32>,
    %swap3A_1049 = arith.constant 2 : index
    %swap3A_1050 = arith.constant 0 : index
    %swap3A_1051 = arith.constant 0 : index
    %swap3A_1052 = vector.load %arg6[%swap3A_1049, %swap3A_1050, %swap3A_1051] : memref<8x576x128xi32, #tpu.memory_space<vmem>>, vector<1x576x128xi32>
    %swap3A_1053 = vector.shape_cast %swap3A_1052 : vector<1x576x128xi32> to vector<576x128xi32>
    %swap3A_1054 = vector.shape_cast %select_n3A_1042 : vector<576x128xi32> to vector<1x576x128xi32>
    tpu.vector_store %arg6[%swap3A_1049, %swap3A_1050, %swap3A_1051], %swap3A_1054 {strides = array<i32>} : memref<8x576x128xi32, #tpu.memory_space<vmem>>, vector<1x576x128xi32>,
    %get3A_1055 = arith.constant 0 : index
    %get3A_1056 = arith.constant 0 : index
    %get3A_1057 = arith.constant 384 : index
    %get3A_1058 = vector.load %arg2[%get3A_1055, %get3A_1056, %get3A_1057] : memref<1x576x1024xbf16, #tpu.memory_space<vmem>>, vector<1x576x128xbf16>
    %get3A_1059 = vector.shape_cast %get3A_1058 : vector<1x576x128xbf16> to vector<576x128xbf16>
    %get3A_1060 = arith.constant 3 : index
    %get3A_1061 = arith.constant 0 : index
    %get3A_1062 = arith.constant 0 : index
    %get3A_1063 = vector.load %arg3[%get3A_1060, %get3A_1061, %get3A_1062] : memref<8x4096x128xbf16, #tpu.memory_space<vmem>>, vector<1x4096x128xbf16>
    %get3A_1064 = vector.shape_cast %get3A_1063 : vector<1x4096x128xbf16> to vector<4096x128xbf16>
    %dot_general3A_1065 = arith.constant dense<0.000000e+00> : vector<576x4096xf32>
    %dot_general3A_1066 = tpu.matmul %get3A_1059, %get3A_1064, %dot_general3A_1065 {dimension_numbers = #tpu.dot_dimension_numbers<[1], [1], [0], [0], [0, 0, 1, 0], [], []>, transpose_lhs_hint = false} : vector<576x128xbf16>, vector<4096x128xbf16>, vector<576x4096xf32> -> vector<576x4096xf32>
    %get3A_1067 = arith.constant 3 : index
    %get3A_1068 = arith.constant 0 : index
    %get3A_1069 = arith.constant 0 : index
    %get3A_1070 = vector.load %arg5[%get3A_1067, %get3A_1068, %get3A_1069] : memref<8x576x128xf32, #tpu.memory_space<vmem>>, vector<1x576x128xf32>
    %get3A_1071 = vector.shape_cast %get3A_1070 : vector<1x576x128xf32> to vector<576x128xf32>
    %get3A_1072 = arith.constant 3 : index
    %get3A_1073 = arith.constant 0 : index
    %get3A_1074 = arith.constant 0 : index
    %get3A_1075 = vector.load %arg6[%get3A_1072, %get3A_1073, %get3A_1074] : memref<8x576x128xi32, #tpu.memory_space<vmem>>, vector<1x576x128xi32>
    %get3A_1076 = vector.shape_cast %get3A_1075 : vector<1x576x128xi32> to vector<576x128xi32>
    %slice3A_1077 = vector.extract_strided_slice %dot_general3A_1066 {offsets = [0, 0], sizes = [576, 128], strides = [1, 1]} : vector<576x4096xf32> to vector<576x128xf32>
    %mul3A_1078 = arith.constant 4096 : i32
    %mul3A_1079 = arith.muli %arg1, %mul3A_1078 : i32
    %add3A_1080 = arith.constant 0 : i32
    %add3A_1081 = arith.addi %mul3A_1079, %add3A_1080 : i32
    %add3A_1082 = vector.broadcast %add3A_1081 : i32 to vector<576x128xi32>
    %add3A_1083 = arith.addi %iota3A, %add3A_1082 : vector<576x128xi32>
    %lt3A_1084 = arith.cmpf olt, %slice3A_1077, %get3A_1071 : vector<576x128xf32>
    %min3A_1085 = arith.minimumf %slice3A_1077, %get3A_1071 : vector<576x128xf32>
    %select_n3A_1086 = arith.select %lt3A_1084, %add3A_1083, %get3A_1076 : vector<576x128xi1>, vector<576x128xi32>
    %slice3A_1087 = vector.extract_strided_slice %dot_general3A_1066 {offsets = [0, 128], sizes = [576, 128], strides = [1, 1]} : vector<576x4096xf32> to vector<576x128xf32>
    %mul3A_1088 = arith.constant 4096 : i32
    %mul3A_1089 = arith.muli %arg1, %mul3A_1088 : i32
    %add3A_1090 = arith.constant 128 : i32
    %add3A_1091 = arith.addi %mul3A_1089, %add3A_1090 : i32
    %add3A_1092 = vector.broadcast %add3A_1091 : i32 to vector<576x128xi32>
    %add3A_1093 = arith.addi %iota3A, %add3A_1092 : vector<576x128xi32>
    %lt3A_1094 = arith.cmpf olt, %slice3A_1087, %min3A_1085 : vector<576x128xf32>
    %min3A_1095 = arith.minimumf %slice3A_1087, %min3A_1085 : vector<576x128xf32>
    %select_n3A_1096 = arith.select %lt3A_1094, %add3A_1093, %select_n3A_1086 : vector<576x128xi1>, vector<576x128xi32>
    %slice3A_1097 = vector.extract_strided_slice %dot_general3A_1066 {offsets = [0, 256], sizes = [576, 128], strides = [1, 1]} : vector<576x4096xf32> to vector<576x128xf32>
    %mul3A_1098 = arith.constant 4096 : i32
    %mul3A_1099 = arith.muli %arg1, %mul3A_1098 : i32
    %add3A_1100 = arith.constant 256 : i32
    %add3A_1101 = arith.addi %mul3A_1099, %add3A_1100 : i32
    %add3A_1102 = vector.broadcast %add3A_1101 : i32 to vector<576x128xi32>
    %add3A_1103 = arith.addi %iota3A, %add3A_1102 : vector<576x128xi32>
    %lt3A_1104 = arith.cmpf olt, %slice3A_1097, %min3A_1095 : vector<576x128xf32>
    %min3A_1105 = arith.minimumf %slice3A_1097, %min3A_1095 : vector<576x128xf32>
    %select_n3A_1106 = arith.select %lt3A_1104, %add3A_1103, %select_n3A_1096 : vector<576x128xi1>, vector<576x128xi32>
    %slice3A_1107 = vector.extract_strided_slice %dot_general3A_1066 {offsets = [0, 384], sizes = [576, 128], strides = [1, 1]} : vector<576x4096xf32> to vector<576x128xf32>
    %mul3A_1108 = arith.constant 4096 : i32
    %mul3A_1109 = arith.muli %arg1, %mul3A_1108 : i32
    %add3A_1110 = arith.constant 384 : i32
    %add3A_1111 = arith.addi %mul3A_1109, %add3A_1110 : i32
    %add3A_1112 = vector.broadcast %add3A_1111 : i32 to vector<576x128xi32>
    %add3A_1113 = arith.addi %iota3A, %add3A_1112 : vector<576x128xi32>
    %lt3A_1114 = arith.cmpf olt, %slice3A_1107, %min3A_1105 : vector<576x128xf32>
    %min3A_1115 = arith.minimumf %slice3A_1107, %min3A_1105 : vector<576x128xf32>
    %select_n3A_1116 = arith.select %lt3A_1114, %add3A_1113, %select_n3A_1106 : vector<576x128xi1>, vector<576x128xi32>
    %slice3A_1117 = vector.extract_strided_slice %dot_general3A_1066 {offsets = [0, 512], sizes = [576, 128], strides = [1, 1]} : vector<576x4096xf32> to vector<576x128xf32>
    %mul3A_1118 = arith.constant 4096 : i32
    %mul3A_1119 = arith.muli %arg1, %mul3A_1118 : i32
    %add3A_1120 = arith.constant 512 : i32
    %add3A_1121 = arith.addi %mul3A_1119, %add3A_1120 : i32
    %add3A_1122 = vector.broadcast %add3A_1121 : i32 to vector<576x128xi32>
    %add3A_1123 = arith.addi %iota3A, %add3A_1122 : vector<576x128xi32>
    %lt3A_1124 = arith.cmpf olt, %slice3A_1117, %min3A_1115 : vector<576x128xf32>
    %min3A_1125 = arith.minimumf %slice3A_1117, %min3A_1115 : vector<576x128xf32>
    %select_n3A_1126 = arith.select %lt3A_1124, %add3A_1123, %select_n3A_1116 : vector<576x128xi1>, vector<576x128xi32>
    %slice3A_1127 = vector.extract_strided_slice %dot_general3A_1066 {offsets = [0, 640], sizes = [576, 128], strides = [1, 1]} : vector<576x4096xf32> to vector<576x128xf32>
    %mul3A_1128 = arith.constant 4096 : i32
    %mul3A_1129 = arith.muli %arg1, %mul3A_1128 : i32
    %add3A_1130 = arith.constant 640 : i32
    %add3A_1131 = arith.addi %mul3A_1129, %add3A_1130 : i32
    %add3A_1132 = vector.broadcast %add3A_1131 : i32 to vector<576x128xi32>
    %add3A_1133 = arith.addi %iota3A, %add3A_1132 : vector<576x128xi32>
    %lt3A_1134 = arith.cmpf olt, %slice3A_1127, %min3A_1125 : vector<576x128xf32>
    %min3A_1135 = arith.minimumf %slice3A_1127, %min3A_1125 : vector<576x128xf32>
    %select_n3A_1136 = arith.select %lt3A_1134, %add3A_1133, %select_n3A_1126 : vector<576x128xi1>, vector<576x128xi32>
    %slice3A_1137 = vector.extract_strided_slice %dot_general3A_1066 {offsets = [0, 768], sizes = [576, 128], strides = [1, 1]} : vector<576x4096xf32> to vector<576x128xf32>
    %mul3A_1138 = arith.constant 4096 : i32
    %mul3A_1139 = arith.muli %arg1, %mul3A_1138 : i32
    %add3A_1140 = arith.constant 768 : i32
    %add3A_1141 = arith.addi %mul3A_1139, %add3A_1140 : i32
    %add3A_1142 = vector.broadcast %add3A_1141 : i32 to vector<576x128xi32>
    %add3A_1143 = arith.addi %iota3A, %add3A_1142 : vector<576x128xi32>
    %lt3A_1144 = arith.cmpf olt, %slice3A_1137, %min3A_1135 : vector<576x128xf32>
    %min3A_1145 = arith.minimumf %slice3A_1137, %min3A_1135 : vector<576x128xf32>
    %select_n3A_1146 = arith.select %lt3A_1144, %add3A_1143, %select_n3A_1136 : vector<576x128xi1>, vector<576x128xi32>
    %slice3A_1147 = vector.extract_strided_slice %dot_general3A_1066 {offsets = [0, 896], sizes = [576, 128], strides = [1, 1]} : vector<576x4096xf32> to vector<576x128xf32>
    %mul3A_1148 = arith.constant 4096 : i32
    %mul3A_1149 = arith.muli %arg1, %mul3A_1148 : i32
    %add3A_1150 = arith.constant 896 : i32
    %add3A_1151 = arith.addi %mul3A_1149, %add3A_1150 : i32
    %add3A_1152 = vector.broadcast %add3A_1151 : i32 to vector<576x128xi32>
    %add3A_1153 = arith.addi %iota3A, %add3A_1152 : vector<576x128xi32>
    %lt3A_1154 = arith.cmpf olt, %slice3A_1147, %min3A_1145 : vector<576x128xf32>
    %min3A_1155 = arith.minimumf %slice3A_1147, %min3A_1145 : vector<576x128xf32>
    %select_n3A_1156 = arith.select %lt3A_1154, %add3A_1153, %select_n3A_1146 : vector<576x128xi1>, vector<576x128xi32>
    %slice3A_1157 = vector.extract_strided_slice %dot_general3A_1066 {offsets = [0, 1024], sizes = [576, 128], strides = [1, 1]} : vector<576x4096xf32> to vector<576x128xf32>
    %mul3A_1158 = arith.constant 4096 : i32
    %mul3A_1159 = arith.muli %arg1, %mul3A_1158 : i32
    %add3A_1160 = arith.constant 1024 : i32
    %add3A_1161 = arith.addi %mul3A_1159, %add3A_1160 : i32
    %add3A_1162 = vector.broadcast %add3A_1161 : i32 to vector<576x128xi32>
    %add3A_1163 = arith.addi %iota3A, %add3A_1162 : vector<576x128xi32>
    %lt3A_1164 = arith.cmpf olt, %slice3A_1157, %min3A_1155 : vector<576x128xf32>
    %min3A_1165 = arith.minimumf %slice3A_1157, %min3A_1155 : vector<576x128xf32>
    %select_n3A_1166 = arith.select %lt3A_1164, %add3A_1163, %select_n3A_1156 : vector<576x128xi1>, vector<576x128xi32>
    %slice3A_1167 = vector.extract_strided_slice %dot_general3A_1066 {offsets = [0, 1152], sizes = [576, 128], strides = [1, 1]} : vector<576x4096xf32> to vector<576x128xf32>
    %mul3A_1168 = arith.constant 4096 : i32
    %mul3A_1169 = arith.muli %arg1, %mul3A_1168 : i32
    %add3A_1170 = arith.constant 1152 : i32
    %add3A_1171 = arith.addi %mul3A_1169, %add3A_1170 : i32
    %add3A_1172 = vector.broadcast %add3A_1171 : i32 to vector<576x128xi32>
    %add3A_1173 = arith.addi %iota3A, %add3A_1172 : vector<576x128xi32>
    %lt3A_1174 = arith.cmpf olt, %slice3A_1167, %min3A_1165 : vector<576x128xf32>
    %min3A_1175 = arith.minimumf %slice3A_1167, %min3A_1165 : vector<576x128xf32>
    %select_n3A_1176 = arith.select %lt3A_1174, %add3A_1173, %select_n3A_1166 : vector<576x128xi1>, vector<576x128xi32>
    %slice3A_1177 = vector.extract_strided_slice %dot_general3A_1066 {offsets = [0, 1280], sizes = [576, 128], strides = [1, 1]} : vector<576x4096xf32> to vector<576x128xf32>
    %mul3A_1178 = arith.constant 4096 : i32
    %mul3A_1179 = arith.muli %arg1, %mul3A_1178 : i32
    %add3A_1180 = arith.constant 1280 : i32
    %add3A_1181 = arith.addi %mul3A_1179, %add3A_1180 : i32
    %add3A_1182 = vector.broadcast %add3A_1181 : i32 to vector<576x128xi32>
    %add3A_1183 = arith.addi %iota3A, %add3A_1182 : vector<576x128xi32>
    %lt3A_1184 = arith.cmpf olt, %slice3A_1177, %min3A_1175 : vector<576x128xf32>
    %min3A_1185 = arith.minimumf %slice3A_1177, %min3A_1175 : vector<576x128xf32>
    %select_n3A_1186 = arith.select %lt3A_1184, %add3A_1183, %select_n3A_1176 : vector<576x128xi1>, vector<576x128xi32>
    %slice3A_1187 = vector.extract_strided_slice %dot_general3A_1066 {offsets = [0, 1408], sizes = [576, 128], strides = [1, 1]} : vector<576x4096xf32> to vector<576x128xf32>
    %mul3A_1188 = arith.constant 4096 : i32
    %mul3A_1189 = arith.muli %arg1, %mul3A_1188 : i32
    %add3A_1190 = arith.constant 1408 : i32
    %add3A_1191 = arith.addi %mul3A_1189, %add3A_1190 : i32
    %add3A_1192 = vector.broadcast %add3A_1191 : i32 to vector<576x128xi32>
    %add3A_1193 = arith.addi %iota3A, %add3A_1192 : vector<576x128xi32>
    %lt3A_1194 = arith.cmpf olt, %slice3A_1187, %min3A_1185 : vector<576x128xf32>
    %min3A_1195 = arith.minimumf %slice3A_1187, %min3A_1185 : vector<576x128xf32>
    %select_n3A_1196 = arith.select %lt3A_1194, %add3A_1193, %select_n3A_1186 : vector<576x128xi1>, vector<576x128xi32>
    %slice3A_1197 = vector.extract_strided_slice %dot_general3A_1066 {offsets = [0, 1536], sizes = [576, 128], strides = [1, 1]} : vector<576x4096xf32> to vector<576x128xf32>
    %mul3A_1198 = arith.constant 4096 : i32
    %mul3A_1199 = arith.muli %arg1, %mul3A_1198 : i32
    %add3A_1200 = arith.constant 1536 : i32
    %add3A_1201 = arith.addi %mul3A_1199, %add3A_1200 : i32
    %add3A_1202 = vector.broadcast %add3A_1201 : i32 to vector<576x128xi32>
    %add3A_1203 = arith.addi %iota3A, %add3A_1202 : vector<576x128xi32>
    %lt3A_1204 = arith.cmpf olt, %slice3A_1197, %min3A_1195 : vector<576x128xf32>
    %min3A_1205 = arith.minimumf %slice3A_1197, %min3A_1195 : vector<576x128xf32>
    %select_n3A_1206 = arith.select %lt3A_1204, %add3A_1203, %select_n3A_1196 : vector<576x128xi1>, vector<576x128xi32>
    %slice3A_1207 = vector.extract_strided_slice %dot_general3A_1066 {offsets = [0, 1664], sizes = [576, 128], strides = [1, 1]} : vector<576x4096xf32> to vector<576x128xf32>
    %mul3A_1208 = arith.constant 4096 : i32
    %mul3A_1209 = arith.muli %arg1, %mul3A_1208 : i32
    %add3A_1210 = arith.constant 1664 : i32
    %add3A_1211 = arith.addi %mul3A_1209, %add3A_1210 : i32
    %add3A_1212 = vector.broadcast %add3A_1211 : i32 to vector<576x128xi32>
    %add3A_1213 = arith.addi %iota3A, %add3A_1212 : vector<576x128xi32>
    %lt3A_1214 = arith.cmpf olt, %slice3A_1207, %min3A_1205 : vector<576x128xf32>
    %min3A_1215 = arith.minimumf %slice3A_1207, %min3A_1205 : vector<576x128xf32>
    %select_n3A_1216 = arith.select %lt3A_1214, %add3A_1213, %select_n3A_1206 : vector<576x128xi1>, vector<576x128xi32>
    %slice3A_1217 = vector.extract_strided_slice %dot_general3A_1066 {offsets = [0, 1792], sizes = [576, 128], strides = [1, 1]} : vector<576x4096xf32> to vector<576x128xf32>
    %mul3A_1218 = arith.constant 4096 : i32
    %mul3A_1219 = arith.muli %arg1, %mul3A_1218 : i32
    %add3A_1220 = arith.constant 1792 : i32
    %add3A_1221 = arith.addi %mul3A_1219, %add3A_1220 : i32
    %add3A_1222 = vector.broadcast %add3A_1221 : i32 to vector<576x128xi32>
    %add3A_1223 = arith.addi %iota3A, %add3A_1222 : vector<576x128xi32>
    %lt3A_1224 = arith.cmpf olt, %slice3A_1217, %min3A_1215 : vector<576x128xf32>
    %min3A_1225 = arith.minimumf %slice3A_1217, %min3A_1215 : vector<576x128xf32>
    %select_n3A_1226 = arith.select %lt3A_1224, %add3A_1223, %select_n3A_1216 : vector<576x128xi1>, vector<576x128xi32>
    %slice3A_1227 = vector.extract_strided_slice %dot_general3A_1066 {offsets = [0, 1920], sizes = [576, 128], strides = [1, 1]} : vector<576x4096xf32> to vector<576x128xf32>
    %mul3A_1228 = arith.constant 4096 : i32
    %mul3A_1229 = arith.muli %arg1, %mul3A_1228 : i32
    %add3A_1230 = arith.constant 1920 : i32
    %add3A_1231 = arith.addi %mul3A_1229, %add3A_1230 : i32
    %add3A_1232 = vector.broadcast %add3A_1231 : i32 to vector<576x128xi32>
    %add3A_1233 = arith.addi %iota3A, %add3A_1232 : vector<576x128xi32>
    %lt3A_1234 = arith.cmpf olt, %slice3A_1227, %min3A_1225 : vector<576x128xf32>
    %min3A_1235 = arith.minimumf %slice3A_1227, %min3A_1225 : vector<576x128xf32>
    %select_n3A_1236 = arith.select %lt3A_1234, %add3A_1233, %select_n3A_1226 : vector<576x128xi1>, vector<576x128xi32>
    %slice3A_1237 = vector.extract_strided_slice %dot_general3A_1066 {offsets = [0, 2048], sizes = [576, 128], strides = [1, 1]} : vector<576x4096xf32> to vector<576x128xf32>
    %mul3A_1238 = arith.constant 4096 : i32
    %mul3A_1239 = arith.muli %arg1, %mul3A_1238 : i32
    %add3A_1240 = arith.constant 2048 : i32
    %add3A_1241 = arith.addi %mul3A_1239, %add3A_1240 : i32
    %add3A_1242 = vector.broadcast %add3A_1241 : i32 to vector<576x128xi32>
    %add3A_1243 = arith.addi %iota3A, %add3A_1242 : vector<576x128xi32>
    %lt3A_1244 = arith.cmpf olt, %slice3A_1237, %min3A_1235 : vector<576x128xf32>
    %min3A_1245 = arith.minimumf %slice3A_1237, %min3A_1235 : vector<576x128xf32>
    %select_n3A_1246 = arith.select %lt3A_1244, %add3A_1243, %select_n3A_1236 : vector<576x128xi1>, vector<576x128xi32>
    %slice3A_1247 = vector.extract_strided_slice %dot_general3A_1066 {offsets = [0, 2176], sizes = [576, 128], strides = [1, 1]} : vector<576x4096xf32> to vector<576x128xf32>
    %mul3A_1248 = arith.constant 4096 : i32
    %mul3A_1249 = arith.muli %arg1, %mul3A_1248 : i32
    %add3A_1250 = arith.constant 2176 : i32
    %add3A_1251 = arith.addi %mul3A_1249, %add3A_1250 : i32
    %add3A_1252 = vector.broadcast %add3A_1251 : i32 to vector<576x128xi32>
    %add3A_1253 = arith.addi %iota3A, %add3A_1252 : vector<576x128xi32>
    %lt3A_1254 = arith.cmpf olt, %slice3A_1247, %min3A_1245 : vector<576x128xf32>
    %min3A_1255 = arith.minimumf %slice3A_1247, %min3A_1245 : vector<576x128xf32>
    %select_n3A_1256 = arith.select %lt3A_1254, %add3A_1253, %select_n3A_1246 : vector<576x128xi1>, vector<576x128xi32>
    %slice3A_1257 = vector.extract_strided_slice %dot_general3A_1066 {offsets = [0, 2304], sizes = [576, 128], strides = [1, 1]} : vector<576x4096xf32> to vector<576x128xf32>
    %mul3A_1258 = arith.constant 4096 : i32
    %mul3A_1259 = arith.muli %arg1, %mul3A_1258 : i32
    %add3A_1260 = arith.constant 2304 : i32
    %add3A_1261 = arith.addi %mul3A_1259, %add3A_1260 : i32
    %add3A_1262 = vector.broadcast %add3A_1261 : i32 to vector<576x128xi32>
    %add3A_1263 = arith.addi %iota3A, %add3A_1262 : vector<576x128xi32>
    %lt3A_1264 = arith.cmpf olt, %slice3A_1257, %min3A_1255 : vector<576x128xf32>
    %min3A_1265 = arith.minimumf %slice3A_1257, %min3A_1255 : vector<576x128xf32>
    %select_n3A_1266 = arith.select %lt3A_1264, %add3A_1263, %select_n3A_1256 : vector<576x128xi1>, vector<576x128xi32>
    %slice3A_1267 = vector.extract_strided_slice %dot_general3A_1066 {offsets = [0, 2432], sizes = [576, 128], strides = [1, 1]} : vector<576x4096xf32> to vector<576x128xf32>
    %mul3A_1268 = arith.constant 4096 : i32
    %mul3A_1269 = arith.muli %arg1, %mul3A_1268 : i32
    %add3A_1270 = arith.constant 2432 : i32
    %add3A_1271 = arith.addi %mul3A_1269, %add3A_1270 : i32
    %add3A_1272 = vector.broadcast %add3A_1271 : i32 to vector<576x128xi32>
    %add3A_1273 = arith.addi %iota3A, %add3A_1272 : vector<576x128xi32>
    %lt3A_1274 = arith.cmpf olt, %slice3A_1267, %min3A_1265 : vector<576x128xf32>
    %min3A_1275 = arith.minimumf %slice3A_1267, %min3A_1265 : vector<576x128xf32>
    %select_n3A_1276 = arith.select %lt3A_1274, %add3A_1273, %select_n3A_1266 : vector<576x128xi1>, vector<576x128xi32>
    %slice3A_1277 = vector.extract_strided_slice %dot_general3A_1066 {offsets = [0, 2560], sizes = [576, 128], strides = [1, 1]} : vector<576x4096xf32> to vector<576x128xf32>
    %mul3A_1278 = arith.constant 4096 : i32
    %mul3A_1279 = arith.muli %arg1, %mul3A_1278 : i32
    %add3A_1280 = arith.constant 2560 : i32
    %add3A_1281 = arith.addi %mul3A_1279, %add3A_1280 : i32
    %add3A_1282 = vector.broadcast %add3A_1281 : i32 to vector<576x128xi32>
    %add3A_1283 = arith.addi %iota3A, %add3A_1282 : vector<576x128xi32>
    %lt3A_1284 = arith.cmpf olt, %slice3A_1277, %min3A_1275 : vector<576x128xf32>
    %min3A_1285 = arith.minimumf %slice3A_1277, %min3A_1275 : vector<576x128xf32>
    %select_n3A_1286 = arith.select %lt3A_1284, %add3A_1283, %select_n3A_1276 : vector<576x128xi1>, vector<576x128xi32>
    %slice3A_1287 = vector.extract_strided_slice %dot_general3A_1066 {offsets = [0, 2688], sizes = [576, 128], strides = [1, 1]} : vector<576x4096xf32> to vector<576x128xf32>
    %mul3A_1288 = arith.constant 4096 : i32
    %mul3A_1289 = arith.muli %arg1, %mul3A_1288 : i32
    %add3A_1290 = arith.constant 2688 : i32
    %add3A_1291 = arith.addi %mul3A_1289, %add3A_1290 : i32
    %add3A_1292 = vector.broadcast %add3A_1291 : i32 to vector<576x128xi32>
    %add3A_1293 = arith.addi %iota3A, %add3A_1292 : vector<576x128xi32>
    %lt3A_1294 = arith.cmpf olt, %slice3A_1287, %min3A_1285 : vector<576x128xf32>
    %min3A_1295 = arith.minimumf %slice3A_1287, %min3A_1285 : vector<576x128xf32>
    %select_n3A_1296 = arith.select %lt3A_1294, %add3A_1293, %select_n3A_1286 : vector<576x128xi1>, vector<576x128xi32>
    %slice3A_1297 = vector.extract_strided_slice %dot_general3A_1066 {offsets = [0, 2816], sizes = [576, 128], strides = [1, 1]} : vector<576x4096xf32> to vector<576x128xf32>
    %mul3A_1298 = arith.constant 4096 : i32
    %mul3A_1299 = arith.muli %arg1, %mul3A_1298 : i32
    %add3A_1300 = arith.constant 2816 : i32
    %add3A_1301 = arith.addi %mul3A_1299, %add3A_1300 : i32
    %add3A_1302 = vector.broadcast %add3A_1301 : i32 to vector<576x128xi32>
    %add3A_1303 = arith.addi %iota3A, %add3A_1302 : vector<576x128xi32>
    %lt3A_1304 = arith.cmpf olt, %slice3A_1297, %min3A_1295 : vector<576x128xf32>
    %min3A_1305 = arith.minimumf %slice3A_1297, %min3A_1295 : vector<576x128xf32>
    %select_n3A_1306 = arith.select %lt3A_1304, %add3A_1303, %select_n3A_1296 : vector<576x128xi1>, vector<576x128xi32>
    %slice3A_1307 = vector.extract_strided_slice %dot_general3A_1066 {offsets = [0, 2944], sizes = [576, 128], strides = [1, 1]} : vector<576x4096xf32> to vector<576x128xf32>
    %mul3A_1308 = arith.constant 4096 : i32
    %mul3A_1309 = arith.muli %arg1, %mul3A_1308 : i32
    %add3A_1310 = arith.constant 2944 : i32
    %add3A_1311 = arith.addi %mul3A_1309, %add3A_1310 : i32
    %add3A_1312 = vector.broadcast %add3A_1311 : i32 to vector<576x128xi32>
    %add3A_1313 = arith.addi %iota3A, %add3A_1312 : vector<576x128xi32>
    %lt3A_1314 = arith.cmpf olt, %slice3A_1307, %min3A_1305 : vector<576x128xf32>
    %min3A_1315 = arith.minimumf %slice3A_1307, %min3A_1305 : vector<576x128xf32>
    %select_n3A_1316 = arith.select %lt3A_1314, %add3A_1313, %select_n3A_1306 : vector<576x128xi1>, vector<576x128xi32>
    %slice3A_1317 = vector.extract_strided_slice %dot_general3A_1066 {offsets = [0, 3072], sizes = [576, 128], strides = [1, 1]} : vector<576x4096xf32> to vector<576x128xf32>
    %mul3A_1318 = arith.constant 4096 : i32
    %mul3A_1319 = arith.muli %arg1, %mul3A_1318 : i32
    %add3A_1320 = arith.constant 3072 : i32
    %add3A_1321 = arith.addi %mul3A_1319, %add3A_1320 : i32
    %add3A_1322 = vector.broadcast %add3A_1321 : i32 to vector<576x128xi32>
    %add3A_1323 = arith.addi %iota3A, %add3A_1322 : vector<576x128xi32>
    %lt3A_1324 = arith.cmpf olt, %slice3A_1317, %min3A_1315 : vector<576x128xf32>
    %min3A_1325 = arith.minimumf %slice3A_1317, %min3A_1315 : vector<576x128xf32>
    %select_n3A_1326 = arith.select %lt3A_1324, %add3A_1323, %select_n3A_1316 : vector<576x128xi1>, vector<576x128xi32>
    %slice3A_1327 = vector.extract_strided_slice %dot_general3A_1066 {offsets = [0, 3200], sizes = [576, 128], strides = [1, 1]} : vector<576x4096xf32> to vector<576x128xf32>
    %mul3A_1328 = arith.constant 4096 : i32
    %mul3A_1329 = arith.muli %arg1, %mul3A_1328 : i32
    %add3A_1330 = arith.constant 3200 : i32
    %add3A_1331 = arith.addi %mul3A_1329, %add3A_1330 : i32
    %add3A_1332 = vector.broadcast %add3A_1331 : i32 to vector<576x128xi32>
    %add3A_1333 = arith.addi %iota3A, %add3A_1332 : vector<576x128xi32>
    %lt3A_1334 = arith.cmpf olt, %slice3A_1327, %min3A_1325 : vector<576x128xf32>
    %min3A_1335 = arith.minimumf %slice3A_1327, %min3A_1325 : vector<576x128xf32>
    %select_n3A_1336 = arith.select %lt3A_1334, %add3A_1333, %select_n3A_1326 : vector<576x128xi1>, vector<576x128xi32>
    %slice3A_1337 = vector.extract_strided_slice %dot_general3A_1066 {offsets = [0, 3328], sizes = [576, 128], strides = [1, 1]} : vector<576x4096xf32> to vector<576x128xf32>
    %mul3A_1338 = arith.constant 4096 : i32
    %mul3A_1339 = arith.muli %arg1, %mul3A_1338 : i32
    %add3A_1340 = arith.constant 3328 : i32
    %add3A_1341 = arith.addi %mul3A_1339, %add3A_1340 : i32
    %add3A_1342 = vector.broadcast %add3A_1341 : i32 to vector<576x128xi32>
    %add3A_1343 = arith.addi %iota3A, %add3A_1342 : vector<576x128xi32>
    %lt3A_1344 = arith.cmpf olt, %slice3A_1337, %min3A_1335 : vector<576x128xf32>
    %min3A_1345 = arith.minimumf %slice3A_1337, %min3A_1335 : vector<576x128xf32>
    %select_n3A_1346 = arith.select %lt3A_1344, %add3A_1343, %select_n3A_1336 : vector<576x128xi1>, vector<576x128xi32>
    %slice3A_1347 = vector.extract_strided_slice %dot_general3A_1066 {offsets = [0, 3456], sizes = [576, 128], strides = [1, 1]} : vector<576x4096xf32> to vector<576x128xf32>
    %mul3A_1348 = arith.constant 4096 : i32
    %mul3A_1349 = arith.muli %arg1, %mul3A_1348 : i32
    %add3A_1350 = arith.constant 3456 : i32
    %add3A_1351 = arith.addi %mul3A_1349, %add3A_1350 : i32
    %add3A_1352 = vector.broadcast %add3A_1351 : i32 to vector<576x128xi32>
    %add3A_1353 = arith.addi %iota3A, %add3A_1352 : vector<576x128xi32>
    %lt3A_1354 = arith.cmpf olt, %slice3A_1347, %min3A_1345 : vector<576x128xf32>
    %min3A_1355 = arith.minimumf %slice3A_1347, %min3A_1345 : vector<576x128xf32>
    %select_n3A_1356 = arith.select %lt3A_1354, %add3A_1353, %select_n3A_1346 : vector<576x128xi1>, vector<576x128xi32>
    %slice3A_1357 = vector.extract_strided_slice %dot_general3A_1066 {offsets = [0, 3584], sizes = [576, 128], strides = [1, 1]} : vector<576x4096xf32> to vector<576x128xf32>
    %mul3A_1358 = arith.constant 4096 : i32
    %mul3A_1359 = arith.muli %arg1, %mul3A_1358 : i32
    %add3A_1360 = arith.constant 3584 : i32
    %add3A_1361 = arith.addi %mul3A_1359, %add3A_1360 : i32
    %add3A_1362 = vector.broadcast %add3A_1361 : i32 to vector<576x128xi32>
    %add3A_1363 = arith.addi %iota3A, %add3A_1362 : vector<576x128xi32>
    %lt3A_1364 = arith.cmpf olt, %slice3A_1357, %min3A_1355 : vector<576x128xf32>
    %min3A_1365 = arith.minimumf %slice3A_1357, %min3A_1355 : vector<576x128xf32>
    %select_n3A_1366 = arith.select %lt3A_1364, %add3A_1363, %select_n3A_1356 : vector<576x128xi1>, vector<576x128xi32>
    %slice3A_1367 = vector.extract_strided_slice %dot_general3A_1066 {offsets = [0, 3712], sizes = [576, 128], strides = [1, 1]} : vector<576x4096xf32> to vector<576x128xf32>
    %mul3A_1368 = arith.constant 4096 : i32
    %mul3A_1369 = arith.muli %arg1, %mul3A_1368 : i32
    %add3A_1370 = arith.constant 3712 : i32
    %add3A_1371 = arith.addi %mul3A_1369, %add3A_1370 : i32
    %add3A_1372 = vector.broadcast %add3A_1371 : i32 to vector<576x128xi32>
    %add3A_1373 = arith.addi %iota3A, %add3A_1372 : vector<576x128xi32>
    %lt3A_1374 = arith.cmpf olt, %slice3A_1367, %min3A_1365 : vector<576x128xf32>
    %min3A_1375 = arith.minimumf %slice3A_1367, %min3A_1365 : vector<576x128xf32>
    %select_n3A_1376 = arith.select %lt3A_1374, %add3A_1373, %select_n3A_1366 : vector<576x128xi1>, vector<576x128xi32>
    %slice3A_1377 = vector.extract_strided_slice %dot_general3A_1066 {offsets = [0, 3840], sizes = [576, 128], strides = [1, 1]} : vector<576x4096xf32> to vector<576x128xf32>
    %mul3A_1378 = arith.constant 4096 : i32
    %mul3A_1379 = arith.muli %arg1, %mul3A_1378 : i32
    %add3A_1380 = arith.constant 3840 : i32
    %add3A_1381 = arith.addi %mul3A_1379, %add3A_1380 : i32
    %add3A_1382 = vector.broadcast %add3A_1381 : i32 to vector<576x128xi32>
    %add3A_1383 = arith.addi %iota3A, %add3A_1382 : vector<576x128xi32>
    %lt3A_1384 = arith.cmpf olt, %slice3A_1377, %min3A_1375 : vector<576x128xf32>
    %min3A_1385 = arith.minimumf %slice3A_1377, %min3A_1375 : vector<576x128xf32>
    %select_n3A_1386 = arith.select %lt3A_1384, %add3A_1383, %select_n3A_1376 : vector<576x128xi1>, vector<576x128xi32>
    %slice3A_1387 = vector.extract_strided_slice %dot_general3A_1066 {offsets = [0, 3968], sizes = [576, 128], strides = [1, 1]} : vector<576x4096xf32> to vector<576x128xf32>
    %mul3A_1388 = arith.constant 4096 : i32
    %mul3A_1389 = arith.muli %arg1, %mul3A_1388 : i32
    %add3A_1390 = arith.constant 3968 : i32
    %add3A_1391 = arith.addi %mul3A_1389, %add3A_1390 : i32
    %add3A_1392 = vector.broadcast %add3A_1391 : i32 to vector<576x128xi32>
    %add3A_1393 = arith.addi %iota3A, %add3A_1392 : vector<576x128xi32>
    %lt3A_1394 = arith.cmpf olt, %slice3A_1387, %min3A_1385 : vector<576x128xf32>
    %min3A_1395 = arith.minimumf %slice3A_1387, %min3A_1385 : vector<576x128xf32>
    %select_n3A_1396 = arith.select %lt3A_1394, %add3A_1393, %select_n3A_1386 : vector<576x128xi1>, vector<576x128xi32>
    %swap3A_1397 = arith.constant 3 : index
    %swap3A_1398 = arith.constant 0 : index
    %swap3A_1399 = arith.constant 0 : index
    %swap3A_1400 = vector.load %arg5[%swap3A_1397, %swap3A_1398, %swap3A_1399] : memref<8x576x128xf32, #tpu.memory_space<vmem>>, vector<1x576x128xf32>
    %swap3A_1401 = vector.shape_cast %swap3A_1400 : vector<1x576x128xf32> to vector<576x128xf32>
    %swap3A_1402 = vector.shape_cast %min3A_1395 : vector<576x128xf32> to vector<1x576x128xf32>
    tpu.vector_store %arg5[%swap3A_1397, %swap3A_1398, %swap3A_1399], %swap3A_1402 {strides = array<i32>} : memref<8x576x128xf32, #tpu.memory_space<vmem>>, vector<1x576x128xf32>,
    %swap3A_1403 = arith.constant 3 : index
    %swap3A_1404 = arith.constant 0 : index
    %swap3A_1405 = arith.constant 0 : index
    %swap3A_1406 = vector.load %arg6[%swap3A_1403, %swap3A_1404, %swap3A_1405] : memref<8x576x128xi32, #tpu.memory_space<vmem>>, vector<1x576x128xi32>
    %swap3A_1407 = vector.shape_cast %swap3A_1406 : vector<1x576x128xi32> to vector<576x128xi32>
    %swap3A_1408 = vector.shape_cast %select_n3A_1396 : vector<576x128xi32> to vector<1x576x128xi32>
    tpu.vector_store %arg6[%swap3A_1403, %swap3A_1404, %swap3A_1405], %swap3A_1408 {strides = array<i32>} : memref<8x576x128xi32, #tpu.memory_space<vmem>>, vector<1x576x128xi32>,
    %get3A_1409 = arith.constant 0 : index
    %get3A_1410 = arith.constant 0 : index
    %get3A_1411 = arith.constant 512 : index
    %get3A_1412 = vector.load %arg2[%get3A_1409, %get3A_1410, %get3A_1411] : memref<1x576x1024xbf16, #tpu.memory_space<vmem>>, vector<1x576x128xbf16>
    %get3A_1413 = vector.shape_cast %get3A_1412 : vector<1x576x128xbf16> to vector<576x128xbf16>
    %get3A_1414 = arith.constant 4 : index
    %get3A_1415 = arith.constant 0 : index
    %get3A_1416 = arith.constant 0 : index
    %get3A_1417 = vector.load %arg3[%get3A_1414, %get3A_1415, %get3A_1416] : memref<8x4096x128xbf16, #tpu.memory_space<vmem>>, vector<1x4096x128xbf16>
    %get3A_1418 = vector.shape_cast %get3A_1417 : vector<1x4096x128xbf16> to vector<4096x128xbf16>
    %dot_general3A_1419 = arith.constant dense<0.000000e+00> : vector<576x4096xf32>
    %dot_general3A_1420 = tpu.matmul %get3A_1413, %get3A_1418, %dot_general3A_1419 {dimension_numbers = #tpu.dot_dimension_numbers<[1], [1], [0], [0], [0, 0, 1, 0], [], []>, transpose_lhs_hint = false} : vector<576x128xbf16>, vector<4096x128xbf16>, vector<576x4096xf32> -> vector<576x4096xf32>
    %get3A_1421 = arith.constant 4 : index
    %get3A_1422 = arith.constant 0 : index
    %get3A_1423 = arith.constant 0 : index
    %get3A_1424 = vector.load %arg5[%get3A_1421, %get3A_1422, %get3A_1423] : memref<8x576x128xf32, #tpu.memory_space<vmem>>, vector<1x576x128xf32>
    %get3A_1425 = vector.shape_cast %get3A_1424 : vector<1x576x128xf32> to vector<576x128xf32>
    %get3A_1426 = arith.constant 4 : index
    %get3A_1427 = arith.constant 0 : index
    %get3A_1428 = arith.constant 0 : index
    %get3A_1429 = vector.load %arg6[%get3A_1426, %get3A_1427, %get3A_1428] : memref<8x576x128xi32, #tpu.memory_space<vmem>>, vector<1x576x128xi32>
    %get3A_1430 = vector.shape_cast %get3A_1429 : vector<1x576x128xi32> to vector<576x128xi32>
    %slice3A_1431 = vector.extract_strided_slice %dot_general3A_1420 {offsets = [0, 0], sizes = [576, 128], strides = [1, 1]} : vector<576x4096xf32> to vector<576x128xf32>
    %mul3A_1432 = arith.constant 4096 : i32
    %mul3A_1433 = arith.muli %arg1, %mul3A_1432 : i32
    %add3A_1434 = arith.constant 0 : i32
    %add3A_1435 = arith.addi %mul3A_1433, %add3A_1434 : i32
    %add3A_1436 = vector.broadcast %add3A_1435 : i32 to vector<576x128xi32>
    %add3A_1437 = arith.addi %iota3A, %add3A_1436 : vector<576x128xi32>
    %lt3A_1438 = arith.cmpf olt, %slice3A_1431, %get3A_1425 : vector<576x128xf32>
    %min3A_1439 = arith.minimumf %slice3A_1431, %get3A_1425 : vector<576x128xf32>
    %select_n3A_1440 = arith.select %lt3A_1438, %add3A_1437, %get3A_1430 : vector<576x128xi1>, vector<576x128xi32>
    %slice3A_1441 = vector.extract_strided_slice %dot_general3A_1420 {offsets = [0, 128], sizes = [576, 128], strides = [1, 1]} : vector<576x4096xf32> to vector<576x128xf32>
    %mul3A_1442 = arith.constant 4096 : i32
    %mul3A_1443 = arith.muli %arg1, %mul3A_1442 : i32
    %add3A_1444 = arith.constant 128 : i32
    %add3A_1445 = arith.addi %mul3A_1443, %add3A_1444 : i32
    %add3A_1446 = vector.broadcast %add3A_1445 : i32 to vector<576x128xi32>
    %add3A_1447 = arith.addi %iota3A, %add3A_1446 : vector<576x128xi32>
    %lt3A_1448 = arith.cmpf olt, %slice3A_1441, %min3A_1439 : vector<576x128xf32>
    %min3A_1449 = arith.minimumf %slice3A_1441, %min3A_1439 : vector<576x128xf32>
    %select_n3A_1450 = arith.select %lt3A_1448, %add3A_1447, %select_n3A_1440 : vector<576x128xi1>, vector<576x128xi32>
    %slice3A_1451 = vector.extract_strided_slice %dot_general3A_1420 {offsets = [0, 256], sizes = [576, 128], strides = [1, 1]} : vector<576x4096xf32> to vector<576x128xf32>
    %mul3A_1452 = arith.constant 4096 : i32
    %mul3A_1453 = arith.muli %arg1, %mul3A_1452 : i32
    %add3A_1454 = arith.constant 256 : i32
    %add3A_1455 = arith.addi %mul3A_1453, %add3A_1454 : i32
    %add3A_1456 = vector.broadcast %add3A_1455 : i32 to vector<576x128xi32>
    %add3A_1457 = arith.addi %iota3A, %add3A_1456 : vector<576x128xi32>
    %lt3A_1458 = arith.cmpf olt, %slice3A_1451, %min3A_1449 : vector<576x128xf32>
    %min3A_1459 = arith.minimumf %slice3A_1451, %min3A_1449 : vector<576x128xf32>
    %select_n3A_1460 = arith.select %lt3A_1458, %add3A_1457, %select_n3A_1450 : vector<576x128xi1>, vector<576x128xi32>
    %slice3A_1461 = vector.extract_strided_slice %dot_general3A_1420 {offsets = [0, 384], sizes = [576, 128], strides = [1, 1]} : vector<576x4096xf32> to vector<576x128xf32>
    %mul3A_1462 = arith.constant 4096 : i32
    %mul3A_1463 = arith.muli %arg1, %mul3A_1462 : i32
    %add3A_1464 = arith.constant 384 : i32
    %add3A_1465 = arith.addi %mul3A_1463, %add3A_1464 : i32
    %add3A_1466 = vector.broadcast %add3A_1465 : i32 to vector<576x128xi32>
    %add3A_1467 = arith.addi %iota3A, %add3A_1466 : vector<576x128xi32>
    %lt3A_1468 = arith.cmpf olt, %slice3A_1461, %min3A_1459 : vector<576x128xf32>
    %min3A_1469 = arith.minimumf %slice3A_1461, %min3A_1459 : vector<576x128xf32>
    %select_n3A_1470 = arith.select %lt3A_1468, %add3A_1467, %select_n3A_1460 : vector<576x128xi1>, vector<576x128xi32>
    %slice3A_1471 = vector.extract_strided_slice %dot_general3A_1420 {offsets = [0, 512], sizes = [576, 128], strides = [1, 1]} : vector<576x4096xf32> to vector<576x128xf32>
    %mul3A_1472 = arith.constant 4096 : i32
    %mul3A_1473 = arith.muli %arg1, %mul3A_1472 : i32
    %add3A_1474 = arith.constant 512 : i32
    %add3A_1475 = arith.addi %mul3A_1473, %add3A_1474 : i32
    %add3A_1476 = vector.broadcast %add3A_1475 : i32 to vector<576x128xi32>
    %add3A_1477 = arith.addi %iota3A, %add3A_1476 : vector<576x128xi32>
    %lt3A_1478 = arith.cmpf olt, %slice3A_1471, %min3A_1469 : vector<576x128xf32>
    %min3A_1479 = arith.minimumf %slice3A_1471, %min3A_1469 : vector<576x128xf32>
    %select_n3A_1480 = arith.select %lt3A_1478, %add3A_1477, %select_n3A_1470 : vector<576x128xi1>, vector<576x128xi32>
    %slice3A_1481 = vector.extract_strided_slice %dot_general3A_1420 {offsets = [0, 640], sizes = [576, 128], strides = [1, 1]} : vector<576x4096xf32> to vector<576x128xf32>
    %mul3A_1482 = arith.constant 4096 : i32
    %mul3A_1483 = arith.muli %arg1, %mul3A_1482 : i32
    %add3A_1484 = arith.constant 640 : i32
    %add3A_1485 = arith.addi %mul3A_1483, %add3A_1484 : i32
    %add3A_1486 = vector.broadcast %add3A_1485 : i32 to vector<576x128xi32>
    %add3A_1487 = arith.addi %iota3A, %add3A_1486 : vector<576x128xi32>
    %lt3A_1488 = arith.cmpf olt, %slice3A_1481, %min3A_1479 : vector<576x128xf32>
    %min3A_1489 = arith.minimumf %slice3A_1481, %min3A_1479 : vector<576x128xf32>
    %select_n3A_1490 = arith.select %lt3A_1488, %add3A_1487, %select_n3A_1480 : vector<576x128xi1>, vector<576x128xi32>
    %slice3A_1491 = vector.extract_strided_slice %dot_general3A_1420 {offsets = [0, 768], sizes = [576, 128], strides = [1, 1]} : vector<576x4096xf32> to vector<576x128xf32>
    %mul3A_1492 = arith.constant 4096 : i32
    %mul3A_1493 = arith.muli %arg1, %mul3A_1492 : i32
    %add3A_1494 = arith.constant 768 : i32
    %add3A_1495 = arith.addi %mul3A_1493, %add3A_1494 : i32
    %add3A_1496 = vector.broadcast %add3A_1495 : i32 to vector<576x128xi32>
    %add3A_1497 = arith.addi %iota3A, %add3A_1496 : vector<576x128xi32>
    %lt3A_1498 = arith.cmpf olt, %slice3A_1491, %min3A_1489 : vector<576x128xf32>
    %min3A_1499 = arith.minimumf %slice3A_1491, %min3A_1489 : vector<576x128xf32>
    %select_n3A_1500 = arith.select %lt3A_1498, %add3A_1497, %select_n3A_1490 : vector<576x128xi1>, vector<576x128xi32>
    %slice3A_1501 = vector.extract_strided_slice %dot_general3A_1420 {offsets = [0, 896], sizes = [576, 128], strides = [1, 1]} : vector<576x4096xf32> to vector<576x128xf32>
    %mul3A_1502 = arith.constant 4096 : i32
    %mul3A_1503 = arith.muli %arg1, %mul3A_1502 : i32
    %add3A_1504 = arith.constant 896 : i32
    %add3A_1505 = arith.addi %mul3A_1503, %add3A_1504 : i32
    %add3A_1506 = vector.broadcast %add3A_1505 : i32 to vector<576x128xi32>
    %add3A_1507 = arith.addi %iota3A, %add3A_1506 : vector<576x128xi32>
    %lt3A_1508 = arith.cmpf olt, %slice3A_1501, %min3A_1499 : vector<576x128xf32>
    %min3A_1509 = arith.minimumf %slice3A_1501, %min3A_1499 : vector<576x128xf32>
    %select_n3A_1510 = arith.select %lt3A_1508, %add3A_1507, %select_n3A_1500 : vector<576x128xi1>, vector<576x128xi32>
    %slice3A_1511 = vector.extract_strided_slice %dot_general3A_1420 {offsets = [0, 1024], sizes = [576, 128], strides = [1, 1]} : vector<576x4096xf32> to vector<576x128xf32>
    %mul3A_1512 = arith.constant 4096 : i32
    %mul3A_1513 = arith.muli %arg1, %mul3A_1512 : i32
    %add3A_1514 = arith.constant 1024 : i32
    %add3A_1515 = arith.addi %mul3A_1513, %add3A_1514 : i32
    %add3A_1516 = vector.broadcast %add3A_1515 : i32 to vector<576x128xi32>
    %add3A_1517 = arith.addi %iota3A, %add3A_1516 : vector<576x128xi32>
    %lt3A_1518 = arith.cmpf olt, %slice3A_1511, %min3A_1509 : vector<576x128xf32>
    %min3A_1519 = arith.minimumf %slice3A_1511, %min3A_1509 : vector<576x128xf32>
    %select_n3A_1520 = arith.select %lt3A_1518, %add3A_1517, %select_n3A_1510 : vector<576x128xi1>, vector<576x128xi32>
    %slice3A_1521 = vector.extract_strided_slice %dot_general3A_1420 {offsets = [0, 1152], sizes = [576, 128], strides = [1, 1]} : vector<576x4096xf32> to vector<576x128xf32>
    %mul3A_1522 = arith.constant 4096 : i32
    %mul3A_1523 = arith.muli %arg1, %mul3A_1522 : i32
    %add3A_1524 = arith.constant 1152 : i32
    %add3A_1525 = arith.addi %mul3A_1523, %add3A_1524 : i32
    %add3A_1526 = vector.broadcast %add3A_1525 : i32 to vector<576x128xi32>
    %add3A_1527 = arith.addi %iota3A, %add3A_1526 : vector<576x128xi32>
    %lt3A_1528 = arith.cmpf olt, %slice3A_1521, %min3A_1519 : vector<576x128xf32>
    %min3A_1529 = arith.minimumf %slice3A_1521, %min3A_1519 : vector<576x128xf32>
    %select_n3A_1530 = arith.select %lt3A_1528, %add3A_1527, %select_n3A_1520 : vector<576x128xi1>, vector<576x128xi32>
    %slice3A_1531 = vector.extract_strided_slice %dot_general3A_1420 {offsets = [0, 1280], sizes = [576, 128], strides = [1, 1]} : vector<576x4096xf32> to vector<576x128xf32>
    %mul3A_1532 = arith.constant 4096 : i32
    %mul3A_1533 = arith.muli %arg1, %mul3A_1532 : i32
    %add3A_1534 = arith.constant 1280 : i32
    %add3A_1535 = arith.addi %mul3A_1533, %add3A_1534 : i32
    %add3A_1536 = vector.broadcast %add3A_1535 : i32 to vector<576x128xi32>
    %add3A_1537 = arith.addi %iota3A, %add3A_1536 : vector<576x128xi32>
    %lt3A_1538 = arith.cmpf olt, %slice3A_1531, %min3A_1529 : vector<576x128xf32>
    %min3A_1539 = arith.minimumf %slice3A_1531, %min3A_1529 : vector<576x128xf32>
    %select_n3A_1540 = arith.select %lt3A_1538, %add3A_1537, %select_n3A_1530 : vector<576x128xi1>, vector<576x128xi32>
    %slice3A_1541 = vector.extract_strided_slice %dot_general3A_1420 {offsets = [0, 1408], sizes = [576, 128], strides = [1, 1]} : vector<576x4096xf32> to vector<576x128xf32>
    %mul3A_1542 = arith.constant 4096 : i32
    %mul3A_1543 = arith.muli %arg1, %mul3A_1542 : i32
    %add3A_1544 = arith.constant 1408 : i32
    %add3A_1545 = arith.addi %mul3A_1543, %add3A_1544 : i32
    %add3A_1546 = vector.broadcast %add3A_1545 : i32 to vector<576x128xi32>
    %add3A_1547 = arith.addi %iota3A, %add3A_1546 : vector<576x128xi32>
    %lt3A_1548 = arith.cmpf olt, %slice3A_1541, %min3A_1539 : vector<576x128xf32>
    %min3A_1549 = arith.minimumf %slice3A_1541, %min3A_1539 : vector<576x128xf32>
    %select_n3A_1550 = arith.select %lt3A_1548, %add3A_1547, %select_n3A_1540 : vector<576x128xi1>, vector<576x128xi32>
    %slice3A_1551 = vector.extract_strided_slice %dot_general3A_1420 {offsets = [0, 1536], sizes = [576, 128], strides = [1, 1]} : vector<576x4096xf32> to vector<576x128xf32>
    %mul3A_1552 = arith.constant 4096 : i32
    %mul3A_1553 = arith.muli %arg1, %mul3A_1552 : i32
    %add3A_1554 = arith.constant 1536 : i32
    %add3A_1555 = arith.addi %mul3A_1553, %add3A_1554 : i32
    %add3A_1556 = vector.broadcast %add3A_1555 : i32 to vector<576x128xi32>
    %add3A_1557 = arith.addi %iota3A, %add3A_1556 : vector<576x128xi32>
    %lt3A_1558 = arith.cmpf olt, %slice3A_1551, %min3A_1549 : vector<576x128xf32>
    %min3A_1559 = arith.minimumf %slice3A_1551, %min3A_1549 : vector<576x128xf32>
    %select_n3A_1560 = arith.select %lt3A_1558, %add3A_1557, %select_n3A_1550 : vector<576x128xi1>, vector<576x128xi32>
    %slice3A_1561 = vector.extract_strided_slice %dot_general3A_1420 {offsets = [0, 1664], sizes = [576, 128], strides = [1, 1]} : vector<576x4096xf32> to vector<576x128xf32>
    %mul3A_1562 = arith.constant 4096 : i32
    %mul3A_1563 = arith.muli %arg1, %mul3A_1562 : i32
    %add3A_1564 = arith.constant 1664 : i32
    %add3A_1565 = arith.addi %mul3A_1563, %add3A_1564 : i32
    %add3A_1566 = vector.broadcast %add3A_1565 : i32 to vector<576x128xi32>
    %add3A_1567 = arith.addi %iota3A, %add3A_1566 : vector<576x128xi32>
    %lt3A_1568 = arith.cmpf olt, %slice3A_1561, %min3A_1559 : vector<576x128xf32>
    %min3A_1569 = arith.minimumf %slice3A_1561, %min3A_1559 : vector<576x128xf32>
    %select_n3A_1570 = arith.select %lt3A_1568, %add3A_1567, %select_n3A_1560 : vector<576x128xi1>, vector<576x128xi32>
    %slice3A_1571 = vector.extract_strided_slice %dot_general3A_1420 {offsets = [0, 1792], sizes = [576, 128], strides = [1, 1]} : vector<576x4096xf32> to vector<576x128xf32>
    %mul3A_1572 = arith.constant 4096 : i32
    %mul3A_1573 = arith.muli %arg1, %mul3A_1572 : i32
    %add3A_1574 = arith.constant 1792 : i32
    %add3A_1575 = arith.addi %mul3A_1573, %add3A_1574 : i32
    %add3A_1576 = vector.broadcast %add3A_1575 : i32 to vector<576x128xi32>
    %add3A_1577 = arith.addi %iota3A, %add3A_1576 : vector<576x128xi32>
    %lt3A_1578 = arith.cmpf olt, %slice3A_1571, %min3A_1569 : vector<576x128xf32>
    %min3A_1579 = arith.minimumf %slice3A_1571, %min3A_1569 : vector<576x128xf32>
    %select_n3A_1580 = arith.select %lt3A_1578, %add3A_1577, %select_n3A_1570 : vector<576x128xi1>, vector<576x128xi32>
    %slice3A_1581 = vector.extract_strided_slice %dot_general3A_1420 {offsets = [0, 1920], sizes = [576, 128], strides = [1, 1]} : vector<576x4096xf32> to vector<576x128xf32>
    %mul3A_1582 = arith.constant 4096 : i32
    %mul3A_1583 = arith.muli %arg1, %mul3A_1582 : i32
    %add3A_1584 = arith.constant 1920 : i32
    %add3A_1585 = arith.addi %mul3A_1583, %add3A_1584 : i32
    %add3A_1586 = vector.broadcast %add3A_1585 : i32 to vector<576x128xi32>
    %add3A_1587 = arith.addi %iota3A, %add3A_1586 : vector<576x128xi32>
    %lt3A_1588 = arith.cmpf olt, %slice3A_1581, %min3A_1579 : vector<576x128xf32>
    %min3A_1589 = arith.minimumf %slice3A_1581, %min3A_1579 : vector<576x128xf32>
    %select_n3A_1590 = arith.select %lt3A_1588, %add3A_1587, %select_n3A_1580 : vector<576x128xi1>, vector<576x128xi32>
    %slice3A_1591 = vector.extract_strided_slice %dot_general3A_1420 {offsets = [0, 2048], sizes = [576, 128], strides = [1, 1]} : vector<576x4096xf32> to vector<576x128xf32>
    %mul3A_1592 = arith.constant 4096 : i32
    %mul3A_1593 = arith.muli %arg1, %mul3A_1592 : i32
    %add3A_1594 = arith.constant 2048 : i32
    %add3A_1595 = arith.addi %mul3A_1593, %add3A_1594 : i32
    %add3A_1596 = vector.broadcast %add3A_1595 : i32 to vector<576x128xi32>
    %add3A_1597 = arith.addi %iota3A, %add3A_1596 : vector<576x128xi32>
    %lt3A_1598 = arith.cmpf olt, %slice3A_1591, %min3A_1589 : vector<576x128xf32>
    %min3A_1599 = arith.minimumf %slice3A_1591, %min3A_1589 : vector<576x128xf32>
    %select_n3A_1600 = arith.select %lt3A_1598, %add3A_1597, %select_n3A_1590 : vector<576x128xi1>, vector<576x128xi32>
    %slice3A_1601 = vector.extract_strided_slice %dot_general3A_1420 {offsets = [0, 2176], sizes = [576, 128], strides = [1, 1]} : vector<576x4096xf32> to vector<576x128xf32>
    %mul3A_1602 = arith.constant 4096 : i32
    %mul3A_1603 = arith.muli %arg1, %mul3A_1602 : i32
    %add3A_1604 = arith.constant 2176 : i32
    %add3A_1605 = arith.addi %mul3A_1603, %add3A_1604 : i32
    %add3A_1606 = vector.broadcast %add3A_1605 : i32 to vector<576x128xi32>
    %add3A_1607 = arith.addi %iota3A, %add3A_1606 : vector<576x128xi32>
    %lt3A_1608 = arith.cmpf olt, %slice3A_1601, %min3A_1599 : vector<576x128xf32>
    %min3A_1609 = arith.minimumf %slice3A_1601, %min3A_1599 : vector<576x128xf32>
    %select_n3A_1610 = arith.select %lt3A_1608, %add3A_1607, %select_n3A_1600 : vector<576x128xi1>, vector<576x128xi32>
    %slice3A_1611 = vector.extract_strided_slice %dot_general3A_1420 {offsets = [0, 2304], sizes = [576, 128], strides = [1, 1]} : vector<576x4096xf32> to vector<576x128xf32>
    %mul3A_1612 = arith.constant 4096 : i32
    %mul3A_1613 = arith.muli %arg1, %mul3A_1612 : i32
    %add3A_1614 = arith.constant 2304 : i32
    %add3A_1615 = arith.addi %mul3A_1613, %add3A_1614 : i32
    %add3A_1616 = vector.broadcast %add3A_1615 : i32 to vector<576x128xi32>
    %add3A_1617 = arith.addi %iota3A, %add3A_1616 : vector<576x128xi32>
    %lt3A_1618 = arith.cmpf olt, %slice3A_1611, %min3A_1609 : vector<576x128xf32>
    %min3A_1619 = arith.minimumf %slice3A_1611, %min3A_1609 : vector<576x128xf32>
    %select_n3A_1620 = arith.select %lt3A_1618, %add3A_1617, %select_n3A_1610 : vector<576x128xi1>, vector<576x128xi32>
    %slice3A_1621 = vector.extract_strided_slice %dot_general3A_1420 {offsets = [0, 2432], sizes = [576, 128], strides = [1, 1]} : vector<576x4096xf32> to vector<576x128xf32>
    %mul3A_1622 = arith.constant 4096 : i32
    %mul3A_1623 = arith.muli %arg1, %mul3A_1622 : i32
    %add3A_1624 = arith.constant 2432 : i32
    %add3A_1625 = arith.addi %mul3A_1623, %add3A_1624 : i32
    %add3A_1626 = vector.broadcast %add3A_1625 : i32 to vector<576x128xi32>
    %add3A_1627 = arith.addi %iota3A, %add3A_1626 : vector<576x128xi32>
    %lt3A_1628 = arith.cmpf olt, %slice3A_1621, %min3A_1619 : vector<576x128xf32>
    %min3A_1629 = arith.minimumf %slice3A_1621, %min3A_1619 : vector<576x128xf32>
    %select_n3A_1630 = arith.select %lt3A_1628, %add3A_1627, %select_n3A_1620 : vector<576x128xi1>, vector<576x128xi32>
    %slice3A_1631 = vector.extract_strided_slice %dot_general3A_1420 {offsets = [0, 2560], sizes = [576, 128], strides = [1, 1]} : vector<576x4096xf32> to vector<576x128xf32>
    %mul3A_1632 = arith.constant 4096 : i32
    %mul3A_1633 = arith.muli %arg1, %mul3A_1632 : i32
    %add3A_1634 = arith.constant 2560 : i32
    %add3A_1635 = arith.addi %mul3A_1633, %add3A_1634 : i32
    %add3A_1636 = vector.broadcast %add3A_1635 : i32 to vector<576x128xi32>
    %add3A_1637 = arith.addi %iota3A, %add3A_1636 : vector<576x128xi32>
    %lt3A_1638 = arith.cmpf olt, %slice3A_1631, %min3A_1629 : vector<576x128xf32>
    %min3A_1639 = arith.minimumf %slice3A_1631, %min3A_1629 : vector<576x128xf32>
    %select_n3A_1640 = arith.select %lt3A_1638, %add3A_1637, %select_n3A_1630 : vector<576x128xi1>, vector<576x128xi32>
    %slice3A_1641 = vector.extract_strided_slice %dot_general3A_1420 {offsets = [0, 2688], sizes = [576, 128], strides = [1, 1]} : vector<576x4096xf32> to vector<576x128xf32>
    %mul3A_1642 = arith.constant 4096 : i32
    %mul3A_1643 = arith.muli %arg1, %mul3A_1642 : i32
    %add3A_1644 = arith.constant 2688 : i32
    %add3A_1645 = arith.addi %mul3A_1643, %add3A_1644 : i32
    %add3A_1646 = vector.broadcast %add3A_1645 : i32 to vector<576x128xi32>
    %add3A_1647 = arith.addi %iota3A, %add3A_1646 : vector<576x128xi32>
    %lt3A_1648 = arith.cmpf olt, %slice3A_1641, %min3A_1639 : vector<576x128xf32>
    %min3A_1649 = arith.minimumf %slice3A_1641, %min3A_1639 : vector<576x128xf32>
    %select_n3A_1650 = arith.select %lt3A_1648, %add3A_1647, %select_n3A_1640 : vector<576x128xi1>, vector<576x128xi32>
    %slice3A_1651 = vector.extract_strided_slice %dot_general3A_1420 {offsets = [0, 2816], sizes = [576, 128], strides = [1, 1]} : vector<576x4096xf32> to vector<576x128xf32>
    %mul3A_1652 = arith.constant 4096 : i32
    %mul3A_1653 = arith.muli %arg1, %mul3A_1652 : i32
    %add3A_1654 = arith.constant 2816 : i32
    %add3A_1655 = arith.addi %mul3A_1653, %add3A_1654 : i32
    %add3A_1656 = vector.broadcast %add3A_1655 : i32 to vector<576x128xi32>
    %add3A_1657 = arith.addi %iota3A, %add3A_1656 : vector<576x128xi32>
    %lt3A_1658 = arith.cmpf olt, %slice3A_1651, %min3A_1649 : vector<576x128xf32>
    %min3A_1659 = arith.minimumf %slice3A_1651, %min3A_1649 : vector<576x128xf32>
    %select_n3A_1660 = arith.select %lt3A_1658, %add3A_1657, %select_n3A_1650 : vector<576x128xi1>, vector<576x128xi32>
    %slice3A_1661 = vector.extract_strided_slice %dot_general3A_1420 {offsets = [0, 2944], sizes = [576, 128], strides = [1, 1]} : vector<576x4096xf32> to vector<576x128xf32>
    %mul3A_1662 = arith.constant 4096 : i32
    %mul3A_1663 = arith.muli %arg1, %mul3A_1662 : i32
    %add3A_1664 = arith.constant 2944 : i32
    %add3A_1665 = arith.addi %mul3A_1663, %add3A_1664 : i32
    %add3A_1666 = vector.broadcast %add3A_1665 : i32 to vector<576x128xi32>
    %add3A_1667 = arith.addi %iota3A, %add3A_1666 : vector<576x128xi32>
    %lt3A_1668 = arith.cmpf olt, %slice3A_1661, %min3A_1659 : vector<576x128xf32>
    %min3A_1669 = arith.minimumf %slice3A_1661, %min3A_1659 : vector<576x128xf32>
    %select_n3A_1670 = arith.select %lt3A_1668, %add3A_1667, %select_n3A_1660 : vector<576x128xi1>, vector<576x128xi32>
    %slice3A_1671 = vector.extract_strided_slice %dot_general3A_1420 {offsets = [0, 3072], sizes = [576, 128], strides = [1, 1]} : vector<576x4096xf32> to vector<576x128xf32>
    %mul3A_1672 = arith.constant 4096 : i32
    %mul3A_1673 = arith.muli %arg1, %mul3A_1672 : i32
    %add3A_1674 = arith.constant 3072 : i32
    %add3A_1675 = arith.addi %mul3A_1673, %add3A_1674 : i32
    %add3A_1676 = vector.broadcast %add3A_1675 : i32 to vector<576x128xi32>
    %add3A_1677 = arith.addi %iota3A, %add3A_1676 : vector<576x128xi32>
    %lt3A_1678 = arith.cmpf olt, %slice3A_1671, %min3A_1669 : vector<576x128xf32>
    %min3A_1679 = arith.minimumf %slice3A_1671, %min3A_1669 : vector<576x128xf32>
    %select_n3A_1680 = arith.select %lt3A_1678, %add3A_1677, %select_n3A_1670 : vector<576x128xi1>, vector<576x128xi32>
    %slice3A_1681 = vector.extract_strided_slice %dot_general3A_1420 {offsets = [0, 3200], sizes = [576, 128], strides = [1, 1]} : vector<576x4096xf32> to vector<576x128xf32>
    %mul3A_1682 = arith.constant 4096 : i32
    %mul3A_1683 = arith.muli %arg1, %mul3A_1682 : i32
    %add3A_1684 = arith.constant 3200 : i32
    %add3A_1685 = arith.addi %mul3A_1683, %add3A_1684 : i32
    %add3A_1686 = vector.broadcast %add3A_1685 : i32 to vector<576x128xi32>
    %add3A_1687 = arith.addi %iota3A, %add3A_1686 : vector<576x128xi32>
    %lt3A_1688 = arith.cmpf olt, %slice3A_1681, %min3A_1679 : vector<576x128xf32>
    %min3A_1689 = arith.minimumf %slice3A_1681, %min3A_1679 : vector<576x128xf32>
    %select_n3A_1690 = arith.select %lt3A_1688, %add3A_1687, %select_n3A_1680 : vector<576x128xi1>, vector<576x128xi32>
    %slice3A_1691 = vector.extract_strided_slice %dot_general3A_1420 {offsets = [0, 3328], sizes = [576, 128], strides = [1, 1]} : vector<576x4096xf32> to vector<576x128xf32>
    %mul3A_1692 = arith.constant 4096 : i32
    %mul3A_1693 = arith.muli %arg1, %mul3A_1692 : i32
    %add3A_1694 = arith.constant 3328 : i32
    %add3A_1695 = arith.addi %mul3A_1693, %add3A_1694 : i32
    %add3A_1696 = vector.broadcast %add3A_1695 : i32 to vector<576x128xi32>
    %add3A_1697 = arith.addi %iota3A, %add3A_1696 : vector<576x128xi32>
    %lt3A_1698 = arith.cmpf olt, %slice3A_1691, %min3A_1689 : vector<576x128xf32>
    %min3A_1699 = arith.minimumf %slice3A_1691, %min3A_1689 : vector<576x128xf32>
    %select_n3A_1700 = arith.select %lt3A_1698, %add3A_1697, %select_n3A_1690 : vector<576x128xi1>, vector<576x128xi32>
    %slice3A_1701 = vector.extract_strided_slice %dot_general3A_1420 {offsets = [0, 3456], sizes = [576, 128], strides = [1, 1]} : vector<576x4096xf32> to vector<576x128xf32>
    %mul3A_1702 = arith.constant 4096 : i32
    %mul3A_1703 = arith.muli %arg1, %mul3A_1702 : i32
    %add3A_1704 = arith.constant 3456 : i32
    %add3A_1705 = arith.addi %mul3A_1703, %add3A_1704 : i32
    %add3A_1706 = vector.broadcast %add3A_1705 : i32 to vector<576x128xi32>
    %add3A_1707 = arith.addi %iota3A, %add3A_1706 : vector<576x128xi32>
    %lt3A_1708 = arith.cmpf olt, %slice3A_1701, %min3A_1699 : vector<576x128xf32>
    %min3A_1709 = arith.minimumf %slice3A_1701, %min3A_1699 : vector<576x128xf32>
    %select_n3A_1710 = arith.select %lt3A_1708, %add3A_1707, %select_n3A_1700 : vector<576x128xi1>, vector<576x128xi32>
    %slice3A_1711 = vector.extract_strided_slice %dot_general3A_1420 {offsets = [0, 3584], sizes = [576, 128], strides = [1, 1]} : vector<576x4096xf32> to vector<576x128xf32>
    %mul3A_1712 = arith.constant 4096 : i32
    %mul3A_1713 = arith.muli %arg1, %mul3A_1712 : i32
    %add3A_1714 = arith.constant 3584 : i32
    %add3A_1715 = arith.addi %mul3A_1713, %add3A_1714 : i32
    %add3A_1716 = vector.broadcast %add3A_1715 : i32 to vector<576x128xi32>
    %add3A_1717 = arith.addi %iota3A, %add3A_1716 : vector<576x128xi32>
    %lt3A_1718 = arith.cmpf olt, %slice3A_1711, %min3A_1709 : vector<576x128xf32>
    %min3A_1719 = arith.minimumf %slice3A_1711, %min3A_1709 : vector<576x128xf32>
    %select_n3A_1720 = arith.select %lt3A_1718, %add3A_1717, %select_n3A_1710 : vector<576x128xi1>, vector<576x128xi32>
    %slice3A_1721 = vector.extract_strided_slice %dot_general3A_1420 {offsets = [0, 3712], sizes = [576, 128], strides = [1, 1]} : vector<576x4096xf32> to vector<576x128xf32>
    %mul3A_1722 = arith.constant 4096 : i32
    %mul3A_1723 = arith.muli %arg1, %mul3A_1722 : i32
    %add3A_1724 = arith.constant 3712 : i32
    %add3A_1725 = arith.addi %mul3A_1723, %add3A_1724 : i32
    %add3A_1726 = vector.broadcast %add3A_1725 : i32 to vector<576x128xi32>
    %add3A_1727 = arith.addi %iota3A, %add3A_1726 : vector<576x128xi32>
    %lt3A_1728 = arith.cmpf olt, %slice3A_1721, %min3A_1719 : vector<576x128xf32>
    %min3A_1729 = arith.minimumf %slice3A_1721, %min3A_1719 : vector<576x128xf32>
    %select_n3A_1730 = arith.select %lt3A_1728, %add3A_1727, %select_n3A_1720 : vector<576x128xi1>, vector<576x128xi32>
    %slice3A_1731 = vector.extract_strided_slice %dot_general3A_1420 {offsets = [0, 3840], sizes = [576, 128], strides = [1, 1]} : vector<576x4096xf32> to vector<576x128xf32>
    %mul3A_1732 = arith.constant 4096 : i32
    %mul3A_1733 = arith.muli %arg1, %mul3A_1732 : i32
    %add3A_1734 = arith.constant 3840 : i32
    %add3A_1735 = arith.addi %mul3A_1733, %add3A_1734 : i32
    %add3A_1736 = vector.broadcast %add3A_1735 : i32 to vector<576x128xi32>
    %add3A_1737 = arith.addi %iota3A, %add3A_1736 : vector<576x128xi32>
    %lt3A_1738 = arith.cmpf olt, %slice3A_1731, %min3A_1729 : vector<576x128xf32>
    %min3A_1739 = arith.minimumf %slice3A_1731, %min3A_1729 : vector<576x128xf32>
    %select_n3A_1740 = arith.select %lt3A_1738, %add3A_1737, %select_n3A_1730 : vector<576x128xi1>, vector<576x128xi32>
    %slice3A_1741 = vector.extract_strided_slice %dot_general3A_1420 {offsets = [0, 3968], sizes = [576, 128], strides = [1, 1]} : vector<576x4096xf32> to vector<576x128xf32>
    %mul3A_1742 = arith.constant 4096 : i32
    %mul3A_1743 = arith.muli %arg1, %mul3A_1742 : i32
    %add3A_1744 = arith.constant 3968 : i32
    %add3A_1745 = arith.addi %mul3A_1743, %add3A_1744 : i32
    %add3A_1746 = vector.broadcast %add3A_1745 : i32 to vector<576x128xi32>
    %add3A_1747 = arith.addi %iota3A, %add3A_1746 : vector<576x128xi32>
    %lt3A_1748 = arith.cmpf olt, %slice3A_1741, %min3A_1739 : vector<576x128xf32>
    %min3A_1749 = arith.minimumf %slice3A_1741, %min3A_1739 : vector<576x128xf32>
    %select_n3A_1750 = arith.select %lt3A_1748, %add3A_1747, %select_n3A_1740 : vector<576x128xi1>, vector<576x128xi32>
    %swap3A_1751 = arith.constant 4 : index
    %swap3A_1752 = arith.constant 0 : index
    %swap3A_1753 = arith.constant 0 : index
    %swap3A_1754 = vector.load %arg5[%swap3A_1751, %swap3A_1752, %swap3A_1753] : memref<8x576x128xf32, #tpu.memory_space<vmem>>, vector<1x576x128xf32>
    %swap3A_1755 = vector.shape_cast %swap3A_1754 : vector<1x576x128xf32> to vector<576x128xf32>
    %swap3A_1756 = vector.shape_cast %min3A_1749 : vector<576x128xf32> to vector<1x576x128xf32>
    tpu.vector_store %arg5[%swap3A_1751, %swap3A_1752, %swap3A_1753], %swap3A_1756 {strides = array<i32>} : memref<8x576x128xf32, #tpu.memory_space<vmem>>, vector<1x576x128xf32>,
    %swap3A_1757 = arith.constant 4 : index
    %swap3A_1758 = arith.constant 0 : index
    %swap3A_1759 = arith.constant 0 : index
    %swap3A_1760 = vector.load %arg6[%swap3A_1757, %swap3A_1758, %swap3A_1759] : memref<8x576x128xi32, #tpu.memory_space<vmem>>, vector<1x576x128xi32>
    %swap3A_1761 = vector.shape_cast %swap3A_1760 : vector<1x576x128xi32> to vector<576x128xi32>
    %swap3A_1762 = vector.shape_cast %select_n3A_1750 : vector<576x128xi32> to vector<1x576x128xi32>
    tpu.vector_store %arg6[%swap3A_1757, %swap3A_1758, %swap3A_1759], %swap3A_1762 {strides = array<i32>} : memref<8x576x128xi32, #tpu.memory_space<vmem>>, vector<1x576x128xi32>,
    %get3A_1763 = arith.constant 0 : index
    %get3A_1764 = arith.constant 0 : index
    %get3A_1765 = arith.constant 640 : index
    %get3A_1766 = vector.load %arg2[%get3A_1763, %get3A_1764, %get3A_1765] : memref<1x576x1024xbf16, #tpu.memory_space<vmem>>, vector<1x576x128xbf16>
    %get3A_1767 = vector.shape_cast %get3A_1766 : vector<1x576x128xbf16> to vector<576x128xbf16>
    %get3A_1768 = arith.constant 5 : index
    %get3A_1769 = arith.constant 0 : index
    %get3A_1770 = arith.constant 0 : index
    %get3A_1771 = vector.load %arg3[%get3A_1768, %get3A_1769, %get3A_1770] : memref<8x4096x128xbf16, #tpu.memory_space<vmem>>, vector<1x4096x128xbf16>
    %get3A_1772 = vector.shape_cast %get3A_1771 : vector<1x4096x128xbf16> to vector<4096x128xbf16>
    %dot_general3A_1773 = arith.constant dense<0.000000e+00> : vector<576x4096xf32>
    %dot_general3A_1774 = tpu.matmul %get3A_1767, %get3A_1772, %dot_general3A_1773 {dimension_numbers = #tpu.dot_dimension_numbers<[1], [1], [0], [0], [0, 0, 1, 0], [], []>, transpose_lhs_hint = false} : vector<576x128xbf16>, vector<4096x128xbf16>, vector<576x4096xf32> -> vector<576x4096xf32>
    %get3A_1775 = arith.constant 5 : index
    %get3A_1776 = arith.constant 0 : index
    %get3A_1777 = arith.constant 0 : index
    %get3A_1778 = vector.load %arg5[%get3A_1775, %get3A_1776, %get3A_1777] : memref<8x576x128xf32, #tpu.memory_space<vmem>>, vector<1x576x128xf32>
    %get3A_1779 = vector.shape_cast %get3A_1778 : vector<1x576x128xf32> to vector<576x128xf32>
    %get3A_1780 = arith.constant 5 : index
    %get3A_1781 = arith.constant 0 : index
    %get3A_1782 = arith.constant 0 : index
    %get3A_1783 = vector.load %arg6[%get3A_1780, %get3A_1781, %get3A_1782] : memref<8x576x128xi32, #tpu.memory_space<vmem>>, vector<1x576x128xi32>
    %get3A_1784 = vector.shape_cast %get3A_1783 : vector<1x576x128xi32> to vector<576x128xi32>
    %slice3A_1785 = vector.extract_strided_slice %dot_general3A_1774 {offsets = [0, 0], sizes = [576, 128], strides = [1, 1]} : vector<576x4096xf32> to vector<576x128xf32>
    %mul3A_1786 = arith.constant 4096 : i32
    %mul3A_1787 = arith.muli %arg1, %mul3A_1786 : i32
    %add3A_1788 = arith.constant 0 : i32
    %add3A_1789 = arith.addi %mul3A_1787, %add3A_1788 : i32
    %add3A_1790 = vector.broadcast %add3A_1789 : i32 to vector<576x128xi32>
    %add3A_1791 = arith.addi %iota3A, %add3A_1790 : vector<576x128xi32>
    %lt3A_1792 = arith.cmpf olt, %slice3A_1785, %get3A_1779 : vector<576x128xf32>
    %min3A_1793 = arith.minimumf %slice3A_1785, %get3A_1779 : vector<576x128xf32>
    %select_n3A_1794 = arith.select %lt3A_1792, %add3A_1791, %get3A_1784 : vector<576x128xi1>, vector<576x128xi32>
    %slice3A_1795 = vector.extract_strided_slice %dot_general3A_1774 {offsets = [0, 128], sizes = [576, 128], strides = [1, 1]} : vector<576x4096xf32> to vector<576x128xf32>
    %mul3A_1796 = arith.constant 4096 : i32
    %mul3A_1797 = arith.muli %arg1, %mul3A_1796 : i32
    %add3A_1798 = arith.constant 128 : i32
    %add3A_1799 = arith.addi %mul3A_1797, %add3A_1798 : i32
    %add3A_1800 = vector.broadcast %add3A_1799 : i32 to vector<576x128xi32>
    %add3A_1801 = arith.addi %iota3A, %add3A_1800 : vector<576x128xi32>
    %lt3A_1802 = arith.cmpf olt, %slice3A_1795, %min3A_1793 : vector<576x128xf32>
    %min3A_1803 = arith.minimumf %slice3A_1795, %min3A_1793 : vector<576x128xf32>
    %select_n3A_1804 = arith.select %lt3A_1802, %add3A_1801, %select_n3A_1794 : vector<576x128xi1>, vector<576x128xi32>
    %slice3A_1805 = vector.extract_strided_slice %dot_general3A_1774 {offsets = [0, 256], sizes = [576, 128], strides = [1, 1]} : vector<576x4096xf32> to vector<576x128xf32>
    %mul3A_1806 = arith.constant 4096 : i32
    %mul3A_1807 = arith.muli %arg1, %mul3A_1806 : i32
    %add3A_1808 = arith.constant 256 : i32
    %add3A_1809 = arith.addi %mul3A_1807, %add3A_1808 : i32
    %add3A_1810 = vector.broadcast %add3A_1809 : i32 to vector<576x128xi32>
    %add3A_1811 = arith.addi %iota3A, %add3A_1810 : vector<576x128xi32>
    %lt3A_1812 = arith.cmpf olt, %slice3A_1805, %min3A_1803 : vector<576x128xf32>
    %min3A_1813 = arith.minimumf %slice3A_1805, %min3A_1803 : vector<576x128xf32>
    %select_n3A_1814 = arith.select %lt3A_1812, %add3A_1811, %select_n3A_1804 : vector<576x128xi1>, vector<576x128xi32>
    %slice3A_1815 = vector.extract_strided_slice %dot_general3A_1774 {offsets = [0, 384], sizes = [576, 128], strides = [1, 1]} : vector<576x4096xf32> to vector<576x128xf32>
    %mul3A_1816 = arith.constant 4096 : i32
    %mul3A_1817 = arith.muli %arg1, %mul3A_1816 : i32
    %add3A_1818 = arith.constant 384 : i32
    %add3A_1819 = arith.addi %mul3A_1817, %add3A_1818 : i32
    %add3A_1820 = vector.broadcast %add3A_1819 : i32 to vector<576x128xi32>
    %add3A_1821 = arith.addi %iota3A, %add3A_1820 : vector<576x128xi32>
    %lt3A_1822 = arith.cmpf olt, %slice3A_1815, %min3A_1813 : vector<576x128xf32>
    %min3A_1823 = arith.minimumf %slice3A_1815, %min3A_1813 : vector<576x128xf32>
    %select_n3A_1824 = arith.select %lt3A_1822, %add3A_1821, %select_n3A_1814 : vector<576x128xi1>, vector<576x128xi32>
    %slice3A_1825 = vector.extract_strided_slice %dot_general3A_1774 {offsets = [0, 512], sizes = [576, 128], strides = [1, 1]} : vector<576x4096xf32> to vector<576x128xf32>
    %mul3A_1826 = arith.constant 4096 : i32
    %mul3A_1827 = arith.muli %arg1, %mul3A_1826 : i32
    %add3A_1828 = arith.constant 512 : i32
    %add3A_1829 = arith.addi %mul3A_1827, %add3A_1828 : i32
    %add3A_1830 = vector.broadcast %add3A_1829 : i32 to vector<576x128xi32>
    %add3A_1831 = arith.addi %iota3A, %add3A_1830 : vector<576x128xi32>
    %lt3A_1832 = arith.cmpf olt, %slice3A_1825, %min3A_1823 : vector<576x128xf32>
    %min3A_1833 = arith.minimumf %slice3A_1825, %min3A_1823 : vector<576x128xf32>
    %select_n3A_1834 = arith.select %lt3A_1832, %add3A_1831, %select_n3A_1824 : vector<576x128xi1>, vector<576x128xi32>
    %slice3A_1835 = vector.extract_strided_slice %dot_general3A_1774 {offsets = [0, 640], sizes = [576, 128], strides = [1, 1]} : vector<576x4096xf32> to vector<576x128xf32>
    %mul3A_1836 = arith.constant 4096 : i32
    %mul3A_1837 = arith.muli %arg1, %mul3A_1836 : i32
    %add3A_1838 = arith.constant 640 : i32
    %add3A_1839 = arith.addi %mul3A_1837, %add3A_1838 : i32
    %add3A_1840 = vector.broadcast %add3A_1839 : i32 to vector<576x128xi32>
    %add3A_1841 = arith.addi %iota3A, %add3A_1840 : vector<576x128xi32>
    %lt3A_1842 = arith.cmpf olt, %slice3A_1835, %min3A_1833 : vector<576x128xf32>
    %min3A_1843 = arith.minimumf %slice3A_1835, %min3A_1833 : vector<576x128xf32>
    %select_n3A_1844 = arith.select %lt3A_1842, %add3A_1841, %select_n3A_1834 : vector<576x128xi1>, vector<576x128xi32>
    %slice3A_1845 = vector.extract_strided_slice %dot_general3A_1774 {offsets = [0, 768], sizes = [576, 128], strides = [1, 1]} : vector<576x4096xf32> to vector<576x128xf32>
    %mul3A_1846 = arith.constant 4096 : i32
    %mul3A_1847 = arith.muli %arg1, %mul3A_1846 : i32
    %add3A_1848 = arith.constant 768 : i32
    %add3A_1849 = arith.addi %mul3A_1847, %add3A_1848 : i32
    %add3A_1850 = vector.broadcast %add3A_1849 : i32 to vector<576x128xi32>
    %add3A_1851 = arith.addi %iota3A, %add3A_1850 : vector<576x128xi32>
    %lt3A_1852 = arith.cmpf olt, %slice3A_1845, %min3A_1843 : vector<576x128xf32>
    %min3A_1853 = arith.minimumf %slice3A_1845, %min3A_1843 : vector<576x128xf32>
    %select_n3A_1854 = arith.select %lt3A_1852, %add3A_1851, %select_n3A_1844 : vector<576x128xi1>, vector<576x128xi32>
    %slice3A_1855 = vector.extract_strided_slice %dot_general3A_1774 {offsets = [0, 896], sizes = [576, 128], strides = [1, 1]} : vector<576x4096xf32> to vector<576x128xf32>
    %mul3A_1856 = arith.constant 4096 : i32
    %mul3A_1857 = arith.muli %arg1, %mul3A_1856 : i32
    %add3A_1858 = arith.constant 896 : i32
    %add3A_1859 = arith.addi %mul3A_1857, %add3A_1858 : i32
    %add3A_1860 = vector.broadcast %add3A_1859 : i32 to vector<576x128xi32>
    %add3A_1861 = arith.addi %iota3A, %add3A_1860 : vector<576x128xi32>
    %lt3A_1862 = arith.cmpf olt, %slice3A_1855, %min3A_1853 : vector<576x128xf32>
    %min3A_1863 = arith.minimumf %slice3A_1855, %min3A_1853 : vector<576x128xf32>
    %select_n3A_1864 = arith.select %lt3A_1862, %add3A_1861, %select_n3A_1854 : vector<576x128xi1>, vector<576x128xi32>
    %slice3A_1865 = vector.extract_strided_slice %dot_general3A_1774 {offsets = [0, 1024], sizes = [576, 128], strides = [1, 1]} : vector<576x4096xf32> to vector<576x128xf32>
    %mul3A_1866 = arith.constant 4096 : i32
    %mul3A_1867 = arith.muli %arg1, %mul3A_1866 : i32
    %add3A_1868 = arith.constant 1024 : i32
    %add3A_1869 = arith.addi %mul3A_1867, %add3A_1868 : i32
    %add3A_1870 = vector.broadcast %add3A_1869 : i32 to vector<576x128xi32>
    %add3A_1871 = arith.addi %iota3A, %add3A_1870 : vector<576x128xi32>
    %lt3A_1872 = arith.cmpf olt, %slice3A_1865, %min3A_1863 : vector<576x128xf32>
    %min3A_1873 = arith.minimumf %slice3A_1865, %min3A_1863 : vector<576x128xf32>
    %select_n3A_1874 = arith.select %lt3A_1872, %add3A_1871, %select_n3A_1864 : vector<576x128xi1>, vector<576x128xi32>
    %slice3A_1875 = vector.extract_strided_slice %dot_general3A_1774 {offsets = [0, 1152], sizes = [576, 128], strides = [1, 1]} : vector<576x4096xf32> to vector<576x128xf32>
    %mul3A_1876 = arith.constant 4096 : i32
    %mul3A_1877 = arith.muli %arg1, %mul3A_1876 : i32
    %add3A_1878 = arith.constant 1152 : i32
    %add3A_1879 = arith.addi %mul3A_1877, %add3A_1878 : i32
    %add3A_1880 = vector.broadcast %add3A_1879 : i32 to vector<576x128xi32>
    %add3A_1881 = arith.addi %iota3A, %add3A_1880 : vector<576x128xi32>
    %lt3A_1882 = arith.cmpf olt, %slice3A_1875, %min3A_1873 : vector<576x128xf32>
    %min3A_1883 = arith.minimumf %slice3A_1875, %min3A_1873 : vector<576x128xf32>
    %select_n3A_1884 = arith.select %lt3A_1882, %add3A_1881, %select_n3A_1874 : vector<576x128xi1>, vector<576x128xi32>
    %slice3A_1885 = vector.extract_strided_slice %dot_general3A_1774 {offsets = [0, 1280], sizes = [576, 128], strides = [1, 1]} : vector<576x4096xf32> to vector<576x128xf32>
    %mul3A_1886 = arith.constant 4096 : i32
    %mul3A_1887 = arith.muli %arg1, %mul3A_1886 : i32
    %add3A_1888 = arith.constant 1280 : i32
    %add3A_1889 = arith.addi %mul3A_1887, %add3A_1888 : i32
    %add3A_1890 = vector.broadcast %add3A_1889 : i32 to vector<576x128xi32>
    %add3A_1891 = arith.addi %iota3A, %add3A_1890 : vector<576x128xi32>
    %lt3A_1892 = arith.cmpf olt, %slice3A_1885, %min3A_1883 : vector<576x128xf32>
    %min3A_1893 = arith.minimumf %slice3A_1885, %min3A_1883 : vector<576x128xf32>
    %select_n3A_1894 = arith.select %lt3A_1892, %add3A_1891, %select_n3A_1884 : vector<576x128xi1>, vector<576x128xi32>
    %slice3A_1895 = vector.extract_strided_slice %dot_general3A_1774 {offsets = [0, 1408], sizes = [576, 128], strides = [1, 1]} : vector<576x4096xf32> to vector<576x128xf32>
    %mul3A_1896 = arith.constant 4096 : i32
    %mul3A_1897 = arith.muli %arg1, %mul3A_1896 : i32
    %add3A_1898 = arith.constant 1408 : i32
    %add3A_1899 = arith.addi %mul3A_1897, %add3A_1898 : i32
    %add3A_1900 = vector.broadcast %add3A_1899 : i32 to vector<576x128xi32>
    %add3A_1901 = arith.addi %iota3A, %add3A_1900 : vector<576x128xi32>
    %lt3A_1902 = arith.cmpf olt, %slice3A_1895, %min3A_1893 : vector<576x128xf32>
    %min3A_1903 = arith.minimumf %slice3A_1895, %min3A_1893 : vector<576x128xf32>
    %select_n3A_1904 = arith.select %lt3A_1902, %add3A_1901, %select_n3A_1894 : vector<576x128xi1>, vector<576x128xi32>
    %slice3A_1905 = vector.extract_strided_slice %dot_general3A_1774 {offsets = [0, 1536], sizes = [576, 128], strides = [1, 1]} : vector<576x4096xf32> to vector<576x128xf32>
    %mul3A_1906 = arith.constant 4096 : i32
    %mul3A_1907 = arith.muli %arg1, %mul3A_1906 : i32
    %add3A_1908 = arith.constant 1536 : i32
    %add3A_1909 = arith.addi %mul3A_1907, %add3A_1908 : i32
    %add3A_1910 = vector.broadcast %add3A_1909 : i32 to vector<576x128xi32>
    %add3A_1911 = arith.addi %iota3A, %add3A_1910 : vector<576x128xi32>
    %lt3A_1912 = arith.cmpf olt, %slice3A_1905, %min3A_1903 : vector<576x128xf32>
    %min3A_1913 = arith.minimumf %slice3A_1905, %min3A_1903 : vector<576x128xf32>
    %select_n3A_1914 = arith.select %lt3A_1912, %add3A_1911, %select_n3A_1904 : vector<576x128xi1>, vector<576x128xi32>
    %slice3A_1915 = vector.extract_strided_slice %dot_general3A_1774 {offsets = [0, 1664], sizes = [576, 128], strides = [1, 1]} : vector<576x4096xf32> to vector<576x128xf32>
    %mul3A_1916 = arith.constant 4096 : i32
    %mul3A_1917 = arith.muli %arg1, %mul3A_1916 : i32
    %add3A_1918 = arith.constant 1664 : i32
    %add3A_1919 = arith.addi %mul3A_1917, %add3A_1918 : i32
    %add3A_1920 = vector.broadcast %add3A_1919 : i32 to vector<576x128xi32>
    %add3A_1921 = arith.addi %iota3A, %add3A_1920 : vector<576x128xi32>
    %lt3A_1922 = arith.cmpf olt, %slice3A_1915, %min3A_1913 : vector<576x128xf32>
    %min3A_1923 = arith.minimumf %slice3A_1915, %min3A_1913 : vector<576x128xf32>
    %select_n3A_1924 = arith.select %lt3A_1922, %add3A_1921, %select_n3A_1914 : vector<576x128xi1>, vector<576x128xi32>
    %slice3A_1925 = vector.extract_strided_slice %dot_general3A_1774 {offsets = [0, 1792], sizes = [576, 128], strides = [1, 1]} : vector<576x4096xf32> to vector<576x128xf32>
    %mul3A_1926 = arith.constant 4096 : i32
    %mul3A_1927 = arith.muli %arg1, %mul3A_1926 : i32
    %add3A_1928 = arith.constant 1792 : i32
    %add3A_1929 = arith.addi %mul3A_1927, %add3A_1928 : i32
    %add3A_1930 = vector.broadcast %add3A_1929 : i32 to vector<576x128xi32>
    %add3A_1931 = arith.addi %iota3A, %add3A_1930 : vector<576x128xi32>
    %lt3A_1932 = arith.cmpf olt, %slice3A_1925, %min3A_1923 : vector<576x128xf32>
    %min3A_1933 = arith.minimumf %slice3A_1925, %min3A_1923 : vector<576x128xf32>
    %select_n3A_1934 = arith.select %lt3A_1932, %add3A_1931, %select_n3A_1924 : vector<576x128xi1>, vector<576x128xi32>
    %slice3A_1935 = vector.extract_strided_slice %dot_general3A_1774 {offsets = [0, 1920], sizes = [576, 128], strides = [1, 1]} : vector<576x4096xf32> to vector<576x128xf32>
    %mul3A_1936 = arith.constant 4096 : i32
    %mul3A_1937 = arith.muli %arg1, %mul3A_1936 : i32
    %add3A_1938 = arith.constant 1920 : i32
    %add3A_1939 = arith.addi %mul3A_1937, %add3A_1938 : i32
    %add3A_1940 = vector.broadcast %add3A_1939 : i32 to vector<576x128xi32>
    %add3A_1941 = arith.addi %iota3A, %add3A_1940 : vector<576x128xi32>
    %lt3A_1942 = arith.cmpf olt, %slice3A_1935, %min3A_1933 : vector<576x128xf32>
    %min3A_1943 = arith.minimumf %slice3A_1935, %min3A_1933 : vector<576x128xf32>
    %select_n3A_1944 = arith.select %lt3A_1942, %add3A_1941, %select_n3A_1934 : vector<576x128xi1>, vector<576x128xi32>
    %slice3A_1945 = vector.extract_strided_slice %dot_general3A_1774 {offsets = [0, 2048], sizes = [576, 128], strides = [1, 1]} : vector<576x4096xf32> to vector<576x128xf32>
    %mul3A_1946 = arith.constant 4096 : i32
    %mul3A_1947 = arith.muli %arg1, %mul3A_1946 : i32
    %add3A_1948 = arith.constant 2048 : i32
    %add3A_1949 = arith.addi %mul3A_1947, %add3A_1948 : i32
    %add3A_1950 = vector.broadcast %add3A_1949 : i32 to vector<576x128xi32>
    %add3A_1951 = arith.addi %iota3A, %add3A_1950 : vector<576x128xi32>
    %lt3A_1952 = arith.cmpf olt, %slice3A_1945, %min3A_1943 : vector<576x128xf32>
    %min3A_1953 = arith.minimumf %slice3A_1945, %min3A_1943 : vector<576x128xf32>
    %select_n3A_1954 = arith.select %lt3A_1952, %add3A_1951, %select_n3A_1944 : vector<576x128xi1>, vector<576x128xi32>
    %slice3A_1955 = vector.extract_strided_slice %dot_general3A_1774 {offsets = [0, 2176], sizes = [576, 128], strides = [1, 1]} : vector<576x4096xf32> to vector<576x128xf32>
    %mul3A_1956 = arith.constant 4096 : i32
    %mul3A_1957 = arith.muli %arg1, %mul3A_1956 : i32
    %add3A_1958 = arith.constant 2176 : i32
    %add3A_1959 = arith.addi %mul3A_1957, %add3A_1958 : i32
    %add3A_1960 = vector.broadcast %add3A_1959 : i32 to vector<576x128xi32>
    %add3A_1961 = arith.addi %iota3A, %add3A_1960 : vector<576x128xi32>
    %lt3A_1962 = arith.cmpf olt, %slice3A_1955, %min3A_1953 : vector<576x128xf32>
    %min3A_1963 = arith.minimumf %slice3A_1955, %min3A_1953 : vector<576x128xf32>
    %select_n3A_1964 = arith.select %lt3A_1962, %add3A_1961, %select_n3A_1954 : vector<576x128xi1>, vector<576x128xi32>
    %slice3A_1965 = vector.extract_strided_slice %dot_general3A_1774 {offsets = [0, 2304], sizes = [576, 128], strides = [1, 1]} : vector<576x4096xf32> to vector<576x128xf32>
    %mul3A_1966 = arith.constant 4096 : i32
    %mul3A_1967 = arith.muli %arg1, %mul3A_1966 : i32
    %add3A_1968 = arith.constant 2304 : i32
    %add3A_1969 = arith.addi %mul3A_1967, %add3A_1968 : i32
    %add3A_1970 = vector.broadcast %add3A_1969 : i32 to vector<576x128xi32>
    %add3A_1971 = arith.addi %iota3A, %add3A_1970 : vector<576x128xi32>
    %lt3A_1972 = arith.cmpf olt, %slice3A_1965, %min3A_1963 : vector<576x128xf32>
    %min3A_1973 = arith.minimumf %slice3A_1965, %min3A_1963 : vector<576x128xf32>
    %select_n3A_1974 = arith.select %lt3A_1972, %add3A_1971, %select_n3A_1964 : vector<576x128xi1>, vector<576x128xi32>
    %slice3A_1975 = vector.extract_strided_slice %dot_general3A_1774 {offsets = [0, 2432], sizes = [576, 128], strides = [1, 1]} : vector<576x4096xf32> to vector<576x128xf32>
    %mul3A_1976 = arith.constant 4096 : i32
    %mul3A_1977 = arith.muli %arg1, %mul3A_1976 : i32
    %add3A_1978 = arith.constant 2432 : i32
    %add3A_1979 = arith.addi %mul3A_1977, %add3A_1978 : i32
    %add3A_1980 = vector.broadcast %add3A_1979 : i32 to vector<576x128xi32>
    %add3A_1981 = arith.addi %iota3A, %add3A_1980 : vector<576x128xi32>
    %lt3A_1982 = arith.cmpf olt, %slice3A_1975, %min3A_1973 : vector<576x128xf32>
    %min3A_1983 = arith.minimumf %slice3A_1975, %min3A_1973 : vector<576x128xf32>
    %select_n3A_1984 = arith.select %lt3A_1982, %add3A_1981, %select_n3A_1974 : vector<576x128xi1>, vector<576x128xi32>
    %slice3A_1985 = vector.extract_strided_slice %dot_general3A_1774 {offsets = [0, 2560], sizes = [576, 128], strides = [1, 1]} : vector<576x4096xf32> to vector<576x128xf32>
    %mul3A_1986 = arith.constant 4096 : i32
    %mul3A_1987 = arith.muli %arg1, %mul3A_1986 : i32
    %add3A_1988 = arith.constant 2560 : i32
    %add3A_1989 = arith.addi %mul3A_1987, %add3A_1988 : i32
    %add3A_1990 = vector.broadcast %add3A_1989 : i32 to vector<576x128xi32>
    %add3A_1991 = arith.addi %iota3A, %add3A_1990 : vector<576x128xi32>
    %lt3A_1992 = arith.cmpf olt, %slice3A_1985, %min3A_1983 : vector<576x128xf32>
    %min3A_1993 = arith.minimumf %slice3A_1985, %min3A_1983 : vector<576x128xf32>
    %select_n3A_1994 = arith.select %lt3A_1992, %add3A_1991, %select_n3A_1984 : vector<576x128xi1>, vector<576x128xi32>
    %slice3A_1995 = vector.extract_strided_slice %dot_general3A_1774 {offsets = [0, 2688], sizes = [576, 128], strides = [1, 1]} : vector<576x4096xf32> to vector<576x128xf32>
    %mul3A_1996 = arith.constant 4096 : i32
    %mul3A_1997 = arith.muli %arg1, %mul3A_1996 : i32
    %add3A_1998 = arith.constant 2688 : i32
    %add3A_1999 = arith.addi %mul3A_1997, %add3A_1998 : i32
    %add3A_2000 = vector.broadcast %add3A_1999 : i32 to vector<576x128xi32>
    %add3A_2001 = arith.addi %iota3A, %add3A_2000 : vector<576x128xi32>
    %lt3A_2002 = arith.cmpf olt, %slice3A_1995, %min3A_1993 : vector<576x128xf32>
    %min3A_2003 = arith.minimumf %slice3A_1995, %min3A_1993 : vector<576x128xf32>
    %select_n3A_2004 = arith.select %lt3A_2002, %add3A_2001, %select_n3A_1994 : vector<576x128xi1>, vector<576x128xi32>
    %slice3A_2005 = vector.extract_strided_slice %dot_general3A_1774 {offsets = [0, 2816], sizes = [576, 128], strides = [1, 1]} : vector<576x4096xf32> to vector<576x128xf32>
    %mul3A_2006 = arith.constant 4096 : i32
    %mul3A_2007 = arith.muli %arg1, %mul3A_2006 : i32
    %add3A_2008 = arith.constant 2816 : i32
    %add3A_2009 = arith.addi %mul3A_2007, %add3A_2008 : i32
    %add3A_2010 = vector.broadcast %add3A_2009 : i32 to vector<576x128xi32>
    %add3A_2011 = arith.addi %iota3A, %add3A_2010 : vector<576x128xi32>
    %lt3A_2012 = arith.cmpf olt, %slice3A_2005, %min3A_2003 : vector<576x128xf32>
    %min3A_2013 = arith.minimumf %slice3A_2005, %min3A_2003 : vector<576x128xf32>
    %select_n3A_2014 = arith.select %lt3A_2012, %add3A_2011, %select_n3A_2004 : vector<576x128xi1>, vector<576x128xi32>
    %slice3A_2015 = vector.extract_strided_slice %dot_general3A_1774 {offsets = [0, 2944], sizes = [576, 128], strides = [1, 1]} : vector<576x4096xf32> to vector<576x128xf32>
    %mul3A_2016 = arith.constant 4096 : i32
    %mul3A_2017 = arith.muli %arg1, %mul3A_2016 : i32
    %add3A_2018 = arith.constant 2944 : i32
    %add3A_2019 = arith.addi %mul3A_2017, %add3A_2018 : i32
    %add3A_2020 = vector.broadcast %add3A_2019 : i32 to vector<576x128xi32>
    %add3A_2021 = arith.addi %iota3A, %add3A_2020 : vector<576x128xi32>
    %lt3A_2022 = arith.cmpf olt, %slice3A_2015, %min3A_2013 : vector<576x128xf32>
    %min3A_2023 = arith.minimumf %slice3A_2015, %min3A_2013 : vector<576x128xf32>
    %select_n3A_2024 = arith.select %lt3A_2022, %add3A_2021, %select_n3A_2014 : vector<576x128xi1>, vector<576x128xi32>
    %slice3A_2025 = vector.extract_strided_slice %dot_general3A_1774 {offsets = [0, 3072], sizes = [576, 128], strides = [1, 1]} : vector<576x4096xf32> to vector<576x128xf32>
    %mul3A_2026 = arith.constant 4096 : i32
    %mul3A_2027 = arith.muli %arg1, %mul3A_2026 : i32
    %add3A_2028 = arith.constant 3072 : i32
    %add3A_2029 = arith.addi %mul3A_2027, %add3A_2028 : i32
    %add3A_2030 = vector.broadcast %add3A_2029 : i32 to vector<576x128xi32>
    %add3A_2031 = arith.addi %iota3A, %add3A_2030 : vector<576x128xi32>
    %lt3A_2032 = arith.cmpf olt, %slice3A_2025, %min3A_2023 : vector<576x128xf32>
    %min3A_2033 = arith.minimumf %slice3A_2025, %min3A_2023 : vector<576x128xf32>
    %select_n3A_2034 = arith.select %lt3A_2032, %add3A_2031, %select_n3A_2024 : vector<576x128xi1>, vector<576x128xi32>
    %slice3A_2035 = vector.extract_strided_slice %dot_general3A_1774 {offsets = [0, 3200], sizes = [576, 128], strides = [1, 1]} : vector<576x4096xf32> to vector<576x128xf32>
    %mul3A_2036 = arith.constant 4096 : i32
    %mul3A_2037 = arith.muli %arg1, %mul3A_2036 : i32
    %add3A_2038 = arith.constant 3200 : i32
    %add3A_2039 = arith.addi %mul3A_2037, %add3A_2038 : i32
    %add3A_2040 = vector.broadcast %add3A_2039 : i32 to vector<576x128xi32>
    %add3A_2041 = arith.addi %iota3A, %add3A_2040 : vector<576x128xi32>
    %lt3A_2042 = arith.cmpf olt, %slice3A_2035, %min3A_2033 : vector<576x128xf32>
    %min3A_2043 = arith.minimumf %slice3A_2035, %min3A_2033 : vector<576x128xf32>
    %select_n3A_2044 = arith.select %lt3A_2042, %add3A_2041, %select_n3A_2034 : vector<576x128xi1>, vector<576x128xi32>
    %slice3A_2045 = vector.extract_strided_slice %dot_general3A_1774 {offsets = [0, 3328], sizes = [576, 128], strides = [1, 1]} : vector<576x4096xf32> to vector<576x128xf32>
    %mul3A_2046 = arith.constant 4096 : i32
    %mul3A_2047 = arith.muli %arg1, %mul3A_2046 : i32
    %add3A_2048 = arith.constant 3328 : i32
    %add3A_2049 = arith.addi %mul3A_2047, %add3A_2048 : i32
    %add3A_2050 = vector.broadcast %add3A_2049 : i32 to vector<576x128xi32>
    %add3A_2051 = arith.addi %iota3A, %add3A_2050 : vector<576x128xi32>
    %lt3A_2052 = arith.cmpf olt, %slice3A_2045, %min3A_2043 : vector<576x128xf32>
    %min3A_2053 = arith.minimumf %slice3A_2045, %min3A_2043 : vector<576x128xf32>
    %select_n3A_2054 = arith.select %lt3A_2052, %add3A_2051, %select_n3A_2044 : vector<576x128xi1>, vector<576x128xi32>
    %slice3A_2055 = vector.extract_strided_slice %dot_general3A_1774 {offsets = [0, 3456], sizes = [576, 128], strides = [1, 1]} : vector<576x4096xf32> to vector<576x128xf32>
    %mul3A_2056 = arith.constant 4096 : i32
    %mul3A_2057 = arith.muli %arg1, %mul3A_2056 : i32
    %add3A_2058 = arith.constant 3456 : i32
    %add3A_2059 = arith.addi %mul3A_2057, %add3A_2058 : i32
    %add3A_2060 = vector.broadcast %add3A_2059 : i32 to vector<576x128xi32>
    %add3A_2061 = arith.addi %iota3A, %add3A_2060 : vector<576x128xi32>
    %lt3A_2062 = arith.cmpf olt, %slice3A_2055, %min3A_2053 : vector<576x128xf32>
    %min3A_2063 = arith.minimumf %slice3A_2055, %min3A_2053 : vector<576x128xf32>
    %select_n3A_2064 = arith.select %lt3A_2062, %add3A_2061, %select_n3A_2054 : vector<576x128xi1>, vector<576x128xi32>
    %slice3A_2065 = vector.extract_strided_slice %dot_general3A_1774 {offsets = [0, 3584], sizes = [576, 128], strides = [1, 1]} : vector<576x4096xf32> to vector<576x128xf32>
    %mul3A_2066 = arith.constant 4096 : i32
    %mul3A_2067 = arith.muli %arg1, %mul3A_2066 : i32
    %add3A_2068 = arith.constant 3584 : i32
    %add3A_2069 = arith.addi %mul3A_2067, %add3A_2068 : i32
    %add3A_2070 = vector.broadcast %add3A_2069 : i32 to vector<576x128xi32>
    %add3A_2071 = arith.addi %iota3A, %add3A_2070 : vector<576x128xi32>
    %lt3A_2072 = arith.cmpf olt, %slice3A_2065, %min3A_2063 : vector<576x128xf32>
    %min3A_2073 = arith.minimumf %slice3A_2065, %min3A_2063 : vector<576x128xf32>
    %select_n3A_2074 = arith.select %lt3A_2072, %add3A_2071, %select_n3A_2064 : vector<576x128xi1>, vector<576x128xi32>
    %slice3A_2075 = vector.extract_strided_slice %dot_general3A_1774 {offsets = [0, 3712], sizes = [576, 128], strides = [1, 1]} : vector<576x4096xf32> to vector<576x128xf32>
    %mul3A_2076 = arith.constant 4096 : i32
    %mul3A_2077 = arith.muli %arg1, %mul3A_2076 : i32
    %add3A_2078 = arith.constant 3712 : i32
    %add3A_2079 = arith.addi %mul3A_2077, %add3A_2078 : i32
    %add3A_2080 = vector.broadcast %add3A_2079 : i32 to vector<576x128xi32>
    %add3A_2081 = arith.addi %iota3A, %add3A_2080 : vector<576x128xi32>
    %lt3A_2082 = arith.cmpf olt, %slice3A_2075, %min3A_2073 : vector<576x128xf32>
    %min3A_2083 = arith.minimumf %slice3A_2075, %min3A_2073 : vector<576x128xf32>
    %select_n3A_2084 = arith.select %lt3A_2082, %add3A_2081, %select_n3A_2074 : vector<576x128xi1>, vector<576x128xi32>
    %slice3A_2085 = vector.extract_strided_slice %dot_general3A_1774 {offsets = [0, 3840], sizes = [576, 128], strides = [1, 1]} : vector<576x4096xf32> to vector<576x128xf32>
    %mul3A_2086 = arith.constant 4096 : i32
    %mul3A_2087 = arith.muli %arg1, %mul3A_2086 : i32
    %add3A_2088 = arith.constant 3840 : i32
    %add3A_2089 = arith.addi %mul3A_2087, %add3A_2088 : i32
    %add3A_2090 = vector.broadcast %add3A_2089 : i32 to vector<576x128xi32>
    %add3A_2091 = arith.addi %iota3A, %add3A_2090 : vector<576x128xi32>
    %lt3A_2092 = arith.cmpf olt, %slice3A_2085, %min3A_2083 : vector<576x128xf32>
    %min3A_2093 = arith.minimumf %slice3A_2085, %min3A_2083 : vector<576x128xf32>
    %select_n3A_2094 = arith.select %lt3A_2092, %add3A_2091, %select_n3A_2084 : vector<576x128xi1>, vector<576x128xi32>
    %slice3A_2095 = vector.extract_strided_slice %dot_general3A_1774 {offsets = [0, 3968], sizes = [576, 128], strides = [1, 1]} : vector<576x4096xf32> to vector<576x128xf32>
    %mul3A_2096 = arith.constant 4096 : i32
    %mul3A_2097 = arith.muli %arg1, %mul3A_2096 : i32
    %add3A_2098 = arith.constant 3968 : i32
    %add3A_2099 = arith.addi %mul3A_2097, %add3A_2098 : i32
    %add3A_2100 = vector.broadcast %add3A_2099 : i32 to vector<576x128xi32>
    %add3A_2101 = arith.addi %iota3A, %add3A_2100 : vector<576x128xi32>
    %lt3A_2102 = arith.cmpf olt, %slice3A_2095, %min3A_2093 : vector<576x128xf32>
    %min3A_2103 = arith.minimumf %slice3A_2095, %min3A_2093 : vector<576x128xf32>
    %select_n3A_2104 = arith.select %lt3A_2102, %add3A_2101, %select_n3A_2094 : vector<576x128xi1>, vector<576x128xi32>
    %swap3A_2105 = arith.constant 5 : index
    %swap3A_2106 = arith.constant 0 : index
    %swap3A_2107 = arith.constant 0 : index
    %swap3A_2108 = vector.load %arg5[%swap3A_2105, %swap3A_2106, %swap3A_2107] : memref<8x576x128xf32, #tpu.memory_space<vmem>>, vector<1x576x128xf32>
    %swap3A_2109 = vector.shape_cast %swap3A_2108 : vector<1x576x128xf32> to vector<576x128xf32>
    %swap3A_2110 = vector.shape_cast %min3A_2103 : vector<576x128xf32> to vector<1x576x128xf32>
    tpu.vector_store %arg5[%swap3A_2105, %swap3A_2106, %swap3A_2107], %swap3A_2110 {strides = array<i32>} : memref<8x576x128xf32, #tpu.memory_space<vmem>>, vector<1x576x128xf32>,
    %swap3A_2111 = arith.constant 5 : index
    %swap3A_2112 = arith.constant 0 : index
    %swap3A_2113 = arith.constant 0 : index
    %swap3A_2114 = vector.load %arg6[%swap3A_2111, %swap3A_2112, %swap3A_2113] : memref<8x576x128xi32, #tpu.memory_space<vmem>>, vector<1x576x128xi32>
    %swap3A_2115 = vector.shape_cast %swap3A_2114 : vector<1x576x128xi32> to vector<576x128xi32>
    %swap3A_2116 = vector.shape_cast %select_n3A_2104 : vector<576x128xi32> to vector<1x576x128xi32>
    tpu.vector_store %arg6[%swap3A_2111, %swap3A_2112, %swap3A_2113], %swap3A_2116 {strides = array<i32>} : memref<8x576x128xi32, #tpu.memory_space<vmem>>, vector<1x576x128xi32>,
    %get3A_2117 = arith.constant 0 : index
    %get3A_2118 = arith.constant 0 : index
    %get3A_2119 = arith.constant 768 : index
    %get3A_2120 = vector.load %arg2[%get3A_2117, %get3A_2118, %get3A_2119] : memref<1x576x1024xbf16, #tpu.memory_space<vmem>>, vector<1x576x128xbf16>
    %get3A_2121 = vector.shape_cast %get3A_2120 : vector<1x576x128xbf16> to vector<576x128xbf16>
    %get3A_2122 = arith.constant 6 : index
    %get3A_2123 = arith.constant 0 : index
    %get3A_2124 = arith.constant 0 : index
    %get3A_2125 = vector.load %arg3[%get3A_2122, %get3A_2123, %get3A_2124] : memref<8x4096x128xbf16, #tpu.memory_space<vmem>>, vector<1x4096x128xbf16>
    %get3A_2126 = vector.shape_cast %get3A_2125 : vector<1x4096x128xbf16> to vector<4096x128xbf16>
    %dot_general3A_2127 = arith.constant dense<0.000000e+00> : vector<576x4096xf32>
    %dot_general3A_2128 = tpu.matmul %get3A_2121, %get3A_2126, %dot_general3A_2127 {dimension_numbers = #tpu.dot_dimension_numbers<[1], [1], [0], [0], [0, 0, 1, 0], [], []>, transpose_lhs_hint = false} : vector<576x128xbf16>, vector<4096x128xbf16>, vector<576x4096xf32> -> vector<576x4096xf32>
    %get3A_2129 = arith.constant 6 : index
    %get3A_2130 = arith.constant 0 : index
    %get3A_2131 = arith.constant 0 : index
    %get3A_2132 = vector.load %arg5[%get3A_2129, %get3A_2130, %get3A_2131] : memref<8x576x128xf32, #tpu.memory_space<vmem>>, vector<1x576x128xf32>
    %get3A_2133 = vector.shape_cast %get3A_2132 : vector<1x576x128xf32> to vector<576x128xf32>
    %get3A_2134 = arith.constant 6 : index
    %get3A_2135 = arith.constant 0 : index
    %get3A_2136 = arith.constant 0 : index
    %get3A_2137 = vector.load %arg6[%get3A_2134, %get3A_2135, %get3A_2136] : memref<8x576x128xi32, #tpu.memory_space<vmem>>, vector<1x576x128xi32>
    %get3A_2138 = vector.shape_cast %get3A_2137 : vector<1x576x128xi32> to vector<576x128xi32>
    %slice3A_2139 = vector.extract_strided_slice %dot_general3A_2128 {offsets = [0, 0], sizes = [576, 128], strides = [1, 1]} : vector<576x4096xf32> to vector<576x128xf32>
    %mul3A_2140 = arith.constant 4096 : i32
    %mul3A_2141 = arith.muli %arg1, %mul3A_2140 : i32
    %add3A_2142 = arith.constant 0 : i32
    %add3A_2143 = arith.addi %mul3A_2141, %add3A_2142 : i32
    %add3A_2144 = vector.broadcast %add3A_2143 : i32 to vector<576x128xi32>
    %add3A_2145 = arith.addi %iota3A, %add3A_2144 : vector<576x128xi32>
    %lt3A_2146 = arith.cmpf olt, %slice3A_2139, %get3A_2133 : vector<576x128xf32>
    %min3A_2147 = arith.minimumf %slice3A_2139, %get3A_2133 : vector<576x128xf32>
    %select_n3A_2148 = arith.select %lt3A_2146, %add3A_2145, %get3A_2138 : vector<576x128xi1>, vector<576x128xi32>
    %slice3A_2149 = vector.extract_strided_slice %dot_general3A_2128 {offsets = [0, 128], sizes = [576, 128], strides = [1, 1]} : vector<576x4096xf32> to vector<576x128xf32>
    %mul3A_2150 = arith.constant 4096 : i32
    %mul3A_2151 = arith.muli %arg1, %mul3A_2150 : i32
    %add3A_2152 = arith.constant 128 : i32
    %add3A_2153 = arith.addi %mul3A_2151, %add3A_2152 : i32
    %add3A_2154 = vector.broadcast %add3A_2153 : i32 to vector<576x128xi32>
    %add3A_2155 = arith.addi %iota3A, %add3A_2154 : vector<576x128xi32>
    %lt3A_2156 = arith.cmpf olt, %slice3A_2149, %min3A_2147 : vector<576x128xf32>
    %min3A_2157 = arith.minimumf %slice3A_2149, %min3A_2147 : vector<576x128xf32>
    %select_n3A_2158 = arith.select %lt3A_2156, %add3A_2155, %select_n3A_2148 : vector<576x128xi1>, vector<576x128xi32>
    %slice3A_2159 = vector.extract_strided_slice %dot_general3A_2128 {offsets = [0, 256], sizes = [576, 128], strides = [1, 1]} : vector<576x4096xf32> to vector<576x128xf32>
    %mul3A_2160 = arith.constant 4096 : i32
    %mul3A_2161 = arith.muli %arg1, %mul3A_2160 : i32
    %add3A_2162 = arith.constant 256 : i32
    %add3A_2163 = arith.addi %mul3A_2161, %add3A_2162 : i32
    %add3A_2164 = vector.broadcast %add3A_2163 : i32 to vector<576x128xi32>
    %add3A_2165 = arith.addi %iota3A, %add3A_2164 : vector<576x128xi32>
    %lt3A_2166 = arith.cmpf olt, %slice3A_2159, %min3A_2157 : vector<576x128xf32>
    %min3A_2167 = arith.minimumf %slice3A_2159, %min3A_2157 : vector<576x128xf32>
    %select_n3A_2168 = arith.select %lt3A_2166, %add3A_2165, %select_n3A_2158 : vector<576x128xi1>, vector<576x128xi32>
    %slice3A_2169 = vector.extract_strided_slice %dot_general3A_2128 {offsets = [0, 384], sizes = [576, 128], strides = [1, 1]} : vector<576x4096xf32> to vector<576x128xf32>
    %mul3A_2170 = arith.constant 4096 : i32
    %mul3A_2171 = arith.muli %arg1, %mul3A_2170 : i32
    %add3A_2172 = arith.constant 384 : i32
    %add3A_2173 = arith.addi %mul3A_2171, %add3A_2172 : i32
    %add3A_2174 = vector.broadcast %add3A_2173 : i32 to vector<576x128xi32>
    %add3A_2175 = arith.addi %iota3A, %add3A_2174 : vector<576x128xi32>
    %lt3A_2176 = arith.cmpf olt, %slice3A_2169, %min3A_2167 : vector<576x128xf32>
    %min3A_2177 = arith.minimumf %slice3A_2169, %min3A_2167 : vector<576x128xf32>
    %select_n3A_2178 = arith.select %lt3A_2176, %add3A_2175, %select_n3A_2168 : vector<576x128xi1>, vector<576x128xi32>
    %slice3A_2179 = vector.extract_strided_slice %dot_general3A_2128 {offsets = [0, 512], sizes = [576, 128], strides = [1, 1]} : vector<576x4096xf32> to vector<576x128xf32>
    %mul3A_2180 = arith.constant 4096 : i32
    %mul3A_2181 = arith.muli %arg1, %mul3A_2180 : i32
    %add3A_2182 = arith.constant 512 : i32
    %add3A_2183 = arith.addi %mul3A_2181, %add3A_2182 : i32
    %add3A_2184 = vector.broadcast %add3A_2183 : i32 to vector<576x128xi32>
    %add3A_2185 = arith.addi %iota3A, %add3A_2184 : vector<576x128xi32>
    %lt3A_2186 = arith.cmpf olt, %slice3A_2179, %min3A_2177 : vector<576x128xf32>
    %min3A_2187 = arith.minimumf %slice3A_2179, %min3A_2177 : vector<576x128xf32>
    %select_n3A_2188 = arith.select %lt3A_2186, %add3A_2185, %select_n3A_2178 : vector<576x128xi1>, vector<576x128xi32>
    %slice3A_2189 = vector.extract_strided_slice %dot_general3A_2128 {offsets = [0, 640], sizes = [576, 128], strides = [1, 1]} : vector<576x4096xf32> to vector<576x128xf32>
    %mul3A_2190 = arith.constant 4096 : i32
    %mul3A_2191 = arith.muli %arg1, %mul3A_2190 : i32
    %add3A_2192 = arith.constant 640 : i32
    %add3A_2193 = arith.addi %mul3A_2191, %add3A_2192 : i32
    %add3A_2194 = vector.broadcast %add3A_2193 : i32 to vector<576x128xi32>
    %add3A_2195 = arith.addi %iota3A, %add3A_2194 : vector<576x128xi32>
    %lt3A_2196 = arith.cmpf olt, %slice3A_2189, %min3A_2187 : vector<576x128xf32>
    %min3A_2197 = arith.minimumf %slice3A_2189, %min3A_2187 : vector<576x128xf32>
    %select_n3A_2198 = arith.select %lt3A_2196, %add3A_2195, %select_n3A_2188 : vector<576x128xi1>, vector<576x128xi32>
    %slice3A_2199 = vector.extract_strided_slice %dot_general3A_2128 {offsets = [0, 768], sizes = [576, 128], strides = [1, 1]} : vector<576x4096xf32> to vector<576x128xf32>
    %mul3A_2200 = arith.constant 4096 : i32
    %mul3A_2201 = arith.muli %arg1, %mul3A_2200 : i32
    %add3A_2202 = arith.constant 768 : i32
    %add3A_2203 = arith.addi %mul3A_2201, %add3A_2202 : i32
    %add3A_2204 = vector.broadcast %add3A_2203 : i32 to vector<576x128xi32>
    %add3A_2205 = arith.addi %iota3A, %add3A_2204 : vector<576x128xi32>
    %lt3A_2206 = arith.cmpf olt, %slice3A_2199, %min3A_2197 : vector<576x128xf32>
    %min3A_2207 = arith.minimumf %slice3A_2199, %min3A_2197 : vector<576x128xf32>
    %select_n3A_2208 = arith.select %lt3A_2206, %add3A_2205, %select_n3A_2198 : vector<576x128xi1>, vector<576x128xi32>
    %slice3A_2209 = vector.extract_strided_slice %dot_general3A_2128 {offsets = [0, 896], sizes = [576, 128], strides = [1, 1]} : vector<576x4096xf32> to vector<576x128xf32>
    %mul3A_2210 = arith.constant 4096 : i32
    %mul3A_2211 = arith.muli %arg1, %mul3A_2210 : i32
    %add3A_2212 = arith.constant 896 : i32
    %add3A_2213 = arith.addi %mul3A_2211, %add3A_2212 : i32
    %add3A_2214 = vector.broadcast %add3A_2213 : i32 to vector<576x128xi32>
    %add3A_2215 = arith.addi %iota3A, %add3A_2214 : vector<576x128xi32>
    %lt3A_2216 = arith.cmpf olt, %slice3A_2209, %min3A_2207 : vector<576x128xf32>
    %min3A_2217 = arith.minimumf %slice3A_2209, %min3A_2207 : vector<576x128xf32>
    %select_n3A_2218 = arith.select %lt3A_2216, %add3A_2215, %select_n3A_2208 : vector<576x128xi1>, vector<576x128xi32>
    %slice3A_2219 = vector.extract_strided_slice %dot_general3A_2128 {offsets = [0, 1024], sizes = [576, 128], strides = [1, 1]} : vector<576x4096xf32> to vector<576x128xf32>
    %mul3A_2220 = arith.constant 4096 : i32
    %mul3A_2221 = arith.muli %arg1, %mul3A_2220 : i32
    %add3A_2222 = arith.constant 1024 : i32
    %add3A_2223 = arith.addi %mul3A_2221, %add3A_2222 : i32
    %add3A_2224 = vector.broadcast %add3A_2223 : i32 to vector<576x128xi32>
    %add3A_2225 = arith.addi %iota3A, %add3A_2224 : vector<576x128xi32>
    %lt3A_2226 = arith.cmpf olt, %slice3A_2219, %min3A_2217 : vector<576x128xf32>
    %min3A_2227 = arith.minimumf %slice3A_2219, %min3A_2217 : vector<576x128xf32>
    %select_n3A_2228 = arith.select %lt3A_2226, %add3A_2225, %select_n3A_2218 : vector<576x128xi1>, vector<576x128xi32>
    %slice3A_2229 = vector.extract_strided_slice %dot_general3A_2128 {offsets = [0, 1152], sizes = [576, 128], strides = [1, 1]} : vector<576x4096xf32> to vector<576x128xf32>
    %mul3A_2230 = arith.constant 4096 : i32
    %mul3A_2231 = arith.muli %arg1, %mul3A_2230 : i32
    %add3A_2232 = arith.constant 1152 : i32
    %add3A_2233 = arith.addi %mul3A_2231, %add3A_2232 : i32
    %add3A_2234 = vector.broadcast %add3A_2233 : i32 to vector<576x128xi32>
    %add3A_2235 = arith.addi %iota3A, %add3A_2234 : vector<576x128xi32>
    %lt3A_2236 = arith.cmpf olt, %slice3A_2229, %min3A_2227 : vector<576x128xf32>
    %min3A_2237 = arith.minimumf %slice3A_2229, %min3A_2227 : vector<576x128xf32>
    %select_n3A_2238 = arith.select %lt3A_2236, %add3A_2235, %select_n3A_2228 : vector<576x128xi1>, vector<576x128xi32>
    %slice3A_2239 = vector.extract_strided_slice %dot_general3A_2128 {offsets = [0, 1280], sizes = [576, 128], strides = [1, 1]} : vector<576x4096xf32> to vector<576x128xf32>
    %mul3A_2240 = arith.constant 4096 : i32
    %mul3A_2241 = arith.muli %arg1, %mul3A_2240 : i32
    %add3A_2242 = arith.constant 1280 : i32
    %add3A_2243 = arith.addi %mul3A_2241, %add3A_2242 : i32
    %add3A_2244 = vector.broadcast %add3A_2243 : i32 to vector<576x128xi32>
    %add3A_2245 = arith.addi %iota3A, %add3A_2244 : vector<576x128xi32>
    %lt3A_2246 = arith.cmpf olt, %slice3A_2239, %min3A_2237 : vector<576x128xf32>
    %min3A_2247 = arith.minimumf %slice3A_2239, %min3A_2237 : vector<576x128xf32>
    %select_n3A_2248 = arith.select %lt3A_2246, %add3A_2245, %select_n3A_2238 : vector<576x128xi1>, vector<576x128xi32>
    %slice3A_2249 = vector.extract_strided_slice %dot_general3A_2128 {offsets = [0, 1408], sizes = [576, 128], strides = [1, 1]} : vector<576x4096xf32> to vector<576x128xf32>
    %mul3A_2250 = arith.constant 4096 : i32
    %mul3A_2251 = arith.muli %arg1, %mul3A_2250 : i32
    %add3A_2252 = arith.constant 1408 : i32
    %add3A_2253 = arith.addi %mul3A_2251, %add3A_2252 : i32
    %add3A_2254 = vector.broadcast %add3A_2253 : i32 to vector<576x128xi32>
    %add3A_2255 = arith.addi %iota3A, %add3A_2254 : vector<576x128xi32>
    %lt3A_2256 = arith.cmpf olt, %slice3A_2249, %min3A_2247 : vector<576x128xf32>
    %min3A_2257 = arith.minimumf %slice3A_2249, %min3A_2247 : vector<576x128xf32>
    %select_n3A_2258 = arith.select %lt3A_2256, %add3A_2255, %select_n3A_2248 : vector<576x128xi1>, vector<576x128xi32>
    %slice3A_2259 = vector.extract_strided_slice %dot_general3A_2128 {offsets = [0, 1536], sizes = [576, 128], strides = [1, 1]} : vector<576x4096xf32> to vector<576x128xf32>
    %mul3A_2260 = arith.constant 4096 : i32
    %mul3A_2261 = arith.muli %arg1, %mul3A_2260 : i32
    %add3A_2262 = arith.constant 1536 : i32
    %add3A_2263 = arith.addi %mul3A_2261, %add3A_2262 : i32
    %add3A_2264 = vector.broadcast %add3A_2263 : i32 to vector<576x128xi32>
    %add3A_2265 = arith.addi %iota3A, %add3A_2264 : vector<576x128xi32>
    %lt3A_2266 = arith.cmpf olt, %slice3A_2259, %min3A_2257 : vector<576x128xf32>
    %min3A_2267 = arith.minimumf %slice3A_2259, %min3A_2257 : vector<576x128xf32>
    %select_n3A_2268 = arith.select %lt3A_2266, %add3A_2265, %select_n3A_2258 : vector<576x128xi1>, vector<576x128xi32>
    %slice3A_2269 = vector.extract_strided_slice %dot_general3A_2128 {offsets = [0, 1664], sizes = [576, 128], strides = [1, 1]} : vector<576x4096xf32> to vector<576x128xf32>
    %mul3A_2270 = arith.constant 4096 : i32
    %mul3A_2271 = arith.muli %arg1, %mul3A_2270 : i32
    %add3A_2272 = arith.constant 1664 : i32
    %add3A_2273 = arith.addi %mul3A_2271, %add3A_2272 : i32
    %add3A_2274 = vector.broadcast %add3A_2273 : i32 to vector<576x128xi32>
    %add3A_2275 = arith.addi %iota3A, %add3A_2274 : vector<576x128xi32>
    %lt3A_2276 = arith.cmpf olt, %slice3A_2269, %min3A_2267 : vector<576x128xf32>
    %min3A_2277 = arith.minimumf %slice3A_2269, %min3A_2267 : vector<576x128xf32>
    %select_n3A_2278 = arith.select %lt3A_2276, %add3A_2275, %select_n3A_2268 : vector<576x128xi1>, vector<576x128xi32>
    %slice3A_2279 = vector.extract_strided_slice %dot_general3A_2128 {offsets = [0, 1792], sizes = [576, 128], strides = [1, 1]} : vector<576x4096xf32> to vector<576x128xf32>
    %mul3A_2280 = arith.constant 4096 : i32
    %mul3A_2281 = arith.muli %arg1, %mul3A_2280 : i32
    %add3A_2282 = arith.constant 1792 : i32
    %add3A_2283 = arith.addi %mul3A_2281, %add3A_2282 : i32
    %add3A_2284 = vector.broadcast %add3A_2283 : i32 to vector<576x128xi32>
    %add3A_2285 = arith.addi %iota3A, %add3A_2284 : vector<576x128xi32>
    %lt3A_2286 = arith.cmpf olt, %slice3A_2279, %min3A_2277 : vector<576x128xf32>
    %min3A_2287 = arith.minimumf %slice3A_2279, %min3A_2277 : vector<576x128xf32>
    %select_n3A_2288 = arith.select %lt3A_2286, %add3A_2285, %select_n3A_2278 : vector<576x128xi1>, vector<576x128xi32>
    %slice3A_2289 = vector.extract_strided_slice %dot_general3A_2128 {offsets = [0, 1920], sizes = [576, 128], strides = [1, 1]} : vector<576x4096xf32> to vector<576x128xf32>
    %mul3A_2290 = arith.constant 4096 : i32
    %mul3A_2291 = arith.muli %arg1, %mul3A_2290 : i32
    %add3A_2292 = arith.constant 1920 : i32
    %add3A_2293 = arith.addi %mul3A_2291, %add3A_2292 : i32
    %add3A_2294 = vector.broadcast %add3A_2293 : i32 to vector<576x128xi32>
    %add3A_2295 = arith.addi %iota3A, %add3A_2294 : vector<576x128xi32>
    %lt3A_2296 = arith.cmpf olt, %slice3A_2289, %min3A_2287 : vector<576x128xf32>
    %min3A_2297 = arith.minimumf %slice3A_2289, %min3A_2287 : vector<576x128xf32>
    %select_n3A_2298 = arith.select %lt3A_2296, %add3A_2295, %select_n3A_2288 : vector<576x128xi1>, vector<576x128xi32>
    %slice3A_2299 = vector.extract_strided_slice %dot_general3A_2128 {offsets = [0, 2048], sizes = [576, 128], strides = [1, 1]} : vector<576x4096xf32> to vector<576x128xf32>
    %mul3A_2300 = arith.constant 4096 : i32
    %mul3A_2301 = arith.muli %arg1, %mul3A_2300 : i32
    %add3A_2302 = arith.constant 2048 : i32
    %add3A_2303 = arith.addi %mul3A_2301, %add3A_2302 : i32
    %add3A_2304 = vector.broadcast %add3A_2303 : i32 to vector<576x128xi32>
    %add3A_2305 = arith.addi %iota3A, %add3A_2304 : vector<576x128xi32>
    %lt3A_2306 = arith.cmpf olt, %slice3A_2299, %min3A_2297 : vector<576x128xf32>
    %min3A_2307 = arith.minimumf %slice3A_2299, %min3A_2297 : vector<576x128xf32>
    %select_n3A_2308 = arith.select %lt3A_2306, %add3A_2305, %select_n3A_2298 : vector<576x128xi1>, vector<576x128xi32>
    %slice3A_2309 = vector.extract_strided_slice %dot_general3A_2128 {offsets = [0, 2176], sizes = [576, 128], strides = [1, 1]} : vector<576x4096xf32> to vector<576x128xf32>
    %mul3A_2310 = arith.constant 4096 : i32
    %mul3A_2311 = arith.muli %arg1, %mul3A_2310 : i32
    %add3A_2312 = arith.constant 2176 : i32
    %add3A_2313 = arith.addi %mul3A_2311, %add3A_2312 : i32
    %add3A_2314 = vector.broadcast %add3A_2313 : i32 to vector<576x128xi32>
    %add3A_2315 = arith.addi %iota3A, %add3A_2314 : vector<576x128xi32>
    %lt3A_2316 = arith.cmpf olt, %slice3A_2309, %min3A_2307 : vector<576x128xf32>
    %min3A_2317 = arith.minimumf %slice3A_2309, %min3A_2307 : vector<576x128xf32>
    %select_n3A_2318 = arith.select %lt3A_2316, %add3A_2315, %select_n3A_2308 : vector<576x128xi1>, vector<576x128xi32>
    %slice3A_2319 = vector.extract_strided_slice %dot_general3A_2128 {offsets = [0, 2304], sizes = [576, 128], strides = [1, 1]} : vector<576x4096xf32> to vector<576x128xf32>
    %mul3A_2320 = arith.constant 4096 : i32
    %mul3A_2321 = arith.muli %arg1, %mul3A_2320 : i32
    %add3A_2322 = arith.constant 2304 : i32
    %add3A_2323 = arith.addi %mul3A_2321, %add3A_2322 : i32
    %add3A_2324 = vector.broadcast %add3A_2323 : i32 to vector<576x128xi32>
    %add3A_2325 = arith.addi %iota3A, %add3A_2324 : vector<576x128xi32>
    %lt3A_2326 = arith.cmpf olt, %slice3A_2319, %min3A_2317 : vector<576x128xf32>
    %min3A_2327 = arith.minimumf %slice3A_2319, %min3A_2317 : vector<576x128xf32>
    %select_n3A_2328 = arith.select %lt3A_2326, %add3A_2325, %select_n3A_2318 : vector<576x128xi1>, vector<576x128xi32>
    %slice3A_2329 = vector.extract_strided_slice %dot_general3A_2128 {offsets = [0, 2432], sizes = [576, 128], strides = [1, 1]} : vector<576x4096xf32> to vector<576x128xf32>
    %mul3A_2330 = arith.constant 4096 : i32
    %mul3A_2331 = arith.muli %arg1, %mul3A_2330 : i32
    %add3A_2332 = arith.constant 2432 : i32
    %add3A_2333 = arith.addi %mul3A_2331, %add3A_2332 : i32
    %add3A_2334 = vector.broadcast %add3A_2333 : i32 to vector<576x128xi32>
    %add3A_2335 = arith.addi %iota3A, %add3A_2334 : vector<576x128xi32>
    %lt3A_2336 = arith.cmpf olt, %slice3A_2329, %min3A_2327 : vector<576x128xf32>
    %min3A_2337 = arith.minimumf %slice3A_2329, %min3A_2327 : vector<576x128xf32>
    %select_n3A_2338 = arith.select %lt3A_2336, %add3A_2335, %select_n3A_2328 : vector<576x128xi1>, vector<576x128xi32>
    %slice3A_2339 = vector.extract_strided_slice %dot_general3A_2128 {offsets = [0, 2560], sizes = [576, 128], strides = [1, 1]} : vector<576x4096xf32> to vector<576x128xf32>
    %mul3A_2340 = arith.constant 4096 : i32
    %mul3A_2341 = arith.muli %arg1, %mul3A_2340 : i32
    %add3A_2342 = arith.constant 2560 : i32
    %add3A_2343 = arith.addi %mul3A_2341, %add3A_2342 : i32
    %add3A_2344 = vector.broadcast %add3A_2343 : i32 to vector<576x128xi32>
    %add3A_2345 = arith.addi %iota3A, %add3A_2344 : vector<576x128xi32>
    %lt3A_2346 = arith.cmpf olt, %slice3A_2339, %min3A_2337 : vector<576x128xf32>
    %min3A_2347 = arith.minimumf %slice3A_2339, %min3A_2337 : vector<576x128xf32>
    %select_n3A_2348 = arith.select %lt3A_2346, %add3A_2345, %select_n3A_2338 : vector<576x128xi1>, vector<576x128xi32>
    %slice3A_2349 = vector.extract_strided_slice %dot_general3A_2128 {offsets = [0, 2688], sizes = [576, 128], strides = [1, 1]} : vector<576x4096xf32> to vector<576x128xf32>
    %mul3A_2350 = arith.constant 4096 : i32
    %mul3A_2351 = arith.muli %arg1, %mul3A_2350 : i32
    %add3A_2352 = arith.constant 2688 : i32
    %add3A_2353 = arith.addi %mul3A_2351, %add3A_2352 : i32
    %add3A_2354 = vector.broadcast %add3A_2353 : i32 to vector<576x128xi32>
    %add3A_2355 = arith.addi %iota3A, %add3A_2354 : vector<576x128xi32>
    %lt3A_2356 = arith.cmpf olt, %slice3A_2349, %min3A_2347 : vector<576x128xf32>
    %min3A_2357 = arith.minimumf %slice3A_2349, %min3A_2347 : vector<576x128xf32>
    %select_n3A_2358 = arith.select %lt3A_2356, %add3A_2355, %select_n3A_2348 : vector<576x128xi1>, vector<576x128xi32>
    %slice3A_2359 = vector.extract_strided_slice %dot_general3A_2128 {offsets = [0, 2816], sizes = [576, 128], strides = [1, 1]} : vector<576x4096xf32> to vector<576x128xf32>
    %mul3A_2360 = arith.constant 4096 : i32
    %mul3A_2361 = arith.muli %arg1, %mul3A_2360 : i32
    %add3A_2362 = arith.constant 2816 : i32
    %add3A_2363 = arith.addi %mul3A_2361, %add3A_2362 : i32
    %add3A_2364 = vector.broadcast %add3A_2363 : i32 to vector<576x128xi32>
    %add3A_2365 = arith.addi %iota3A, %add3A_2364 : vector<576x128xi32>
    %lt3A_2366 = arith.cmpf olt, %slice3A_2359, %min3A_2357 : vector<576x128xf32>
    %min3A_2367 = arith.minimumf %slice3A_2359, %min3A_2357 : vector<576x128xf32>
    %select_n3A_2368 = arith.select %lt3A_2366, %add3A_2365, %select_n3A_2358 : vector<576x128xi1>, vector<576x128xi32>
    %slice3A_2369 = vector.extract_strided_slice %dot_general3A_2128 {offsets = [0, 2944], sizes = [576, 128], strides = [1, 1]} : vector<576x4096xf32> to vector<576x128xf32>
    %mul3A_2370 = arith.constant 4096 : i32
    %mul3A_2371 = arith.muli %arg1, %mul3A_2370 : i32
    %add3A_2372 = arith.constant 2944 : i32
    %add3A_2373 = arith.addi %mul3A_2371, %add3A_2372 : i32
    %add3A_2374 = vector.broadcast %add3A_2373 : i32 to vector<576x128xi32>
    %add3A_2375 = arith.addi %iota3A, %add3A_2374 : vector<576x128xi32>
    %lt3A_2376 = arith.cmpf olt, %slice3A_2369, %min3A_2367 : vector<576x128xf32>
    %min3A_2377 = arith.minimumf %slice3A_2369, %min3A_2367 : vector<576x128xf32>
    %select_n3A_2378 = arith.select %lt3A_2376, %add3A_2375, %select_n3A_2368 : vector<576x128xi1>, vector<576x128xi32>
    %slice3A_2379 = vector.extract_strided_slice %dot_general3A_2128 {offsets = [0, 3072], sizes = [576, 128], strides = [1, 1]} : vector<576x4096xf32> to vector<576x128xf32>
    %mul3A_2380 = arith.constant 4096 : i32
    %mul3A_2381 = arith.muli %arg1, %mul3A_2380 : i32
    %add3A_2382 = arith.constant 3072 : i32
    %add3A_2383 = arith.addi %mul3A_2381, %add3A_2382 : i32
    %add3A_2384 = vector.broadcast %add3A_2383 : i32 to vector<576x128xi32>
    %add3A_2385 = arith.addi %iota3A, %add3A_2384 : vector<576x128xi32>
    %lt3A_2386 = arith.cmpf olt, %slice3A_2379, %min3A_2377 : vector<576x128xf32>
    %min3A_2387 = arith.minimumf %slice3A_2379, %min3A_2377 : vector<576x128xf32>
    %select_n3A_2388 = arith.select %lt3A_2386, %add3A_2385, %select_n3A_2378 : vector<576x128xi1>, vector<576x128xi32>
    %slice3A_2389 = vector.extract_strided_slice %dot_general3A_2128 {offsets = [0, 3200], sizes = [576, 128], strides = [1, 1]} : vector<576x4096xf32> to vector<576x128xf32>
    %mul3A_2390 = arith.constant 4096 : i32
    %mul3A_2391 = arith.muli %arg1, %mul3A_2390 : i32
    %add3A_2392 = arith.constant 3200 : i32
    %add3A_2393 = arith.addi %mul3A_2391, %add3A_2392 : i32
    %add3A_2394 = vector.broadcast %add3A_2393 : i32 to vector<576x128xi32>
    %add3A_2395 = arith.addi %iota3A, %add3A_2394 : vector<576x128xi32>
    %lt3A_2396 = arith.cmpf olt, %slice3A_2389, %min3A_2387 : vector<576x128xf32>
    %min3A_2397 = arith.minimumf %slice3A_2389, %min3A_2387 : vector<576x128xf32>
    %select_n3A_2398 = arith.select %lt3A_2396, %add3A_2395, %select_n3A_2388 : vector<576x128xi1>, vector<576x128xi32>
    %slice3A_2399 = vector.extract_strided_slice %dot_general3A_2128 {offsets = [0, 3328], sizes = [576, 128], strides = [1, 1]} : vector<576x4096xf32> to vector<576x128xf32>
    %mul3A_2400 = arith.constant 4096 : i32
    %mul3A_2401 = arith.muli %arg1, %mul3A_2400 : i32
    %add3A_2402 = arith.constant 3328 : i32
    %add3A_2403 = arith.addi %mul3A_2401, %add3A_2402 : i32
    %add3A_2404 = vector.broadcast %add3A_2403 : i32 to vector<576x128xi32>
    %add3A_2405 = arith.addi %iota3A, %add3A_2404 : vector<576x128xi32>
    %lt3A_2406 = arith.cmpf olt, %slice3A_2399, %min3A_2397 : vector<576x128xf32>
    %min3A_2407 = arith.minimumf %slice3A_2399, %min3A_2397 : vector<576x128xf32>
    %select_n3A_2408 = arith.select %lt3A_2406, %add3A_2405, %select_n3A_2398 : vector<576x128xi1>, vector<576x128xi32>
    %slice3A_2409 = vector.extract_strided_slice %dot_general3A_2128 {offsets = [0, 3456], sizes = [576, 128], strides = [1, 1]} : vector<576x4096xf32> to vector<576x128xf32>
    %mul3A_2410 = arith.constant 4096 : i32
    %mul3A_2411 = arith.muli %arg1, %mul3A_2410 : i32
    %add3A_2412 = arith.constant 3456 : i32
    %add3A_2413 = arith.addi %mul3A_2411, %add3A_2412 : i32
    %add3A_2414 = vector.broadcast %add3A_2413 : i32 to vector<576x128xi32>
    %add3A_2415 = arith.addi %iota3A, %add3A_2414 : vector<576x128xi32>
    %lt3A_2416 = arith.cmpf olt, %slice3A_2409, %min3A_2407 : vector<576x128xf32>
    %min3A_2417 = arith.minimumf %slice3A_2409, %min3A_2407 : vector<576x128xf32>
    %select_n3A_2418 = arith.select %lt3A_2416, %add3A_2415, %select_n3A_2408 : vector<576x128xi1>, vector<576x128xi32>
    %slice3A_2419 = vector.extract_strided_slice %dot_general3A_2128 {offsets = [0, 3584], sizes = [576, 128], strides = [1, 1]} : vector<576x4096xf32> to vector<576x128xf32>
    %mul3A_2420 = arith.constant 4096 : i32
    %mul3A_2421 = arith.muli %arg1, %mul3A_2420 : i32
    %add3A_2422 = arith.constant 3584 : i32
    %add3A_2423 = arith.addi %mul3A_2421, %add3A_2422 : i32
    %add3A_2424 = vector.broadcast %add3A_2423 : i32 to vector<576x128xi32>
    %add3A_2425 = arith.addi %iota3A, %add3A_2424 : vector<576x128xi32>
    %lt3A_2426 = arith.cmpf olt, %slice3A_2419, %min3A_2417 : vector<576x128xf32>
    %min3A_2427 = arith.minimumf %slice3A_2419, %min3A_2417 : vector<576x128xf32>
    %select_n3A_2428 = arith.select %lt3A_2426, %add3A_2425, %select_n3A_2418 : vector<576x128xi1>, vector<576x128xi32>
    %slice3A_2429 = vector.extract_strided_slice %dot_general3A_2128 {offsets = [0, 3712], sizes = [576, 128], strides = [1, 1]} : vector<576x4096xf32> to vector<576x128xf32>
    %mul3A_2430 = arith.constant 4096 : i32
    %mul3A_2431 = arith.muli %arg1, %mul3A_2430 : i32
    %add3A_2432 = arith.constant 3712 : i32
    %add3A_2433 = arith.addi %mul3A_2431, %add3A_2432 : i32
    %add3A_2434 = vector.broadcast %add3A_2433 : i32 to vector<576x128xi32>
    %add3A_2435 = arith.addi %iota3A, %add3A_2434 : vector<576x128xi32>
    %lt3A_2436 = arith.cmpf olt, %slice3A_2429, %min3A_2427 : vector<576x128xf32>
    %min3A_2437 = arith.minimumf %slice3A_2429, %min3A_2427 : vector<576x128xf32>
    %select_n3A_2438 = arith.select %lt3A_2436, %add3A_2435, %select_n3A_2428 : vector<576x128xi1>, vector<576x128xi32>
    %slice3A_2439 = vector.extract_strided_slice %dot_general3A_2128 {offsets = [0, 3840], sizes = [576, 128], strides = [1, 1]} : vector<576x4096xf32> to vector<576x128xf32>
    %mul3A_2440 = arith.constant 4096 : i32
    %mul3A_2441 = arith.muli %arg1, %mul3A_2440 : i32
    %add3A_2442 = arith.constant 3840 : i32
    %add3A_2443 = arith.addi %mul3A_2441, %add3A_2442 : i32
    %add3A_2444 = vector.broadcast %add3A_2443 : i32 to vector<576x128xi32>
    %add3A_2445 = arith.addi %iota3A, %add3A_2444 : vector<576x128xi32>
    %lt3A_2446 = arith.cmpf olt, %slice3A_2439, %min3A_2437 : vector<576x128xf32>
    %min3A_2447 = arith.minimumf %slice3A_2439, %min3A_2437 : vector<576x128xf32>
    %select_n3A_2448 = arith.select %lt3A_2446, %add3A_2445, %select_n3A_2438 : vector<576x128xi1>, vector<576x128xi32>
    %slice3A_2449 = vector.extract_strided_slice %dot_general3A_2128 {offsets = [0, 3968], sizes = [576, 128], strides = [1, 1]} : vector<576x4096xf32> to vector<576x128xf32>
    %mul3A_2450 = arith.constant 4096 : i32
    %mul3A_2451 = arith.muli %arg1, %mul3A_2450 : i32
    %add3A_2452 = arith.constant 3968 : i32
    %add3A_2453 = arith.addi %mul3A_2451, %add3A_2452 : i32
    %add3A_2454 = vector.broadcast %add3A_2453 : i32 to vector<576x128xi32>
    %add3A_2455 = arith.addi %iota3A, %add3A_2454 : vector<576x128xi32>
    %lt3A_2456 = arith.cmpf olt, %slice3A_2449, %min3A_2447 : vector<576x128xf32>
    %min3A_2457 = arith.minimumf %slice3A_2449, %min3A_2447 : vector<576x128xf32>
    %select_n3A_2458 = arith.select %lt3A_2456, %add3A_2455, %select_n3A_2448 : vector<576x128xi1>, vector<576x128xi32>
    %swap3A_2459 = arith.constant 6 : index
    %swap3A_2460 = arith.constant 0 : index
    %swap3A_2461 = arith.constant 0 : index
    %swap3A_2462 = vector.load %arg5[%swap3A_2459, %swap3A_2460, %swap3A_2461] : memref<8x576x128xf32, #tpu.memory_space<vmem>>, vector<1x576x128xf32>
    %swap3A_2463 = vector.shape_cast %swap3A_2462 : vector<1x576x128xf32> to vector<576x128xf32>
    %swap3A_2464 = vector.shape_cast %min3A_2457 : vector<576x128xf32> to vector<1x576x128xf32>
    tpu.vector_store %arg5[%swap3A_2459, %swap3A_2460, %swap3A_2461], %swap3A_2464 {strides = array<i32>} : memref<8x576x128xf32, #tpu.memory_space<vmem>>, vector<1x576x128xf32>,
    %swap3A_2465 = arith.constant 6 : index
    %swap3A_2466 = arith.constant 0 : index
    %swap3A_2467 = arith.constant 0 : index
    %swap3A_2468 = vector.load %arg6[%swap3A_2465, %swap3A_2466, %swap3A_2467] : memref<8x576x128xi32, #tpu.memory_space<vmem>>, vector<1x576x128xi32>
    %swap3A_2469 = vector.shape_cast %swap3A_2468 : vector<1x576x128xi32> to vector<576x128xi32>
    %swap3A_2470 = vector.shape_cast %select_n3A_2458 : vector<576x128xi32> to vector<1x576x128xi32>
    tpu.vector_store %arg6[%swap3A_2465, %swap3A_2466, %swap3A_2467], %swap3A_2470 {strides = array<i32>} : memref<8x576x128xi32, #tpu.memory_space<vmem>>, vector<1x576x128xi32>,
    %get3A_2471 = arith.constant 0 : index
    %get3A_2472 = arith.constant 0 : index
    %get3A_2473 = arith.constant 896 : index
    %get3A_2474 = vector.load %arg2[%get3A_2471, %get3A_2472, %get3A_2473] : memref<1x576x1024xbf16, #tpu.memory_space<vmem>>, vector<1x576x128xbf16>
    %get3A_2475 = vector.shape_cast %get3A_2474 : vector<1x576x128xbf16> to vector<576x128xbf16>
    %get3A_2476 = arith.constant 7 : index
    %get3A_2477 = arith.constant 0 : index
    %get3A_2478 = arith.constant 0 : index
    %get3A_2479 = vector.load %arg3[%get3A_2476, %get3A_2477, %get3A_2478] : memref<8x4096x128xbf16, #tpu.memory_space<vmem>>, vector<1x4096x128xbf16>
    %get3A_2480 = vector.shape_cast %get3A_2479 : vector<1x4096x128xbf16> to vector<4096x128xbf16>
    %dot_general3A_2481 = arith.constant dense<0.000000e+00> : vector<576x4096xf32>
    %dot_general3A_2482 = tpu.matmul %get3A_2475, %get3A_2480, %dot_general3A_2481 {dimension_numbers = #tpu.dot_dimension_numbers<[1], [1], [0], [0], [0, 0, 1, 0], [], []>, transpose_lhs_hint = false} : vector<576x128xbf16>, vector<4096x128xbf16>, vector<576x4096xf32> -> vector<576x4096xf32>
    %get3A_2483 = arith.constant 7 : index
    %get3A_2484 = arith.constant 0 : index
    %get3A_2485 = arith.constant 0 : index
    %get3A_2486 = vector.load %arg5[%get3A_2483, %get3A_2484, %get3A_2485] : memref<8x576x128xf32, #tpu.memory_space<vmem>>, vector<1x576x128xf32>
    %get3A_2487 = vector.shape_cast %get3A_2486 : vector<1x576x128xf32> to vector<576x128xf32>
    %get3A_2488 = arith.constant 7 : index
    %get3A_2489 = arith.constant 0 : index
    %get3A_2490 = arith.constant 0 : index
    %get3A_2491 = vector.load %arg6[%get3A_2488, %get3A_2489, %get3A_2490] : memref<8x576x128xi32, #tpu.memory_space<vmem>>, vector<1x576x128xi32>
    %get3A_2492 = vector.shape_cast %get3A_2491 : vector<1x576x128xi32> to vector<576x128xi32>
    %slice3A_2493 = vector.extract_strided_slice %dot_general3A_2482 {offsets = [0, 0], sizes = [576, 128], strides = [1, 1]} : vector<576x4096xf32> to vector<576x128xf32>
    %mul3A_2494 = arith.constant 4096 : i32
    %mul3A_2495 = arith.muli %arg1, %mul3A_2494 : i32
    %add3A_2496 = arith.constant 0 : i32
    %add3A_2497 = arith.addi %mul3A_2495, %add3A_2496 : i32
    %add3A_2498 = vector.broadcast %add3A_2497 : i32 to vector<576x128xi32>
    %add3A_2499 = arith.addi %iota3A, %add3A_2498 : vector<576x128xi32>
    %lt3A_2500 = arith.cmpf olt, %slice3A_2493, %get3A_2487 : vector<576x128xf32>
    %min3A_2501 = arith.minimumf %slice3A_2493, %get3A_2487 : vector<576x128xf32>
    %select_n3A_2502 = arith.select %lt3A_2500, %add3A_2499, %get3A_2492 : vector<576x128xi1>, vector<576x128xi32>
    %slice3A_2503 = vector.extract_strided_slice %dot_general3A_2482 {offsets = [0, 128], sizes = [576, 128], strides = [1, 1]} : vector<576x4096xf32> to vector<576x128xf32>
    %mul3A_2504 = arith.constant 4096 : i32
    %mul3A_2505 = arith.muli %arg1, %mul3A_2504 : i32
    %add3A_2506 = arith.constant 128 : i32
    %add3A_2507 = arith.addi %mul3A_2505, %add3A_2506 : i32
    %add3A_2508 = vector.broadcast %add3A_2507 : i32 to vector<576x128xi32>
    %add3A_2509 = arith.addi %iota3A, %add3A_2508 : vector<576x128xi32>
    %lt3A_2510 = arith.cmpf olt, %slice3A_2503, %min3A_2501 : vector<576x128xf32>
    %min3A_2511 = arith.minimumf %slice3A_2503, %min3A_2501 : vector<576x128xf32>
    %select_n3A_2512 = arith.select %lt3A_2510, %add3A_2509, %select_n3A_2502 : vector<576x128xi1>, vector<576x128xi32>
    %slice3A_2513 = vector.extract_strided_slice %dot_general3A_2482 {offsets = [0, 256], sizes = [576, 128], strides = [1, 1]} : vector<576x4096xf32> to vector<576x128xf32>
    %mul3A_2514 = arith.constant 4096 : i32
    %mul3A_2515 = arith.muli %arg1, %mul3A_2514 : i32
    %add3A_2516 = arith.constant 256 : i32
    %add3A_2517 = arith.addi %mul3A_2515, %add3A_2516 : i32
    %add3A_2518 = vector.broadcast %add3A_2517 : i32 to vector<576x128xi32>
    %add3A_2519 = arith.addi %iota3A, %add3A_2518 : vector<576x128xi32>
    %lt3A_2520 = arith.cmpf olt, %slice3A_2513, %min3A_2511 : vector<576x128xf32>
    %min3A_2521 = arith.minimumf %slice3A_2513, %min3A_2511 : vector<576x128xf32>
    %select_n3A_2522 = arith.select %lt3A_2520, %add3A_2519, %select_n3A_2512 : vector<576x128xi1>, vector<576x128xi32>
    %slice3A_2523 = vector.extract_strided_slice %dot_general3A_2482 {offsets = [0, 384], sizes = [576, 128], strides = [1, 1]} : vector<576x4096xf32> to vector<576x128xf32>
    %mul3A_2524 = arith.constant 4096 : i32
    %mul3A_2525 = arith.muli %arg1, %mul3A_2524 : i32
    %add3A_2526 = arith.constant 384 : i32
    %add3A_2527 = arith.addi %mul3A_2525, %add3A_2526 : i32
    %add3A_2528 = vector.broadcast %add3A_2527 : i32 to vector<576x128xi32>
    %add3A_2529 = arith.addi %iota3A, %add3A_2528 : vector<576x128xi32>
    %lt3A_2530 = arith.cmpf olt, %slice3A_2523, %min3A_2521 : vector<576x128xf32>
    %min3A_2531 = arith.minimumf %slice3A_2523, %min3A_2521 : vector<576x128xf32>
    %select_n3A_2532 = arith.select %lt3A_2530, %add3A_2529, %select_n3A_2522 : vector<576x128xi1>, vector<576x128xi32>
    %slice3A_2533 = vector.extract_strided_slice %dot_general3A_2482 {offsets = [0, 512], sizes = [576, 128], strides = [1, 1]} : vector<576x4096xf32> to vector<576x128xf32>
    %mul3A_2534 = arith.constant 4096 : i32
    %mul3A_2535 = arith.muli %arg1, %mul3A_2534 : i32
    %add3A_2536 = arith.constant 512 : i32
    %add3A_2537 = arith.addi %mul3A_2535, %add3A_2536 : i32
    %add3A_2538 = vector.broadcast %add3A_2537 : i32 to vector<576x128xi32>
    %add3A_2539 = arith.addi %iota3A, %add3A_2538 : vector<576x128xi32>
    %lt3A_2540 = arith.cmpf olt, %slice3A_2533, %min3A_2531 : vector<576x128xf32>
    %min3A_2541 = arith.minimumf %slice3A_2533, %min3A_2531 : vector<576x128xf32>
    %select_n3A_2542 = arith.select %lt3A_2540, %add3A_2539, %select_n3A_2532 : vector<576x128xi1>, vector<576x128xi32>
    %slice3A_2543 = vector.extract_strided_slice %dot_general3A_2482 {offsets = [0, 640], sizes = [576, 128], strides = [1, 1]} : vector<576x4096xf32> to vector<576x128xf32>
    %mul3A_2544 = arith.constant 4096 : i32
    %mul3A_2545 = arith.muli %arg1, %mul3A_2544 : i32
    %add3A_2546 = arith.constant 640 : i32
    %add3A_2547 = arith.addi %mul3A_2545, %add3A_2546 : i32
    %add3A_2548 = vector.broadcast %add3A_2547 : i32 to vector<576x128xi32>
    %add3A_2549 = arith.addi %iota3A, %add3A_2548 : vector<576x128xi32>
    %lt3A_2550 = arith.cmpf olt, %slice3A_2543, %min3A_2541 : vector<576x128xf32>
    %min3A_2551 = arith.minimumf %slice3A_2543, %min3A_2541 : vector<576x128xf32>
    %select_n3A_2552 = arith.select %lt3A_2550, %add3A_2549, %select_n3A_2542 : vector<576x128xi1>, vector<576x128xi32>
    %slice3A_2553 = vector.extract_strided_slice %dot_general3A_2482 {offsets = [0, 768], sizes = [576, 128], strides = [1, 1]} : vector<576x4096xf32> to vector<576x128xf32>
    %mul3A_2554 = arith.constant 4096 : i32
    %mul3A_2555 = arith.muli %arg1, %mul3A_2554 : i32
    %add3A_2556 = arith.constant 768 : i32
    %add3A_2557 = arith.addi %mul3A_2555, %add3A_2556 : i32
    %add3A_2558 = vector.broadcast %add3A_2557 : i32 to vector<576x128xi32>
    %add3A_2559 = arith.addi %iota3A, %add3A_2558 : vector<576x128xi32>
    %lt3A_2560 = arith.cmpf olt, %slice3A_2553, %min3A_2551 : vector<576x128xf32>
    %min3A_2561 = arith.minimumf %slice3A_2553, %min3A_2551 : vector<576x128xf32>
    %select_n3A_2562 = arith.select %lt3A_2560, %add3A_2559, %select_n3A_2552 : vector<576x128xi1>, vector<576x128xi32>
    %slice3A_2563 = vector.extract_strided_slice %dot_general3A_2482 {offsets = [0, 896], sizes = [576, 128], strides = [1, 1]} : vector<576x4096xf32> to vector<576x128xf32>
    %mul3A_2564 = arith.constant 4096 : i32
    %mul3A_2565 = arith.muli %arg1, %mul3A_2564 : i32
    %add3A_2566 = arith.constant 896 : i32
    %add3A_2567 = arith.addi %mul3A_2565, %add3A_2566 : i32
    %add3A_2568 = vector.broadcast %add3A_2567 : i32 to vector<576x128xi32>
    %add3A_2569 = arith.addi %iota3A, %add3A_2568 : vector<576x128xi32>
    %lt3A_2570 = arith.cmpf olt, %slice3A_2563, %min3A_2561 : vector<576x128xf32>
    %min3A_2571 = arith.minimumf %slice3A_2563, %min3A_2561 : vector<576x128xf32>
    %select_n3A_2572 = arith.select %lt3A_2570, %add3A_2569, %select_n3A_2562 : vector<576x128xi1>, vector<576x128xi32>
    %slice3A_2573 = vector.extract_strided_slice %dot_general3A_2482 {offsets = [0, 1024], sizes = [576, 128], strides = [1, 1]} : vector<576x4096xf32> to vector<576x128xf32>
    %mul3A_2574 = arith.constant 4096 : i32
    %mul3A_2575 = arith.muli %arg1, %mul3A_2574 : i32
    %add3A_2576 = arith.constant 1024 : i32
    %add3A_2577 = arith.addi %mul3A_2575, %add3A_2576 : i32
    %add3A_2578 = vector.broadcast %add3A_2577 : i32 to vector<576x128xi32>
    %add3A_2579 = arith.addi %iota3A, %add3A_2578 : vector<576x128xi32>
    %lt3A_2580 = arith.cmpf olt, %slice3A_2573, %min3A_2571 : vector<576x128xf32>
    %min3A_2581 = arith.minimumf %slice3A_2573, %min3A_2571 : vector<576x128xf32>
    %select_n3A_2582 = arith.select %lt3A_2580, %add3A_2579, %select_n3A_2572 : vector<576x128xi1>, vector<576x128xi32>
    %slice3A_2583 = vector.extract_strided_slice %dot_general3A_2482 {offsets = [0, 1152], sizes = [576, 128], strides = [1, 1]} : vector<576x4096xf32> to vector<576x128xf32>
    %mul3A_2584 = arith.constant 4096 : i32
    %mul3A_2585 = arith.muli %arg1, %mul3A_2584 : i32
    %add3A_2586 = arith.constant 1152 : i32
    %add3A_2587 = arith.addi %mul3A_2585, %add3A_2586 : i32
    %add3A_2588 = vector.broadcast %add3A_2587 : i32 to vector<576x128xi32>
    %add3A_2589 = arith.addi %iota3A, %add3A_2588 : vector<576x128xi32>
    %lt3A_2590 = arith.cmpf olt, %slice3A_2583, %min3A_2581 : vector<576x128xf32>
    %min3A_2591 = arith.minimumf %slice3A_2583, %min3A_2581 : vector<576x128xf32>
    %select_n3A_2592 = arith.select %lt3A_2590, %add3A_2589, %select_n3A_2582 : vector<576x128xi1>, vector<576x128xi32>
    %slice3A_2593 = vector.extract_strided_slice %dot_general3A_2482 {offsets = [0, 1280], sizes = [576, 128], strides = [1, 1]} : vector<576x4096xf32> to vector<576x128xf32>
    %mul3A_2594 = arith.constant 4096 : i32
    %mul3A_2595 = arith.muli %arg1, %mul3A_2594 : i32
    %add3A_2596 = arith.constant 1280 : i32
    %add3A_2597 = arith.addi %mul3A_2595, %add3A_2596 : i32
    %add3A_2598 = vector.broadcast %add3A_2597 : i32 to vector<576x128xi32>
    %add3A_2599 = arith.addi %iota3A, %add3A_2598 : vector<576x128xi32>
    %lt3A_2600 = arith.cmpf olt, %slice3A_2593, %min3A_2591 : vector<576x128xf32>
    %min3A_2601 = arith.minimumf %slice3A_2593, %min3A_2591 : vector<576x128xf32>
    %select_n3A_2602 = arith.select %lt3A_2600, %add3A_2599, %select_n3A_2592 : vector<576x128xi1>, vector<576x128xi32>
    %slice3A_2603 = vector.extract_strided_slice %dot_general3A_2482 {offsets = [0, 1408], sizes = [576, 128], strides = [1, 1]} : vector<576x4096xf32> to vector<576x128xf32>
    %mul3A_2604 = arith.constant 4096 : i32
    %mul3A_2605 = arith.muli %arg1, %mul3A_2604 : i32
    %add3A_2606 = arith.constant 1408 : i32
    %add3A_2607 = arith.addi %mul3A_2605, %add3A_2606 : i32
    %add3A_2608 = vector.broadcast %add3A_2607 : i32 to vector<576x128xi32>
    %add3A_2609 = arith.addi %iota3A, %add3A_2608 : vector<576x128xi32>
    %lt3A_2610 = arith.cmpf olt, %slice3A_2603, %min3A_2601 : vector<576x128xf32>
    %min3A_2611 = arith.minimumf %slice3A_2603, %min3A_2601 : vector<576x128xf32>
    %select_n3A_2612 = arith.select %lt3A_2610, %add3A_2609, %select_n3A_2602 : vector<576x128xi1>, vector<576x128xi32>
    %slice3A_2613 = vector.extract_strided_slice %dot_general3A_2482 {offsets = [0, 1536], sizes = [576, 128], strides = [1, 1]} : vector<576x4096xf32> to vector<576x128xf32>
    %mul3A_2614 = arith.constant 4096 : i32
    %mul3A_2615 = arith.muli %arg1, %mul3A_2614 : i32
    %add3A_2616 = arith.constant 1536 : i32
    %add3A_2617 = arith.addi %mul3A_2615, %add3A_2616 : i32
    %add3A_2618 = vector.broadcast %add3A_2617 : i32 to vector<576x128xi32>
    %add3A_2619 = arith.addi %iota3A, %add3A_2618 : vector<576x128xi32>
    %lt3A_2620 = arith.cmpf olt, %slice3A_2613, %min3A_2611 : vector<576x128xf32>
    %min3A_2621 = arith.minimumf %slice3A_2613, %min3A_2611 : vector<576x128xf32>
    %select_n3A_2622 = arith.select %lt3A_2620, %add3A_2619, %select_n3A_2612 : vector<576x128xi1>, vector<576x128xi32>
    %slice3A_2623 = vector.extract_strided_slice %dot_general3A_2482 {offsets = [0, 1664], sizes = [576, 128], strides = [1, 1]} : vector<576x4096xf32> to vector<576x128xf32>
    %mul3A_2624 = arith.constant 4096 : i32
    %mul3A_2625 = arith.muli %arg1, %mul3A_2624 : i32
    %add3A_2626 = arith.constant 1664 : i32
    %add3A_2627 = arith.addi %mul3A_2625, %add3A_2626 : i32
    %add3A_2628 = vector.broadcast %add3A_2627 : i32 to vector<576x128xi32>
    %add3A_2629 = arith.addi %iota3A, %add3A_2628 : vector<576x128xi32>
    %lt3A_2630 = arith.cmpf olt, %slice3A_2623, %min3A_2621 : vector<576x128xf32>
    %min3A_2631 = arith.minimumf %slice3A_2623, %min3A_2621 : vector<576x128xf32>
    %select_n3A_2632 = arith.select %lt3A_2630, %add3A_2629, %select_n3A_2622 : vector<576x128xi1>, vector<576x128xi32>
    %slice3A_2633 = vector.extract_strided_slice %dot_general3A_2482 {offsets = [0, 1792], sizes = [576, 128], strides = [1, 1]} : vector<576x4096xf32> to vector<576x128xf32>
    %mul3A_2634 = arith.constant 4096 : i32
    %mul3A_2635 = arith.muli %arg1, %mul3A_2634 : i32
    %add3A_2636 = arith.constant 1792 : i32
    %add3A_2637 = arith.addi %mul3A_2635, %add3A_2636 : i32
    %add3A_2638 = vector.broadcast %add3A_2637 : i32 to vector<576x128xi32>
    %add3A_2639 = arith.addi %iota3A, %add3A_2638 : vector<576x128xi32>
    %lt3A_2640 = arith.cmpf olt, %slice3A_2633, %min3A_2631 : vector<576x128xf32>
    %min3A_2641 = arith.minimumf %slice3A_2633, %min3A_2631 : vector<576x128xf32>
    %select_n3A_2642 = arith.select %lt3A_2640, %add3A_2639, %select_n3A_2632 : vector<576x128xi1>, vector<576x128xi32>
    %slice3A_2643 = vector.extract_strided_slice %dot_general3A_2482 {offsets = [0, 1920], sizes = [576, 128], strides = [1, 1]} : vector<576x4096xf32> to vector<576x128xf32>
    %mul3A_2644 = arith.constant 4096 : i32
    %mul3A_2645 = arith.muli %arg1, %mul3A_2644 : i32
    %add3A_2646 = arith.constant 1920 : i32
    %add3A_2647 = arith.addi %mul3A_2645, %add3A_2646 : i32
    %add3A_2648 = vector.broadcast %add3A_2647 : i32 to vector<576x128xi32>
    %add3A_2649 = arith.addi %iota3A, %add3A_2648 : vector<576x128xi32>
    %lt3A_2650 = arith.cmpf olt, %slice3A_2643, %min3A_2641 : vector<576x128xf32>
    %min3A_2651 = arith.minimumf %slice3A_2643, %min3A_2641 : vector<576x128xf32>
    %select_n3A_2652 = arith.select %lt3A_2650, %add3A_2649, %select_n3A_2642 : vector<576x128xi1>, vector<576x128xi32>
    %slice3A_2653 = vector.extract_strided_slice %dot_general3A_2482 {offsets = [0, 2048], sizes = [576, 128], strides = [1, 1]} : vector<576x4096xf32> to vector<576x128xf32>
    %mul3A_2654 = arith.constant 4096 : i32
    %mul3A_2655 = arith.muli %arg1, %mul3A_2654 : i32
    %add3A_2656 = arith.constant 2048 : i32
    %add3A_2657 = arith.addi %mul3A_2655, %add3A_2656 : i32
    %add3A_2658 = vector.broadcast %add3A_2657 : i32 to vector<576x128xi32>
    %add3A_2659 = arith.addi %iota3A, %add3A_2658 : vector<576x128xi32>
    %lt3A_2660 = arith.cmpf olt, %slice3A_2653, %min3A_2651 : vector<576x128xf32>
    %min3A_2661 = arith.minimumf %slice3A_2653, %min3A_2651 : vector<576x128xf32>
    %select_n3A_2662 = arith.select %lt3A_2660, %add3A_2659, %select_n3A_2652 : vector<576x128xi1>, vector<576x128xi32>
    %slice3A_2663 = vector.extract_strided_slice %dot_general3A_2482 {offsets = [0, 2176], sizes = [576, 128], strides = [1, 1]} : vector<576x4096xf32> to vector<576x128xf32>
    %mul3A_2664 = arith.constant 4096 : i32
    %mul3A_2665 = arith.muli %arg1, %mul3A_2664 : i32
    %add3A_2666 = arith.constant 2176 : i32
    %add3A_2667 = arith.addi %mul3A_2665, %add3A_2666 : i32
    %add3A_2668 = vector.broadcast %add3A_2667 : i32 to vector<576x128xi32>
    %add3A_2669 = arith.addi %iota3A, %add3A_2668 : vector<576x128xi32>
    %lt3A_2670 = arith.cmpf olt, %slice3A_2663, %min3A_2661 : vector<576x128xf32>
    %min3A_2671 = arith.minimumf %slice3A_2663, %min3A_2661 : vector<576x128xf32>
    %select_n3A_2672 = arith.select %lt3A_2670, %add3A_2669, %select_n3A_2662 : vector<576x128xi1>, vector<576x128xi32>
    %slice3A_2673 = vector.extract_strided_slice %dot_general3A_2482 {offsets = [0, 2304], sizes = [576, 128], strides = [1, 1]} : vector<576x4096xf32> to vector<576x128xf32>
    %mul3A_2674 = arith.constant 4096 : i32
    %mul3A_2675 = arith.muli %arg1, %mul3A_2674 : i32
    %add3A_2676 = arith.constant 2304 : i32
    %add3A_2677 = arith.addi %mul3A_2675, %add3A_2676 : i32
    %add3A_2678 = vector.broadcast %add3A_2677 : i32 to vector<576x128xi32>
    %add3A_2679 = arith.addi %iota3A, %add3A_2678 : vector<576x128xi32>
    %lt3A_2680 = arith.cmpf olt, %slice3A_2673, %min3A_2671 : vector<576x128xf32>
    %min3A_2681 = arith.minimumf %slice3A_2673, %min3A_2671 : vector<576x128xf32>
    %select_n3A_2682 = arith.select %lt3A_2680, %add3A_2679, %select_n3A_2672 : vector<576x128xi1>, vector<576x128xi32>
    %slice3A_2683 = vector.extract_strided_slice %dot_general3A_2482 {offsets = [0, 2432], sizes = [576, 128], strides = [1, 1]} : vector<576x4096xf32> to vector<576x128xf32>
    %mul3A_2684 = arith.constant 4096 : i32
    %mul3A_2685 = arith.muli %arg1, %mul3A_2684 : i32
    %add3A_2686 = arith.constant 2432 : i32
    %add3A_2687 = arith.addi %mul3A_2685, %add3A_2686 : i32
    %add3A_2688 = vector.broadcast %add3A_2687 : i32 to vector<576x128xi32>
    %add3A_2689 = arith.addi %iota3A, %add3A_2688 : vector<576x128xi32>
    %lt3A_2690 = arith.cmpf olt, %slice3A_2683, %min3A_2681 : vector<576x128xf32>
    %min3A_2691 = arith.minimumf %slice3A_2683, %min3A_2681 : vector<576x128xf32>
    %select_n3A_2692 = arith.select %lt3A_2690, %add3A_2689, %select_n3A_2682 : vector<576x128xi1>, vector<576x128xi32>
    %slice3A_2693 = vector.extract_strided_slice %dot_general3A_2482 {offsets = [0, 2560], sizes = [576, 128], strides = [1, 1]} : vector<576x4096xf32> to vector<576x128xf32>
    %mul3A_2694 = arith.constant 4096 : i32
    %mul3A_2695 = arith.muli %arg1, %mul3A_2694 : i32
    %add3A_2696 = arith.constant 2560 : i32
    %add3A_2697 = arith.addi %mul3A_2695, %add3A_2696 : i32
    %add3A_2698 = vector.broadcast %add3A_2697 : i32 to vector<576x128xi32>
    %add3A_2699 = arith.addi %iota3A, %add3A_2698 : vector<576x128xi32>
    %lt3A_2700 = arith.cmpf olt, %slice3A_2693, %min3A_2691 : vector<576x128xf32>
    %min3A_2701 = arith.minimumf %slice3A_2693, %min3A_2691 : vector<576x128xf32>
    %select_n3A_2702 = arith.select %lt3A_2700, %add3A_2699, %select_n3A_2692 : vector<576x128xi1>, vector<576x128xi32>
    %slice3A_2703 = vector.extract_strided_slice %dot_general3A_2482 {offsets = [0, 2688], sizes = [576, 128], strides = [1, 1]} : vector<576x4096xf32> to vector<576x128xf32>
    %mul3A_2704 = arith.constant 4096 : i32
    %mul3A_2705 = arith.muli %arg1, %mul3A_2704 : i32
    %add3A_2706 = arith.constant 2688 : i32
    %add3A_2707 = arith.addi %mul3A_2705, %add3A_2706 : i32
    %add3A_2708 = vector.broadcast %add3A_2707 : i32 to vector<576x128xi32>
    %add3A_2709 = arith.addi %iota3A, %add3A_2708 : vector<576x128xi32>
    %lt3A_2710 = arith.cmpf olt, %slice3A_2703, %min3A_2701 : vector<576x128xf32>
    %min3A_2711 = arith.minimumf %slice3A_2703, %min3A_2701 : vector<576x128xf32>
    %select_n3A_2712 = arith.select %lt3A_2710, %add3A_2709, %select_n3A_2702 : vector<576x128xi1>, vector<576x128xi32>
    %slice3A_2713 = vector.extract_strided_slice %dot_general3A_2482 {offsets = [0, 2816], sizes = [576, 128], strides = [1, 1]} : vector<576x4096xf32> to vector<576x128xf32>
    %mul3A_2714 = arith.constant 4096 : i32
    %mul3A_2715 = arith.muli %arg1, %mul3A_2714 : i32
    %add3A_2716 = arith.constant 2816 : i32
    %add3A_2717 = arith.addi %mul3A_2715, %add3A_2716 : i32
    %add3A_2718 = vector.broadcast %add3A_2717 : i32 to vector<576x128xi32>
    %add3A_2719 = arith.addi %iota3A, %add3A_2718 : vector<576x128xi32>
    %lt3A_2720 = arith.cmpf olt, %slice3A_2713, %min3A_2711 : vector<576x128xf32>
    %min3A_2721 = arith.minimumf %slice3A_2713, %min3A_2711 : vector<576x128xf32>
    %select_n3A_2722 = arith.select %lt3A_2720, %add3A_2719, %select_n3A_2712 : vector<576x128xi1>, vector<576x128xi32>
    %slice3A_2723 = vector.extract_strided_slice %dot_general3A_2482 {offsets = [0, 2944], sizes = [576, 128], strides = [1, 1]} : vector<576x4096xf32> to vector<576x128xf32>
    %mul3A_2724 = arith.constant 4096 : i32
    %mul3A_2725 = arith.muli %arg1, %mul3A_2724 : i32
    %add3A_2726 = arith.constant 2944 : i32
    %add3A_2727 = arith.addi %mul3A_2725, %add3A_2726 : i32
    %add3A_2728 = vector.broadcast %add3A_2727 : i32 to vector<576x128xi32>
    %add3A_2729 = arith.addi %iota3A, %add3A_2728 : vector<576x128xi32>
    %lt3A_2730 = arith.cmpf olt, %slice3A_2723, %min3A_2721 : vector<576x128xf32>
    %min3A_2731 = arith.minimumf %slice3A_2723, %min3A_2721 : vector<576x128xf32>
    %select_n3A_2732 = arith.select %lt3A_2730, %add3A_2729, %select_n3A_2722 : vector<576x128xi1>, vector<576x128xi32>
    %slice3A_2733 = vector.extract_strided_slice %dot_general3A_2482 {offsets = [0, 3072], sizes = [576, 128], strides = [1, 1]} : vector<576x4096xf32> to vector<576x128xf32>
    %mul3A_2734 = arith.constant 4096 : i32
    %mul3A_2735 = arith.muli %arg1, %mul3A_2734 : i32
    %add3A_2736 = arith.constant 3072 : i32
    %add3A_2737 = arith.addi %mul3A_2735, %add3A_2736 : i32
    %add3A_2738 = vector.broadcast %add3A_2737 : i32 to vector<576x128xi32>
    %add3A_2739 = arith.addi %iota3A, %add3A_2738 : vector<576x128xi32>
    %lt3A_2740 = arith.cmpf olt, %slice3A_2733, %min3A_2731 : vector<576x128xf32>
    %min3A_2741 = arith.minimumf %slice3A_2733, %min3A_2731 : vector<576x128xf32>
    %select_n3A_2742 = arith.select %lt3A_2740, %add3A_2739, %select_n3A_2732 : vector<576x128xi1>, vector<576x128xi32>
    %slice3A_2743 = vector.extract_strided_slice %dot_general3A_2482 {offsets = [0, 3200], sizes = [576, 128], strides = [1, 1]} : vector<576x4096xf32> to vector<576x128xf32>
    %mul3A_2744 = arith.constant 4096 : i32
    %mul3A_2745 = arith.muli %arg1, %mul3A_2744 : i32
    %add3A_2746 = arith.constant 3200 : i32
    %add3A_2747 = arith.addi %mul3A_2745, %add3A_2746 : i32
    %add3A_2748 = vector.broadcast %add3A_2747 : i32 to vector<576x128xi32>
    %add3A_2749 = arith.addi %iota3A, %add3A_2748 : vector<576x128xi32>
    %lt3A_2750 = arith.cmpf olt, %slice3A_2743, %min3A_2741 : vector<576x128xf32>
    %min3A_2751 = arith.minimumf %slice3A_2743, %min3A_2741 : vector<576x128xf32>
    %select_n3A_2752 = arith.select %lt3A_2750, %add3A_2749, %select_n3A_2742 : vector<576x128xi1>, vector<576x128xi32>
    %slice3A_2753 = vector.extract_strided_slice %dot_general3A_2482 {offsets = [0, 3328], sizes = [576, 128], strides = [1, 1]} : vector<576x4096xf32> to vector<576x128xf32>
    %mul3A_2754 = arith.constant 4096 : i32
    %mul3A_2755 = arith.muli %arg1, %mul3A_2754 : i32
    %add3A_2756 = arith.constant 3328 : i32
    %add3A_2757 = arith.addi %mul3A_2755, %add3A_2756 : i32
    %add3A_2758 = vector.broadcast %add3A_2757 : i32 to vector<576x128xi32>
    %add3A_2759 = arith.addi %iota3A, %add3A_2758 : vector<576x128xi32>
    %lt3A_2760 = arith.cmpf olt, %slice3A_2753, %min3A_2751 : vector<576x128xf32>
    %min3A_2761 = arith.minimumf %slice3A_2753, %min3A_2751 : vector<576x128xf32>
    %select_n3A_2762 = arith.select %lt3A_2760, %add3A_2759, %select_n3A_2752 : vector<576x128xi1>, vector<576x128xi32>
    %slice3A_2763 = vector.extract_strided_slice %dot_general3A_2482 {offsets = [0, 3456], sizes = [576, 128], strides = [1, 1]} : vector<576x4096xf32> to vector<576x128xf32>
    %mul3A_2764 = arith.constant 4096 : i32
    %mul3A_2765 = arith.muli %arg1, %mul3A_2764 : i32
    %add3A_2766 = arith.constant 3456 : i32
    %add3A_2767 = arith.addi %mul3A_2765, %add3A_2766 : i32
    %add3A_2768 = vector.broadcast %add3A_2767 : i32 to vector<576x128xi32>
    %add3A_2769 = arith.addi %iota3A, %add3A_2768 : vector<576x128xi32>
    %lt3A_2770 = arith.cmpf olt, %slice3A_2763, %min3A_2761 : vector<576x128xf32>
    %min3A_2771 = arith.minimumf %slice3A_2763, %min3A_2761 : vector<576x128xf32>
    %select_n3A_2772 = arith.select %lt3A_2770, %add3A_2769, %select_n3A_2762 : vector<576x128xi1>, vector<576x128xi32>
    %slice3A_2773 = vector.extract_strided_slice %dot_general3A_2482 {offsets = [0, 3584], sizes = [576, 128], strides = [1, 1]} : vector<576x4096xf32> to vector<576x128xf32>
    %mul3A_2774 = arith.constant 4096 : i32
    %mul3A_2775 = arith.muli %arg1, %mul3A_2774 : i32
    %add3A_2776 = arith.constant 3584 : i32
    %add3A_2777 = arith.addi %mul3A_2775, %add3A_2776 : i32
    %add3A_2778 = vector.broadcast %add3A_2777 : i32 to vector<576x128xi32>
    %add3A_2779 = arith.addi %iota3A, %add3A_2778 : vector<576x128xi32>
    %lt3A_2780 = arith.cmpf olt, %slice3A_2773, %min3A_2771 : vector<576x128xf32>
    %min3A_2781 = arith.minimumf %slice3A_2773, %min3A_2771 : vector<576x128xf32>
    %select_n3A_2782 = arith.select %lt3A_2780, %add3A_2779, %select_n3A_2772 : vector<576x128xi1>, vector<576x128xi32>
    %slice3A_2783 = vector.extract_strided_slice %dot_general3A_2482 {offsets = [0, 3712], sizes = [576, 128], strides = [1, 1]} : vector<576x4096xf32> to vector<576x128xf32>
    %mul3A_2784 = arith.constant 4096 : i32
    %mul3A_2785 = arith.muli %arg1, %mul3A_2784 : i32
    %add3A_2786 = arith.constant 3712 : i32
    %add3A_2787 = arith.addi %mul3A_2785, %add3A_2786 : i32
    %add3A_2788 = vector.broadcast %add3A_2787 : i32 to vector<576x128xi32>
    %add3A_2789 = arith.addi %iota3A, %add3A_2788 : vector<576x128xi32>
    %lt3A_2790 = arith.cmpf olt, %slice3A_2783, %min3A_2781 : vector<576x128xf32>
    %min3A_2791 = arith.minimumf %slice3A_2783, %min3A_2781 : vector<576x128xf32>
    %select_n3A_2792 = arith.select %lt3A_2790, %add3A_2789, %select_n3A_2782 : vector<576x128xi1>, vector<576x128xi32>
    %slice3A_2793 = vector.extract_strided_slice %dot_general3A_2482 {offsets = [0, 3840], sizes = [576, 128], strides = [1, 1]} : vector<576x4096xf32> to vector<576x128xf32>
    %mul3A_2794 = arith.constant 4096 : i32
    %mul3A_2795 = arith.muli %arg1, %mul3A_2794 : i32
    %add3A_2796 = arith.constant 3840 : i32
    %add3A_2797 = arith.addi %mul3A_2795, %add3A_2796 : i32
    %add3A_2798 = vector.broadcast %add3A_2797 : i32 to vector<576x128xi32>
    %add3A_2799 = arith.addi %iota3A, %add3A_2798 : vector<576x128xi32>
    %lt3A_2800 = arith.cmpf olt, %slice3A_2793, %min3A_2791 : vector<576x128xf32>
    %min3A_2801 = arith.minimumf %slice3A_2793, %min3A_2791 : vector<576x128xf32>
    %select_n3A_2802 = arith.select %lt3A_2800, %add3A_2799, %select_n3A_2792 : vector<576x128xi1>, vector<576x128xi32>
    %slice3A_2803 = vector.extract_strided_slice %dot_general3A_2482 {offsets = [0, 3968], sizes = [576, 128], strides = [1, 1]} : vector<576x4096xf32> to vector<576x128xf32>
    %mul3A_2804 = arith.constant 4096 : i32
    %mul3A_2805 = arith.muli %arg1, %mul3A_2804 : i32
    %add3A_2806 = arith.constant 3968 : i32
    %add3A_2807 = arith.addi %mul3A_2805, %add3A_2806 : i32
    %add3A_2808 = vector.broadcast %add3A_2807 : i32 to vector<576x128xi32>
    %add3A_2809 = arith.addi %iota3A, %add3A_2808 : vector<576x128xi32>
    %lt3A_2810 = arith.cmpf olt, %slice3A_2803, %min3A_2801 : vector<576x128xf32>
    %min3A_2811 = arith.minimumf %slice3A_2803, %min3A_2801 : vector<576x128xf32>
    %select_n3A_2812 = arith.select %lt3A_2810, %add3A_2809, %select_n3A_2802 : vector<576x128xi1>, vector<576x128xi32>
    %swap3A_2813 = arith.constant 7 : index
    %swap3A_2814 = arith.constant 0 : index
    %swap3A_2815 = arith.constant 0 : index
    %swap3A_2816 = vector.load %arg5[%swap3A_2813, %swap3A_2814, %swap3A_2815] : memref<8x576x128xf32, #tpu.memory_space<vmem>>, vector<1x576x128xf32>
    %swap3A_2817 = vector.shape_cast %swap3A_2816 : vector<1x576x128xf32> to vector<576x128xf32>
    %swap3A_2818 = vector.shape_cast %min3A_2811 : vector<576x128xf32> to vector<1x576x128xf32>
    tpu.vector_store %arg5[%swap3A_2813, %swap3A_2814, %swap3A_2815], %swap3A_2818 {strides = array<i32>} : memref<8x576x128xf32, #tpu.memory_space<vmem>>, vector<1x576x128xf32>,
    %swap3A_2819 = arith.constant 7 : index
    %swap3A_2820 = arith.constant 0 : index
    %swap3A_2821 = arith.constant 0 : index
    %swap3A_2822 = vector.load %arg6[%swap3A_2819, %swap3A_2820, %swap3A_2821] : memref<8x576x128xi32, #tpu.memory_space<vmem>>, vector<1x576x128xi32>
    %swap3A_2823 = vector.shape_cast %swap3A_2822 : vector<1x576x128xi32> to vector<576x128xi32>
    %swap3A_2824 = vector.shape_cast %select_n3A_2812 : vector<576x128xi32> to vector<1x576x128xi32>
    tpu.vector_store %arg6[%swap3A_2819, %swap3A_2820, %swap3A_2821], %swap3A_2824 {strides = array<i32>} : memref<8x576x128xi32, #tpu.memory_space<vmem>>, vector<1x576x128xi32>,
    %eq3A_2825 = arith.constant 1 : i32
    %eq3A_2826 = arith.cmpi eq, %arg1, %eq3A_2825 : i32
    %convert_element_type3A_2827 = arith.extui %eq3A_2826 : i1 to i32
    %cond3A_2828 = arith.constant 0 : i32
    %cond3A_2829 = arith.cmpi ne, %convert_element_type3A_2827, %cond3A_2828 : i32
    scf.if %cond3A_2829 {
      %get3A_2830 = arith.constant 0 : index
      %get3A_2831 = arith.constant 0 : index
      %get3A_2832 = arith.constant 0 : index
      %get3A_2833 = vector.load %arg5[%get3A_2830, %get3A_2831, %get3A_2832] : memref<8x576x128xf32, #tpu.memory_space<vmem>>, vector<1x576x128xf32>
      %get3A_2834 = vector.shape_cast %get3A_2833 : vector<1x576x128xf32> to vector<576x128xf32>
      %get3A_2835 = arith.constant 0 : index
      %get3A_2836 = arith.constant 0 : index
      %get3A_2837 = arith.constant 0 : index
      %get3A_2838 = vector.load %arg6[%get3A_2835, %get3A_2836, %get3A_2837] : memref<8x576x128xi32, #tpu.memory_space<vmem>>, vector<1x576x128xi32>
      %get3A_2839 = vector.shape_cast %get3A_2838 : vector<1x576x128xi32> to vector<576x128xi32>
      %reduce_min3A = arith.constant dense<0x7F800000> : vector<576xf32>
      %reduce_min3A_2840 = vector.multi_reduction <minimumf>, %get3A_2834, %reduce_min3A [1] : vector<576x128xf32> to vector<576xf32>
      %broadcast_in_dim3A = vector.shape_cast %reduce_min3A_2840 : vector<576xf32> to vector<576x1xf32>
      %eq3A_2841 = vector.broadcast %broadcast_in_dim3A : vector<576x1xf32> to vector<576x128xf32>
      %eq3A_2842 = arith.cmpf oeq, %get3A_2834, %eq3A_2841 : vector<576x128xf32>
      %jit3A = arith.constant 1073741824 : i32
      %broadcast_in_dim3A_2843 = vector.broadcast %jit3A : i32 to vector<576x128xi32>
      %select_n3A_2844 = arith.select %eq3A_2842, %get3A_2839, %broadcast_in_dim3A_2843 : vector<576x128xi1>, vector<576x128xi32>
      %reduce_min3A_2845 = arith.constant dense<2147483647> : vector<576xi32>
      %reduce_min3A_2846 = vector.multi_reduction <minsi>, %select_n3A_2844, %reduce_min3A_2845 [1] : vector<576x128xi32> to vector<576xi32>
      %broadcast_in_dim3A_2847 = vector.shape_cast %reduce_min3A_2846 : vector<576xi32> to vector<576x1xi32>
      %add3A_2848 = arith.constant 0 : i32
      %add3A_2849 = vector.broadcast %add3A_2848 : i32 to vector<576x1xi32>
      %add3A_2850 = arith.addi %broadcast_in_dim3A_2847, %add3A_2849 : vector<576x1xi32>
      %get3A_2851 = arith.constant 1 : index
      %get3A_2852 = arith.constant 0 : index
      %get3A_2853 = arith.constant 0 : index
      %get3A_2854 = vector.load %arg5[%get3A_2851, %get3A_2852, %get3A_2853] : memref<8x576x128xf32, #tpu.memory_space<vmem>>, vector<1x576x128xf32>
      %get3A_2855 = vector.shape_cast %get3A_2854 : vector<1x576x128xf32> to vector<576x128xf32>
      %get3A_2856 = arith.constant 1 : index
      %get3A_2857 = arith.constant 0 : index
      %get3A_2858 = arith.constant 0 : index
      %get3A_2859 = vector.load %arg6[%get3A_2856, %get3A_2857, %get3A_2858] : memref<8x576x128xi32, #tpu.memory_space<vmem>>, vector<1x576x128xi32>
      %get3A_2860 = vector.shape_cast %get3A_2859 : vector<1x576x128xi32> to vector<576x128xi32>
      %reduce_min3A_2861 = arith.constant dense<0x7F800000> : vector<576xf32>
      %reduce_min3A_2862 = vector.multi_reduction <minimumf>, %get3A_2855, %reduce_min3A_2861 [1] : vector<576x128xf32> to vector<576xf32>
      %broadcast_in_dim3A_2863 = vector.shape_cast %reduce_min3A_2862 : vector<576xf32> to vector<576x1xf32>
      %eq3A_2864 = vector.broadcast %broadcast_in_dim3A_2863 : vector<576x1xf32> to vector<576x128xf32>
      %eq3A_2865 = arith.cmpf oeq, %get3A_2855, %eq3A_2864 : vector<576x128xf32>
      %jit3A_2866 = arith.constant 1073741824 : i32
      %broadcast_in_dim3A_2867 = vector.broadcast %jit3A_2866 : i32 to vector<576x128xi32>
      %select_n3A_2868 = arith.select %eq3A_2865, %get3A_2860, %broadcast_in_dim3A_2867 : vector<576x128xi1>, vector<576x128xi32>
      %reduce_min3A_2869 = arith.constant dense<2147483647> : vector<576xi32>
      %reduce_min3A_2870 = vector.multi_reduction <minsi>, %select_n3A_2868, %reduce_min3A_2869 [1] : vector<576x128xi32> to vector<576xi32>
      %broadcast_in_dim3A_2871 = vector.shape_cast %reduce_min3A_2870 : vector<576xi32> to vector<576x1xi32>
      %add3A_2872 = arith.constant 8192 : i32
      %add3A_2873 = vector.broadcast %add3A_2872 : i32 to vector<576x1xi32>
      %add3A_2874 = arith.addi %broadcast_in_dim3A_2871, %add3A_2873 : vector<576x1xi32>
      %get3A_2875 = arith.constant 2 : index
      %get3A_2876 = arith.constant 0 : index
      %get3A_2877 = arith.constant 0 : index
      %get3A_2878 = vector.load %arg5[%get3A_2875, %get3A_2876, %get3A_2877] : memref<8x576x128xf32, #tpu.memory_space<vmem>>, vector<1x576x128xf32>
      %get3A_2879 = vector.shape_cast %get3A_2878 : vector<1x576x128xf32> to vector<576x128xf32>
      %get3A_2880 = arith.constant 2 : index
      %get3A_2881 = arith.constant 0 : index
      %get3A_2882 = arith.constant 0 : index
      %get3A_2883 = vector.load %arg6[%get3A_2880, %get3A_2881, %get3A_2882] : memref<8x576x128xi32, #tpu.memory_space<vmem>>, vector<1x576x128xi32>
      %get3A_2884 = vector.shape_cast %get3A_2883 : vector<1x576x128xi32> to vector<576x128xi32>
      %reduce_min3A_2885 = arith.constant dense<0x7F800000> : vector<576xf32>
      %reduce_min3A_2886 = vector.multi_reduction <minimumf>, %get3A_2879, %reduce_min3A_2885 [1] : vector<576x128xf32> to vector<576xf32>
      %broadcast_in_dim3A_2887 = vector.shape_cast %reduce_min3A_2886 : vector<576xf32> to vector<576x1xf32>
      %eq3A_2888 = vector.broadcast %broadcast_in_dim3A_2887 : vector<576x1xf32> to vector<576x128xf32>
      %eq3A_2889 = arith.cmpf oeq, %get3A_2879, %eq3A_2888 : vector<576x128xf32>
      %jit3A_2890 = arith.constant 1073741824 : i32
      %broadcast_in_dim3A_2891 = vector.broadcast %jit3A_2890 : i32 to vector<576x128xi32>
      %select_n3A_2892 = arith.select %eq3A_2889, %get3A_2884, %broadcast_in_dim3A_2891 : vector<576x128xi1>, vector<576x128xi32>
      %reduce_min3A_2893 = arith.constant dense<2147483647> : vector<576xi32>
      %reduce_min3A_2894 = vector.multi_reduction <minsi>, %select_n3A_2892, %reduce_min3A_2893 [1] : vector<576x128xi32> to vector<576xi32>
      %broadcast_in_dim3A_2895 = vector.shape_cast %reduce_min3A_2894 : vector<576xi32> to vector<576x1xi32>
      %add3A_2896 = arith.constant 16384 : i32
      %add3A_2897 = vector.broadcast %add3A_2896 : i32 to vector<576x1xi32>
      %add3A_2898 = arith.addi %broadcast_in_dim3A_2895, %add3A_2897 : vector<576x1xi32>
      %get3A_2899 = arith.constant 3 : index
      %get3A_2900 = arith.constant 0 : index
      %get3A_2901 = arith.constant 0 : index
      %get3A_2902 = vector.load %arg5[%get3A_2899, %get3A_2900, %get3A_2901] : memref<8x576x128xf32, #tpu.memory_space<vmem>>, vector<1x576x128xf32>
      %get3A_2903 = vector.shape_cast %get3A_2902 : vector<1x576x128xf32> to vector<576x128xf32>
      %get3A_2904 = arith.constant 3 : index
      %get3A_2905 = arith.constant 0 : index
      %get3A_2906 = arith.constant 0 : index
      %get3A_2907 = vector.load %arg6[%get3A_2904, %get3A_2905, %get3A_2906] : memref<8x576x128xi32, #tpu.memory_space<vmem>>, vector<1x576x128xi32>
      %get3A_2908 = vector.shape_cast %get3A_2907 : vector<1x576x128xi32> to vector<576x128xi32>
      %reduce_min3A_2909 = arith.constant dense<0x7F800000> : vector<576xf32>
      %reduce_min3A_2910 = vector.multi_reduction <minimumf>, %get3A_2903, %reduce_min3A_2909 [1] : vector<576x128xf32> to vector<576xf32>
      %broadcast_in_dim3A_2911 = vector.shape_cast %reduce_min3A_2910 : vector<576xf32> to vector<576x1xf32>
      %eq3A_2912 = vector.broadcast %broadcast_in_dim3A_2911 : vector<576x1xf32> to vector<576x128xf32>
      %eq3A_2913 = arith.cmpf oeq, %get3A_2903, %eq3A_2912 : vector<576x128xf32>
      %jit3A_2914 = arith.constant 1073741824 : i32
      %broadcast_in_dim3A_2915 = vector.broadcast %jit3A_2914 : i32 to vector<576x128xi32>
      %select_n3A_2916 = arith.select %eq3A_2913, %get3A_2908, %broadcast_in_dim3A_2915 : vector<576x128xi1>, vector<576x128xi32>
      %reduce_min3A_2917 = arith.constant dense<2147483647> : vector<576xi32>
      %reduce_min3A_2918 = vector.multi_reduction <minsi>, %select_n3A_2916, %reduce_min3A_2917 [1] : vector<576x128xi32> to vector<576xi32>
      %broadcast_in_dim3A_2919 = vector.shape_cast %reduce_min3A_2918 : vector<576xi32> to vector<576x1xi32>
      %add3A_2920 = arith.constant 24576 : i32
      %add3A_2921 = vector.broadcast %add3A_2920 : i32 to vector<576x1xi32>
      %add3A_2922 = arith.addi %broadcast_in_dim3A_2919, %add3A_2921 : vector<576x1xi32>
      %get3A_2923 = arith.constant 4 : index
      %get3A_2924 = arith.constant 0 : index
      %get3A_2925 = arith.constant 0 : index
      %get3A_2926 = vector.load %arg5[%get3A_2923, %get3A_2924, %get3A_2925] : memref<8x576x128xf32, #tpu.memory_space<vmem>>, vector<1x576x128xf32>
      %get3A_2927 = vector.shape_cast %get3A_2926 : vector<1x576x128xf32> to vector<576x128xf32>
      %get3A_2928 = arith.constant 4 : index
      %get3A_2929 = arith.constant 0 : index
      %get3A_2930 = arith.constant 0 : index
      %get3A_2931 = vector.load %arg6[%get3A_2928, %get3A_2929, %get3A_2930] : memref<8x576x128xi32, #tpu.memory_space<vmem>>, vector<1x576x128xi32>
      %get3A_2932 = vector.shape_cast %get3A_2931 : vector<1x576x128xi32> to vector<576x128xi32>
      %reduce_min3A_2933 = arith.constant dense<0x7F800000> : vector<576xf32>
      %reduce_min3A_2934 = vector.multi_reduction <minimumf>, %get3A_2927, %reduce_min3A_2933 [1] : vector<576x128xf32> to vector<576xf32>
      %broadcast_in_dim3A_2935 = vector.shape_cast %reduce_min3A_2934 : vector<576xf32> to vector<576x1xf32>
      %eq3A_2936 = vector.broadcast %broadcast_in_dim3A_2935 : vector<576x1xf32> to vector<576x128xf32>
      %eq3A_2937 = arith.cmpf oeq, %get3A_2927, %eq3A_2936 : vector<576x128xf32>
      %jit3A_2938 = arith.constant 1073741824 : i32
      %broadcast_in_dim3A_2939 = vector.broadcast %jit3A_2938 : i32 to vector<576x128xi32>
      %select_n3A_2940 = arith.select %eq3A_2937, %get3A_2932, %broadcast_in_dim3A_2939 : vector<576x128xi1>, vector<576x128xi32>
      %reduce_min3A_2941 = arith.constant dense<2147483647> : vector<576xi32>
      %reduce_min3A_2942 = vector.multi_reduction <minsi>, %select_n3A_2940, %reduce_min3A_2941 [1] : vector<576x128xi32> to vector<576xi32>
      %broadcast_in_dim3A_2943 = vector.shape_cast %reduce_min3A_2942 : vector<576xi32> to vector<576x1xi32>
      %add3A_2944 = arith.constant 32768 : i32
      %add3A_2945 = vector.broadcast %add3A_2944 : i32 to vector<576x1xi32>
      %add3A_2946 = arith.addi %broadcast_in_dim3A_2943, %add3A_2945 : vector<576x1xi32>
      %get3A_2947 = arith.constant 5 : index
      %get3A_2948 = arith.constant 0 : index
      %get3A_2949 = arith.constant 0 : index
      %get3A_2950 = vector.load %arg5[%get3A_2947, %get3A_2948, %get3A_2949] : memref<8x576x128xf32, #tpu.memory_space<vmem>>, vector<1x576x128xf32>
      %get3A_2951 = vector.shape_cast %get3A_2950 : vector<1x576x128xf32> to vector<576x128xf32>
      %get3A_2952 = arith.constant 5 : index
      %get3A_2953 = arith.constant 0 : index
      %get3A_2954 = arith.constant 0 : index
      %get3A_2955 = vector.load %arg6[%get3A_2952, %get3A_2953, %get3A_2954] : memref<8x576x128xi32, #tpu.memory_space<vmem>>, vector<1x576x128xi32>
      %get3A_2956 = vector.shape_cast %get3A_2955 : vector<1x576x128xi32> to vector<576x128xi32>
      %reduce_min3A_2957 = arith.constant dense<0x7F800000> : vector<576xf32>
      %reduce_min3A_2958 = vector.multi_reduction <minimumf>, %get3A_2951, %reduce_min3A_2957 [1] : vector<576x128xf32> to vector<576xf32>
      %broadcast_in_dim3A_2959 = vector.shape_cast %reduce_min3A_2958 : vector<576xf32> to vector<576x1xf32>
      %eq3A_2960 = vector.broadcast %broadcast_in_dim3A_2959 : vector<576x1xf32> to vector<576x128xf32>
      %eq3A_2961 = arith.cmpf oeq, %get3A_2951, %eq3A_2960 : vector<576x128xf32>
      %jit3A_2962 = arith.constant 1073741824 : i32
      %broadcast_in_dim3A_2963 = vector.broadcast %jit3A_2962 : i32 to vector<576x128xi32>
      %select_n3A_2964 = arith.select %eq3A_2961, %get3A_2956, %broadcast_in_dim3A_2963 : vector<576x128xi1>, vector<576x128xi32>
      %reduce_min3A_2965 = arith.constant dense<2147483647> : vector<576xi32>
      %reduce_min3A_2966 = vector.multi_reduction <minsi>, %select_n3A_2964, %reduce_min3A_2965 [1] : vector<576x128xi32> to vector<576xi32>
      %broadcast_in_dim3A_2967 = vector.shape_cast %reduce_min3A_2966 : vector<576xi32> to vector<576x1xi32>
      %add3A_2968 = arith.constant 40960 : i32
      %add3A_2969 = vector.broadcast %add3A_2968 : i32 to vector<576x1xi32>
      %add3A_2970 = arith.addi %broadcast_in_dim3A_2967, %add3A_2969 : vector<576x1xi32>
      %get3A_2971 = arith.constant 6 : index
      %get3A_2972 = arith.constant 0 : index
      %get3A_2973 = arith.constant 0 : index
      %get3A_2974 = vector.load %arg5[%get3A_2971, %get3A_2972, %get3A_2973] : memref<8x576x128xf32, #tpu.memory_space<vmem>>, vector<1x576x128xf32>
      %get3A_2975 = vector.shape_cast %get3A_2974 : vector<1x576x128xf32> to vector<576x128xf32>
      %get3A_2976 = arith.constant 6 : index
      %get3A_2977 = arith.constant 0 : index
      %get3A_2978 = arith.constant 0 : index
      %get3A_2979 = vector.load %arg6[%get3A_2976, %get3A_2977, %get3A_2978] : memref<8x576x128xi32, #tpu.memory_space<vmem>>, vector<1x576x128xi32>
      %get3A_2980 = vector.shape_cast %get3A_2979 : vector<1x576x128xi32> to vector<576x128xi32>
      %reduce_min3A_2981 = arith.constant dense<0x7F800000> : vector<576xf32>
      %reduce_min3A_2982 = vector.multi_reduction <minimumf>, %get3A_2975, %reduce_min3A_2981 [1] : vector<576x128xf32> to vector<576xf32>
      %broadcast_in_dim3A_2983 = vector.shape_cast %reduce_min3A_2982 : vector<576xf32> to vector<576x1xf32>
      %eq3A_2984 = vector.broadcast %broadcast_in_dim3A_2983 : vector<576x1xf32> to vector<576x128xf32>
      %eq3A_2985 = arith.cmpf oeq, %get3A_2975, %eq3A_2984 : vector<576x128xf32>
      %jit3A_2986 = arith.constant 1073741824 : i32
      %broadcast_in_dim3A_2987 = vector.broadcast %jit3A_2986 : i32 to vector<576x128xi32>
      %select_n3A_2988 = arith.select %eq3A_2985, %get3A_2980, %broadcast_in_dim3A_2987 : vector<576x128xi1>, vector<576x128xi32>
      %reduce_min3A_2989 = arith.constant dense<2147483647> : vector<576xi32>
      %reduce_min3A_2990 = vector.multi_reduction <minsi>, %select_n3A_2988, %reduce_min3A_2989 [1] : vector<576x128xi32> to vector<576xi32>
      %broadcast_in_dim3A_2991 = vector.shape_cast %reduce_min3A_2990 : vector<576xi32> to vector<576x1xi32>
      %add3A_2992 = arith.constant 49152 : i32
      %add3A_2993 = vector.broadcast %add3A_2992 : i32 to vector<576x1xi32>
      %add3A_2994 = arith.addi %broadcast_in_dim3A_2991, %add3A_2993 : vector<576x1xi32>
      %get3A_2995 = arith.constant 7 : index
      %get3A_2996 = arith.constant 0 : index
      %get3A_2997 = arith.constant 0 : index
      %get3A_2998 = vector.load %arg5[%get3A_2995, %get3A_2996, %get3A_2997] : memref<8x576x128xf32, #tpu.memory_space<vmem>>, vector<1x576x128xf32>
      %get3A_2999 = vector.shape_cast %get3A_2998 : vector<1x576x128xf32> to vector<576x128xf32>
      %get3A_3000 = arith.constant 7 : index
      %get3A_3001 = arith.constant 0 : index
      %get3A_3002 = arith.constant 0 : index
      %get3A_3003 = vector.load %arg6[%get3A_3000, %get3A_3001, %get3A_3002] : memref<8x576x128xi32, #tpu.memory_space<vmem>>, vector<1x576x128xi32>
      %get3A_3004 = vector.shape_cast %get3A_3003 : vector<1x576x128xi32> to vector<576x128xi32>
      %reduce_min3A_3005 = arith.constant dense<0x7F800000> : vector<576xf32>
      %reduce_min3A_3006 = vector.multi_reduction <minimumf>, %get3A_2999, %reduce_min3A_3005 [1] : vector<576x128xf32> to vector<576xf32>
      %broadcast_in_dim3A_3007 = vector.shape_cast %reduce_min3A_3006 : vector<576xf32> to vector<576x1xf32>
      %eq3A_3008 = vector.broadcast %broadcast_in_dim3A_3007 : vector<576x1xf32> to vector<576x128xf32>
      %eq3A_3009 = arith.cmpf oeq, %get3A_2999, %eq3A_3008 : vector<576x128xf32>
      %jit3A_3010 = arith.constant 1073741824 : i32
      %broadcast_in_dim3A_3011 = vector.broadcast %jit3A_3010 : i32 to vector<576x128xi32>
      %select_n3A_3012 = arith.select %eq3A_3009, %get3A_3004, %broadcast_in_dim3A_3011 : vector<576x128xi1>, vector<576x128xi32>
      %reduce_min3A_3013 = arith.constant dense<2147483647> : vector<576xi32>
      %reduce_min3A_3014 = vector.multi_reduction <minsi>, %select_n3A_3012, %reduce_min3A_3013 [1] : vector<576x128xi32> to vector<576xi32>
      %broadcast_in_dim3A_3015 = vector.shape_cast %reduce_min3A_3014 : vector<576xi32> to vector<576x1xi32>
      %add3A_3016 = arith.constant 57344 : i32
      %add3A_3017 = vector.broadcast %add3A_3016 : i32 to vector<576x1xi32>
      %add3A_3018 = arith.addi %broadcast_in_dim3A_3015, %add3A_3017 : vector<576x1xi32>
      %concatenate3A = tpu.concatenate %add3A_2850, %add3A_2874, %add3A_2898, %add3A_2922, %add3A_2946, %add3A_2970, %add3A_2994, %add3A_3018 in 1 : vector<576x1xi32>, vector<576x1xi32>, vector<576x1xi32>, vector<576x1xi32>, vector<576x1xi32>, vector<576x1xi32>, vector<576x1xi32>, vector<576x1xi32> -> vector<576x8xi32>
      %swap3A_3019 = arith.constant 0 : index
      %swap3A_3020 = arith.constant 0 : index
      %swap3A_3021 = arith.constant 0 : index
      %swap3A_3022 = vector.load %arg4[%swap3A_3019, %swap3A_3020, %swap3A_3021] : memref<1x576x8xi32, #tpu.memory_space<vmem>>, vector<1x576x8xi32>
      %swap3A_3023 = vector.shape_cast %swap3A_3022 : vector<1x576x8xi32> to vector<576x8xi32>
      %swap3A_3024 = vector.shape_cast %concatenate3A : vector<576x8xi32> to vector<1x576x8xi32>
      tpu.vector_store %arg4[%swap3A_3019, %swap3A_3020, %swap3A_3021], %swap3A_3024 {strides = array<i32>} : memref<1x576x8xi32, #tpu.memory_space<vmem>>, vector<1x576x8xi32>,
    } else {
    }
    return
  }
  func.func @transform_0(%arg0: i32, %arg1: i32) -> (i32, i32, i32) {
    %c0_i32 = arith.constant 0 : i32
    %c0_i32_0 = arith.constant 0 : i32
    %c0_i32_1 = arith.constant 0 : i32
    return %arg0, %c0_i32, %c0_i32_0 : i32, i32, i32
  }
  func.func @transform_1(%arg0: i32, %arg1: i32) -> (i32, i32, i32) {
    %c0_i32 = arith.constant 0 : i32
    %c0_i32_0 = arith.constant 0 : i32
    %c0_i32_1 = arith.constant 0 : i32
    return %c0_i32, %arg1, %c0_i32_0 : i32, i32, i32
  }
  func.func @transform_2(%arg0: i32, %arg1: i32) -> (i32, i32, i32) {
    %c0_i32 = arith.constant 0 : i32
    %c0_i32_0 = arith.constant 0 : i32
    %c0_i32_1 = arith.constant 0 : i32
    return %arg0, %c0_i32, %c0_i32_0 : i32, i32, i32
  }
}

</mosaic_0001>

<sc_bundles>
// kernel: kernel.5.cloned.1.call-start
scs
__scs_entry_jumppad:
0x0: {  	(pc) =	sbr.rel $0x88, $3  }
0x1: {  	(tag) =	ssettag $0x0;
	lr =	simm.s32 $0x1  }
0x2: {  	[smem:$0x3F9E] =	sst lr;
	_ =	strace $0xD0000000  }
0x3: {  	_ = 	snop  }
0x4: {  	_ = 	snop  }
0x5: {  	_ = 	snop  }
0x6: {  	_ = 	snop  }
0x7: {  	_ = 	snop  }
__scs_overlays_trampoline_lowered:
0x8: {  	[smem:$0x3FAD] =	sst s0  }
0x9: {  	[smem:$0x3FAE] =	sst s1  }
0xa: {  	[smem:$0x3FAF] =	sst s2  }
0xb: {  	[smem:$0x3FB0] =	sst s3  }
0xc: {  	[smem:$0x3FB1] =	sst s4  }
0xd: {  	[smem:$0x3FB2] =	sst s5  }
0xe: {  	[smem:$0x3FB3] =	sst s6  }
0xf: {  	[smem:$0x3FB4] =	sst s7  }
0x10: {  	[smem:$0x3FB5] =	sst s8  }
0x11: {  	[smem:$0x3FB6] =	sst s9;
	s0 =	simm.s32 @!p0 $0x0  }
0x12: {  	s1 =	sld [smem:$0x3F9C];
	s0 =	simm.s32 @p0 $0x1  }
0x13: {  	[smem:$0x3FB7] =	sst s0;
	s0 =	simm.s32 @!p1 $0x0  }
0x14: {  	s2 =	sld [smem:$0x3F9B];
	s0 =	simm.s32 @p1 $0x1  }
0x15: {  	[smem:$0x3FB8] =	sst s0;
	s0 =	simm.s32 @!p2 $0x0  }
0x16: {  	s3 =	sld [smem:$0x3FDB];
	s0 =	simm.s32 @p2 $0x1  }
0x17: {  	s4 =	simm.s32 $0x1BF5;
	[smem:$0x3FBA] =	sst s0  }
0x18: {  	s0 =	sld [smem:$0x3F9D];
	_ =	swait.ge [sflag:s4], $0x0  }
0x19: {  	s7 =	sld [smem:$0x3F9E]  }
0x1a: {  	s8 =	sadd.s32 $0xFFFFE003, lr  }
0x1b: {  	s9 =	sadd.s32 $0xFFFFFEF7, lr;
	s5 =	simm.s32 $0xFFFFFFFF;
	p2 =	slt.u32 s8, $0xFFFFF086  }
0x1c: {  	p1 =	slt.u32 s9, $0xF7A;
	s5 =	simm.s32 @!p2 $0x0  }
0x1d: {  	s5 =	simm.s32 @p1 $0x1;
	p0 =	seq.s32 s7, s2  }
0x1e: {  	s7 =	smul.u32 @!p0 $0xF7A, s2;
	p2 =	seq.s32 @!p0 s5, $0x0  }
0x1f: {  	s9 =	smul.u32 $0xF7A, s1;
	s8 =	simm.s32 @!p0 $0x1BF5;
	p2 =	por !p2, p0  }
0x20: {  	[sflag:s8] =	ssyncset.s32 @!p0 $0xFFFFF086;
	s6 =	sadd.s32 @!p0 s3, s7;
	s7 =	simm.s32 @!p0 $0x108  }
0x21: {  	s3 =	sadd.s32 s3, s9;
	s6 =	sadd.s32 @!p0 $0x88, s6;
	s7 =	simm.s32 @p2 $0x1082  }
0x22: {  	[simem:s7], [sflag:s8] =	dma.local @!p0 [hbm:s6], $0xF7A  }
0x23: {  	s9 =	sor.u32 $0xD0000000, s2;
	s6 =	simm.s32 $0x108;
	_ =	swait.ge @!p0 [sflag:s8], $0x0  }
0x24: {  	s3 =	sadd.s32 $0x88, s3;
	s6 =	simm.s32 @!p1 $0x1082;
	[sflag:s4] =	ssyncset.s32 $0xFFFFF086  }
0x25: {  	[simem:s6], [sflag:s4] =	dma.local [hbm:s3], $0xF7A  }
0x26: {  	[smem:$0x3F9E] =	sst s1;
	(tag) =	ssettag s2;
	_ =	strace s9  }
0x27: {  	s1 =	sld [smem:$0x3FAE]  }
0x28: {  	s2 =	sld [smem:$0x3FAF]  }
0x29: {  	s4 =	sld [smem:$0x3FB1]  }
0x2a: {  	p0 =	seq.s32 s5, $0x0;
	s5 =	sld [smem:$0x3FB2]  }
0x2b: {  	s6 =	sld [smem:$0x3FB3]  }
0x2c: {  	s7 =	sld [smem:$0x3FB4]  }
0x2d: {  	s3 =	simm.s32 $0x108;
	s8 =	sld [smem:$0x3FB5]  }
0x2e: {  	s3 =	simm.s32 @!p0 $0x1082;
	s9 =	sld [smem:$0x3FB6]  }
0x2f: {  	lr =	sadd.s32 s0, s3;
	s0 =	sld [smem:$0x3FAD]  }
0x30: {  	s3 =	sld [smem:$0x3FB0]  }
0x31: {  	[smem:$0x3FB9] =	sst s10  }
0x32: {  	s10 =	sld [smem:$0x3FB7];
	_ =	sdelay $0x3  }
0x33: {  	p0 =	seq.s32 s10, $0x1;
	s10 =	sld [smem:$0x3FB9];
	_ =	sdelay $0x3  }
0x34: {  	[smem:$0x3FB9] =	sst s10  }
0x35: {  	s10 =	sld [smem:$0x3FB8];
	_ =	sdelay $0x3  }
0x36: {  	p1 =	seq.s32 s10, $0x1;
	s10 =	sld [smem:$0x3FB9];
	_ =	sdelay $0x3  }
0x37: {  	[smem:$0x3FB9] =	sst s10  }
0x38: {  	s10 =	sld [smem:$0x3FBA]  }
0x39: {  	_ = 	snop;
	(pc) =	sbr.ind lr, $3  }
0x3a: {  	_ = 	snop  }
0x3b: {  	_ = 	snop  }
0x3c: {  	p2 =	seq.s32 s10, $0x1;
	s10 =	sld [smem:$0x3FB9]  }
0x3d: {  	_ =	shalt  }
0x3e: {  	_ =	shalt  }
0x3f: {  	_ =	shalt  }
0x40: {  	_ =	shalt  }
0x41: {  	_ =	shalt  }
0x42: {  	_ =	shalt  }
0x43: {  	_ =	shalt  }
0x44: {  	_ =	shalt  }
0x45: {  	_ =	shalt  }
0x46: {  	_ =	shalt  }
0x47: {  	_ =	shalt  }
0x48: {  	_ =	shalt  }
0x49: {  	_ =	shalt  }
0x4a: {  	_ =	shalt  }
0x4b: {  	_ =	shalt  }
0x4c: {  	_ =	shalt  }
0x4d: {  	_ =	shalt  }
0x4e: {  	_ =	shalt  }
0x4f: {  	_ =	shalt  }
0x50: {  	_ =	shalt  }
0x51: {  	_ =	shalt  }
0x52: {  	_ =	shalt  }
0x53: {  	_ =	shalt  }
0x54: {  	_ =	shalt  }
0x55: {  	_ =	shalt  }
0x56: {  	_ =	shalt  }
0x57: {  	_ =	shalt  }
0x58: {  	_ =	shalt  }
0x59: {  	_ =	shalt  }
0x5a: {  	_ =	shalt  }
0x5b: {  	_ =	shalt  }
0x5c: {  	_ =	shalt  }
0x5d: {  	_ =	shalt  }
0x5e: {  	_ =	shalt  }
0x5f: {  	_ =	shalt  }
0x60: {  	_ =	shalt  }
0x61: {  	_ =	shalt  }
0x62: {  	_ =	shalt  }
0x63: {  	_ =	shalt  }
0x64: {  	_ =	shalt  }
0x65: {  	_ =	shalt  }
0x66: {  	_ =	shalt  }
0x67: {  	_ =	shalt  }
0x68: {  	_ =	shalt  }
0x69: {  	_ =	shalt  }
0x6a: {  	_ =	shalt  }
0x6b: {  	_ =	shalt  }
0x6c: {  	_ =	shalt  }
0x6d: {  	_ =	shalt  }
0x6e: {  	_ =	shalt  }
0x6f: {  	_ =	shalt  }
0x70: {  	_ =	shalt  }
0x71: {  	_ =	shalt  }
0x72: {  	_ =	shalt  }
0x73: {  	_ =	shalt  }
0x74: {  	_ =	shalt  }
0x75: {  	_ =	shalt  }
0x76: {  	_ =	shalt  }
0x77: {  	_ =	shalt  }
0x78: {  	_ =	shalt  }
0x79: {  	_ =	shalt  }
0x7a: {  	_ =	shalt  }
0x7b: {  	_ =	shalt  }
0x7c: {  	_ =	shalt  }
0x7d: {  	_ =	shalt  }
0x7e: {  	_ =	shalt  }
0x7f: {  	_ =	shalt  }
0x80: {  	_ =	shalt  }
0x81: {  	_ =	shalt  }
0x82: {  	_ =	shalt  }
0x83: {  	_ =	shalt  }
0x84: {  	_ =	shalt  }
0x85: {  	_ =	shalt  }
0x86: {  	_ =	shalt  }
0x87: {  	_ =	shalt  }
.Lfunc_end0:
.L_simem_size_0:
called_computation_lowered:
.L_overlay_start_0:
0x88: {  	s2 =	sld [smem:$0x3FD9]  }
0x89: {  	s3 =	sld [smem:$0x3FFE];
	_ =	sdelay $0x1  }
0x8a: {  	s1 =	srdreg.scid  }
0x8b: {  	s0 =	sand.u32 $0x1, s1  }
0x8c: {  	s17 =	sshll.u32 s0, $0xA;
	s2 =	sadd.s32 s3, s2  }
0x8d: {  	s2 =	sadd.s32 s2, s17  }
0x8e: {  	[smem:$0x3FC5] =	sst s2  }
0x8f: {  	_ = 	snop  }
0x90: {  	s2 =	sld [smem:$0x3FD0];
	(tm) =	ssettm $0x1  }
0x91: {  	s18 =	sld [smem:$0x3FFB];
	_ =	sdelay $0x3  }
0x92: {  	_ =	strace s18  }
0x93: {  	s3 =	sld [smem:$0x3FFC];
	_ =	sdelay $0x3  }
0x94: {  	_ =	strace s3  }
0x95: {  	s3 =	sld [smem:$0x3FFD];
	_ =	sdelay $0x3  }
0x96: {  	_ =	strace s3  }
0x97: {  	_ =	strace $0x8FFFFFFF  }
0x98: {  	s19 =	sld [smem:$0x3FDB];
	_ =	sdelay $0x1  }
0x99: {  	s4 =	simm.s32 $_scs_section_size  }
0x9a: {  	s5 =	simm.s32 $_size__tile_overlayer_lowered;
	s6 =	simm.s32 $_tile_overlayer_lowered  }
0x9b: {  	s22 =	simm.s32 $0x1BFF;
	s21 =	sshll.u32 s6, $0x1;
	s3 =	sadd.s32 s4, s19  }
0x9c: {  	s7 =	simm.s32 $0x0;
	s20 =	sshll.u32 s5, $0x1;
	s5 =	sadd.s32 s21, s3  }
0x9d: {  	[timem:s7], [sflag:s22] =	dma.local [hbm:s5], s20  }
0x9e: {  	_ =	swait.ge [sflag:s22], s20  }
0x9f: {  	s4 =	ssub.s32 $0x0, s20;
	[sflag:s22] =	ssyncset.done $0x0  }
0xa0: {  	[sflag:s22] =	ssyncadd.s32 s4;
	_ =	sdelay $0x1  }
0xa1: {  	s23 =	simm.s32 $0x1B8B  }
0xa2: {  	_ =	swait.ge [sflag:s23], $0x1  }
0xa3: {  	[sflag:s23] =	ssyncset.done $0x0  }
0xa4: {  	s25 =	simm.s32 $0x1B8E;
	s24 =	sld [smem:$0x3FFE];
	[sflag:s23] =	ssyncadd.s32 $0xFFFFFFFF  }
0xa5: {  	s26 =	simm.s32 $execute0_lowered;
	[smem:$0x3FD2] =	sst s25  }
0xa6: {  	s5 =	sshll.u32 s26, $0x1;
	_ =	strace $0x80000046;
	[dreg:$0x1] =	wrdreg $0xFFFFFFFF  }
0xa7: {  	s28 =	simm.s32 $_size_execute0_lowered;
	s3 =	sadd.s32 s3, s5;
	[dreg:$0x0] =	wrdreg $0x0  }
0xa8: {  	s5 =	sshll.u32 s28, $0x1;
	[dreg:$0x2] =	wrdreg s3  }
0xa9: {  	[dreg:$0x3] =	wrdreg s5  }
0xaa: {  	[dreg:$0x4] =	wrdreg $0xC0  }
0xab: {  	_ =	task [dreg:s7], $0x5FFFF  }
0xac: {  	[dreg:$0x1] =	wrdreg $0xFFFFFFFF  }
0xad: {  	[dreg:$0x0] =	wrdreg $0x60  }
0xae: {  	[dreg:$0x2] =	wrdreg s24  }
0xaf: {  	[dreg:$0x3] =	wrdreg s2  }
0xb0: {  	[dreg:$0x4] =	wrdreg $0x9  }
0xb1: {  	_ =	task.clear_ibuf [dreg:s7], $0x5FFFF;
	_ =	strace $0x90000046  }
0xb2: {  	s29 =	simm.s32 $0x9;
	_ =	strace $0x80000048  }
0xb3: {  	_ =	swait.ge [sflag:s29], $0x1  }
0xb4: {  	[sflag:s29] =	ssyncadd.s32 $0xFFFFFFFF  }
0xb5: {  	_ =	strace $0x90000048  }
0xb6: {  	_ =	sfence  }
0xb7: {  	s30 =	sld [smem:$0x0];
	_ =	sdelay $0x2  }
0xb8: {  	s31 =	sshll.u32 s1, $0xD;
	s1 =	sshrl.u32 s1, $0x2  }
0xb9: {  	s3 =	sand.u32 $0x4000, s31;
	s1 =	sadd.s32 s1, s30  }
0xba: {  	s0 =	sor.u32 s3, s0;
	s1 =	sshll.u32 s1, $0x11  }
0xbb: {  	s0 =	sor.u32 s1, s0  }
0xbc: {  	s0 =	sadd.s32 $0x8F2B, s0  }
0xbd: {  	[sflag:s0] =	ssyncadd.remote.s32 $0x1  }
0xbe: {  	_ =	sfence.sel $0xFFFF  }
0xbf: {  	[dreg:$0x0] =	wrdreg $0xFFFFFFFF;
	(pc) =	sbr.abs _section_cstart, $3  }
0xc0: {  	[dreg:$0x1] =	wrdreg $0xFFFFFFFF  }
0xc1: {  	_ =	task.clear_ibuf [dreg:s7], $0x2FFFF;
	_ =	strace $0x9FFFFFFF  }
0xc2: {  	(tm) =	ssettm $0x7FFFFFFF  }
0xc3: {  	_ =	shalt  }
tec
execute0_lowered:
.L_overlay_start_1:
0x0: {  	(tag) =	ssettag $0x1  }
0x1: {  	s1 =	srdreg.scid;
	s0 =	stileid.u32  }
0x2: {  	s24 =	rddreg [dreg:$0x0];
	s25 =	sand.u32 $0x1, s1;
	s31 =	sshll.u32 s0, $0x1  }
0x3: {  	s3 =	rddreg [dreg:$0x1];
	s26 =	sor.u32 s25, s31  }
0x4: {  	s2 =	simm.s32 $0x0;
	s1 =	rddreg [dreg:$0x2];
	s4 =	smul.u32 $0x90, s26  }
0x5: {  	[smem:$0x7FF] =	sst s2  }
0x6: {  	_ =	strace $0x80000047;
	s4 =	sadd.s32 s3, s4;
	s3 =	simm.s32 $0x2  }
0x7: {  	[tilespmem:s2], [sflag:$0x2] =	stream.linear.gather [hbm4b:s4+s2], $0x480, $0x38;
	[tilespmem:$0x1B480] =	vst v63  }
0x8: {  	_ =	swait.ge [sflag:s3], $0x480  }
0x9: {  	s6 =	simm.s32 $0x80;
	[sflag:s3] =	ssyncset.done $0x0  }
0xa: {  	s7 =	simm.s32 $0x480;
	s5 =	sadd.s32 $0x100800, s24;
	[sflag:s3] =	ssyncadd.s32 $0xFFFFFB80  }
0xb: {  	[tilespmem:s7], [sflag:$0x1] =	stream.indirect.gather [hbm4b:s5+s6], $0x60, s2, s6, $0xb8;
	[tilespmem:$0x1B480] =	vst v63  }
0xc: {  	s8 =	simm.s32 $0x3480  }
0xd: {  	[tilespmem:s8], [sflag:$0x1] =	stream.indirect.gather [hbm4b:s5+s6], $0x60, s6, s6, $0xb8;
	[tilespmem:$0x1B480] =	vst v63  }
0xe: {  	s9 =	simm.s32 $0x100;
	s10 =	simm.s32 $0x6480  }
0xf: {  	[tilespmem:s10], [sflag:$0x1] =	stream.indirect.gather [hbm4b:s5+s6], $0x60, s9, s6, $0xb8;
	[tilespmem:$0x1B480] =	vst v63  }
0x10: {  	s11 =	simm.s32 $0x180;
	s12 =	simm.s32 $0x9480  }
0x11: {  	[tilespmem:s12], [sflag:$0x1] =	stream.indirect.gather [hbm4b:s5+s6], $0x60, s11, s6, $0xb8;
	[tilespmem:$0x1B480] =	vst v63  }
0x12: {  	s13 =	simm.s32 $0x200;
	s14 =	simm.s32 $0xC480  }
0x13: {  	[tilespmem:s14], [sflag:$0x1] =	stream.indirect.gather [hbm4b:s5+s6], $0x60, s13, s6, $0xb8;
	[tilespmem:$0x1B480] =	vst v63  }
0x14: {  	s15 =	simm.s32 $0x280;
	s16 =	simm.s32 $0xF480  }
0x15: {  	[tilespmem:s16], [sflag:$0x1] =	stream.indirect.gather [hbm4b:s5+s6], $0x60, s15, s6, $0xb8;
	[tilespmem:$0x1B480] =	vst v63  }
0x16: {  	s17 =	simm.s32 $0x300;
	s18 =	simm.s32 $0x12480  }
0x17: {  	[tilespmem:s18], [sflag:$0x1] =	stream.indirect.gather [hbm4b:s5+s6], $0x60, s17, s6, $0xb8;
	[tilespmem:$0x1B480] =	vst v63  }
0x18: {  	s19 =	simm.s32 $0x380;
	s20 =	simm.s32 $0x15480  }
0x19: {  	[tilespmem:s20], [sflag:$0x1] =	stream.indirect.gather [hbm4b:s5+s6], $0x60, s19, s6, $0xb8;
	[tilespmem:$0x1B480] =	vst v63  }
0x1a: {  	s21 =	simm.s32 $0x400;
	s22 =	simm.s32 $0x18480;
	s23 =	simm.s32 $0x1  }
0x1b: {  	[tilespmem:s22], [sflag:$0x1] =	stream.indirect.gather [hbm4b:s5+s6], $0x60, s21, s6, $0xb8;
	[tilespmem:$0x1B480] =	vst v63  }
0x1c: {  	_ =	swait.ge [sflag:s23], $0x3000  }
0x1d: {  	[sflag:s23] =	ssyncset.done $0x0  }
0x1e: {  	[sflag:s23] =	ssyncadd.s32 $0xFFFFD000  }
0x1f: {  	_ =	swait.ge [sflag:s23], $0x3000  }
0x20: {  	[sflag:s23] =	ssyncset.done $0x0  }
0x21: {  	[sflag:s23] =	ssyncadd.s32 $0xFFFFD000  }
0x22: {  	_ =	swait.ge [sflag:s23], $0x3000  }
0x23: {  	[sflag:s23] =	ssyncset.done $0x0  }
0x24: {  	[sflag:s23] =	ssyncadd.s32 $0xFFFFD000  }
0x25: {  	_ =	swait.ge [sflag:s23], $0x3000  }
0x26: {  	[sflag:s23] =	ssyncset.done $0x0  }
0x27: {  	[sflag:s23] =	ssyncadd.s32 $0xFFFFD000  }
0x28: {  	_ =	swait.ge [sflag:s23], $0x3000  }
0x29: {  	[sflag:s23] =	ssyncset.done $0x0  }
0x2a: {  	[sflag:s23] =	ssyncadd.s32 $0xFFFFD000  }
0x2b: {  	_ =	swait.ge [sflag:s23], $0x3000  }
0x2c: {  	[sflag:s23] =	ssyncset.done $0x0  }
0x2d: {  	[sflag:s23] =	ssyncadd.s32 $0xFFFFD000  }
0x2e: {  	_ =	swait.ge [sflag:s23], $0x3000  }
0x2f: {  	[sflag:s23] =	ssyncset.done $0x0  }
0x30: {  	s25 =	ssub.s32 $0x2, s25;
	[sflag:s23] =	ssyncadd.s32 $0xFFFFD000  }
0x31: {  	s28 =	sshrl.u32 s25, $0x1;
	_ =	swait.ge [sflag:s23], $0x3000  }
0x32: {  	s25 =	ssub.s32 s25, s28;
	[sflag:s23] =	ssyncset.done $0x0  }
0x33: {  	s26 =	smul.u32 $0x3600, s26;
	s25 =	smax.u32 s25, $0x1;
	[sflag:s23] =	ssyncadd.s32 $0xFFFFD000  }
0x34: {  	p0 =	sne.s32 s25, $0x1;
	_ =	swait.ge [sflag:s23], $0x3000  }
.Ltmp0:
0x35: {  	s24 =	sadd.s32 s26, s24;
	[sflag:s23] =	ssyncset.done $0x0;
	(pc) =	sbr.rel @!p0 .LBB2_2-.Ltmp0, $4  }
0x36: {  	s24 =	sadd.s32 $0x800, s24;
	[sflag:s23] =	ssyncadd.s32 $0xFFFFD000  }
0x37: {  	[hbm4b:s24+s2] =	stream.linear.scatter [tilespmem:s7], [sflag:$0x2], $0x1B000, $0x38;
	[tilespmem:$0x1B480] =	vst v63  }
0x38: {  	_ =	swait.ge [sflag:s3], $0x1B000  }
0x39: {  	s25 =	sadd.s32 $0xFFFFFFFF, s25;
	[sflag:s3] =	ssyncset.done $0x0  }
.LBB2_1:
0x3a: {  	p0 =	sne.s32 s25, $0x1;
	s25 =	sadd.s32 $0xFFFFFFFF, s25;
	[sflag:s3] =	ssyncadd.s32 $0xFFFE5000  }
0x3b: {  	[tilespmem:s2], [sflag:$0x2] =	stream.linear.gather [hbm4b:s4+s2], $0x480, $0x38;
	[tilespmem:$0x1B480] =	vst v63  }
0x3c: {  	_ =	swait.ge [sflag:s3], $0x480  }
0x3d: {  	[sflag:s3] =	ssyncset.done $0x0  }
0x3e: {  	[sflag:s3] =	ssyncadd.s32 $0xFFFFFB80  }
0x3f: {  	[tilespmem:s7], [sflag:$0x1] =	stream.indirect.gather [hbm4b:s5+s6], $0x60, s2, s6, $0xb8;
	[tilespmem:$0x1B480] =	vst v63  }
0x40: {  	_ = 	snop  }
0x41: {  	[tilespmem:s8], [sflag:$0x1] =	stream.indirect.gather [hbm4b:s5+s6], $0x60, s6, s6, $0xb8;
	[tilespmem:$0x1B480] =	vst v63  }
0x42: {  	_ = 	snop  }
0x43: {  	[tilespmem:s10], [sflag:$0x1] =	stream.indirect.gather [hbm4b:s5+s6], $0x60, s9, s6, $0xb8;
	[tilespmem:$0x1B480] =	vst v63  }
0x44: {  	_ = 	snop  }
0x45: {  	[tilespmem:s12], [sflag:$0x1] =	stream.indirect.gather [hbm4b:s5+s6], $0x60, s11, s6, $0xb8;
	[tilespmem:$0x1B480] =	vst v63  }
0x46: {  	_ = 	snop  }
0x47: {  	[tilespmem:s14], [sflag:$0x1] =	stream.indirect.gather [hbm4b:s5+s6], $0x60, s13, s6, $0xb8;
	[tilespmem:$0x1B480] =	vst v63  }
0x48: {  	_ = 	snop  }
0x49: {  	[tilespmem:s16], [sflag:$0x1] =	stream.indirect.gather [hbm4b:s5+s6], $0x60, s15, s6, $0xb8;
	[tilespmem:$0x1B480] =	vst v63  }
0x4a: {  	_ = 	snop  }
0x4b: {  	[tilespmem:s18], [sflag:$0x1] =	stream.indirect.gather [hbm4b:s5+s6], $0x60, s17, s6, $0xb8;
	[tilespmem:$0x1B480] =	vst v63  }
0x4c: {  	_ = 	snop  }
0x4d: {  	[tilespmem:s20], [sflag:$0x1] =	stream.indirect.gather [hbm4b:s5+s6], $0x60, s19, s6, $0xb8;
	[tilespmem:$0x1B480] =	vst v63  }
0x4e: {  	_ = 	snop  }
0x4f: {  	[tilespmem:s22], [sflag:$0x1] =	stream.indirect.gather [hbm4b:s5+s6], $0x60, s21, s6, $0xb8;
	[tilespmem:$0x1B480] =	vst v63  }
0x50: {  	_ =	swait.ge [sflag:s23], $0x3000  }
0x51: {  	[sflag:s23] =	ssyncset.done $0x0  }
0x52: {  	[sflag:s23] =	ssyncadd.s32 $0xFFFFD000  }
0x53: {  	_ =	swait.ge [sflag:s23], $0x3000  }
0x54: {  	[sflag:s23] =	ssyncset.done $0x0  }
0x55: {  	[sflag:s23] =	ssyncadd.s32 $0xFFFFD000  }
0x56: {  	_ =	swait.ge [sflag:s23], $0x3000  }
0x57: {  	[sflag:s23] =	ssyncset.done $0x0  }
0x58: {  	[sflag:s23] =	ssyncadd.s32 $0xFFFFD000  }
0x59: {  	_ =	swait.ge [sflag:s23], $0x3000  }
0x5a: {  	[sflag:s23] =	ssyncset.done $0x0  }
0x5b: {  	[sflag:s23] =	ssyncadd.s32 $0xFFFFD000  }
0x5c: {  	_ =	swait.ge [sflag:s23], $0x3000  }
0x5d: {  	[sflag:s23] =	ssyncset.done $0x0  }
0x5e: {  	[sflag:s23] =	ssyncadd.s32 $0xFFFFD000  }
0x5f: {  	_ =	swait.ge [sflag:s23], $0x3000  }
0x60: {  	[sflag:s23] =	ssyncset.done $0x0  }
0x61: {  	[sflag:s23] =	ssyncadd.s32 $0xFFFFD000  }
0x62: {  	_ =	swait.ge [sflag:s23], $0x3000  }
0x63: {  	[sflag:s23] =	ssyncset.done $0x0  }
0x64: {  	[sflag:s23] =	ssyncadd.s32 $0xFFFFD000  }
0x65: {  	_ =	swait.ge [sflag:s23], $0x3000  }
0x66: {  	[sflag:s23] =	ssyncset.done $0x0  }
0x67: {  	[sflag:s23] =	ssyncadd.s32 $0xFFFFD000  }
0x68: {  	_ =	swait.ge [sflag:s23], $0x3000  }
.Ltmp1:
0x69: {  	[sflag:s23] =	ssyncset.done $0x0;
	(pc) =	sbr.rel @p0 .LBB2_1-.Ltmp1, $4  }
0x6a: {  	[sflag:s23] =	ssyncadd.s32 $0xFFFFD000  }
0x6b: {  	[hbm4b:s24+s2] =	stream.linear.scatter [tilespmem:s7], [sflag:$0x2], $0x1B000, $0x38;
	[tilespmem:$0x1B480] =	vst v63  }
0x6c: {  	_ =	swait.ge [sflag:s3], $0x1B000  }
0x6d: {  	[sflag:s3] =	ssyncset.done $0x0  }
.LBB2_2:
0x6e: {  	[sflag:s3] =	ssyncadd.s32 $0xFFFE5000  }
0x6f: {  	_ =	sfence.sel $0x180000  }
0x70: {  	[bflag:$0x0] =	sbarrier.arrive $0xFFFF  }
0x71: {  	p0 =	sne.s32 s0, $0x0;
	_ =	strace $0x90000047  }
0x72: {  	s0 =	sadd.s32 @!p0 $0x100000, s1;
	[bflag:$0x2] =	sbarrier.arrive $0xFFFF  }
0x73: {  	[sflag:s0] =	ssyncadd.tile.s32 @!p0 $0x1;
	_ =	shalt  }
.Lfunc_end2:
_tile_overlayer_lowered:
.L_overlay_start_2:
0x74: {  	(tag) =	ssettag $0x2  }
0x75: {  	s0 =	rddreg [dreg:$0x0];
	s2 =	stileid.u32  }
0x76: {  	s1 =	rddreg [dreg:$0x1];
	p0 =	sne.s32 s2, $0x0  }
0x77: {  	s3 =	rddreg [dreg:$0x2];
	[bflag:$0x3] =	sbarrier.arrive $0xFFFF;
	s2 =	simm.s32 @!p0 $0x1C02  }
0x78: {  	[timem:s3], [sflag:s2] =	dma.local @!p0 [hbm:s0], s1  }
0x79: {  	s0 =	simm.s32 @!p0 $0x2  }
0x7a: {  	_ =	swait.ge @!p0 [sflag:s0], s1  }
0x7b: {  	s1 =	ssub.s32 @!p0 $0x0, s1;
	[sflag:s0] =	ssyncset.done @!p0 $0x0  }
0x7c: {  	[sflag:s0] =	ssyncadd.s32 @!p0 s1  }
0x7d: {  	[bflag:$0x3] =	sbarrier.arrive $0xFFFF  }
0x7e: {  	_ =	shalt  }

</sc_bundles>
